<compile_context>
chip_gen: v7x
topology: tpu7x:2x2x1
jax: 0.10.2.dev20260603
libtpu: 0.0.44.dev20260713+nightly
codegen_flags: <defaults>
</compile_context>

<pallas_src>
import functools

import jax
import jax.numpy as jnp
from jax import lax
from jax.experimental import pallas as pl
from jax.experimental.pallas import tpu as pltpu
from jax.experimental.pallas import tpu_sc as plsc

NC = 2
NS = 16
NW = NC * NS


def _make_edge_scatter(n, e, f, chunk):
    assert e % NW == 0
    epw = e // NW
    assert epw % chunk == 0 and chunk % 8 == 0 and chunk <= 128
    nchunks = epw // chunk
    nbuf = 5
    nring = 2 * nbuf
    rpt = (n // NS) & ~7
    rem = n - NS * rpt

    mesh = plsc.VectorSubcoreMesh(core_axis_name="c", subcore_axis_name="s")

    @functools.partial(
        pl.kernel,
        out_type=jax.ShapeDtypeStruct((NC, n, f), jnp.float32),
        mesh=mesh,
        scratch_types=[
            pltpu.VMEM((nchunks, chunk), jnp.int32),
            pltpu.VMEM((nchunks, chunk), jnp.int32),
            pltpu.VMEM((nring, chunk, f), jnp.float32),
            pltpu.VMEM_SHARED((n, f), jnp.float32),
            pltpu.SemaphoreType.DMA,
            pltpu.SemaphoreType.DMA,
        ],
        compiler_params=pltpu.CompilerParams(use_tc_tiling_on_sc=False),
    )
    def k(src_hbm, dst_hbm, h_hbm, zero_hbm, out_hbm, sidx, didx, rows, acc,
          gsem, ssem):
        c = lax.axis_index("c")
        s = lax.axis_index("s")
        wid = s * NC + c

        pltpu.sync_copy(src_hbm.at[wid], sidx)
        pltpu.sync_copy(dst_hbm.at[wid], didx)

        pltpu.sync_copy(zero_hbm.at[pl.ds(s * rpt, rpt)],
                        acc.at[pl.ds(s * rpt, rpt)])
        if rem:
            @pl.when(s == NS - 1)
            def _():
                pltpu.sync_copy(zero_hbm.at[pl.ds(NS * rpt, rem)],
                                acc.at[pl.ds(NS * rpt, rem)])
        plsc.subcore_barrier()

        for b in range(nbuf):
            pltpu.async_copy(h_hbm.at[sidx.at[b]], rows.at[b], gsem)

        def chunk_body(j, carry):
            slot = lax.rem(j, nring)
            pltpu.make_async_copy(h_hbm.at[sidx.at[j]], rows.at[slot],
                                  gsem).wait()
            pltpu.async_copy(rows.at[slot], acc.at[didx.at[j]], ssem,
                             add=True)

            @pl.when(j >= nbuf)
            def _():
                pltpu.make_async_copy(rows.at[slot], acc.at[didx.at[j]],
                                      ssem).wait()

            @pl.when(j + nbuf < nchunks)
            def _():
                pltpu.async_copy(h_hbm.at[sidx.at[j + nbuf]],
                                 rows.at[lax.rem(j + nbuf, nring)], gsem)
            return carry

        lax.fori_loop(0, nchunks, chunk_body, 0)
        for b in range(nbuf):
            pltpu.make_async_copy(rows.at[0], acc.at[didx.at[0]],
                                  ssem).wait()
        plsc.subcore_barrier()
        pltpu.sync_copy(acc.at[pl.ds(s * rpt, rpt)],
                        out_hbm.at[c, pl.ds(s * rpt, rpt)])
        if rem:
            @pl.when(s == NS - 1)
            def _():
                pltpu.sync_copy(acc.at[pl.ds(NS * rpt, rem)],
                                out_hbm.at[c, pl.ds(NS * rpt, rem)])

    return k


def _make_degree(n, e, chunk):
    assert e % NW == 0
    epw = e // NW
    assert epw % chunk == 0 and chunk % 8 == 0 and chunk <= 128
    nchunks = epw // chunk
    rpt = (n // NS) & ~7
    rem = n - NS * rpt
    f = 16

    mesh = plsc.VectorSubcoreMesh(core_axis_name="c", subcore_axis_name="s")

    @functools.partial(
        pl.kernel,
        out_type=jax.ShapeDtypeStruct((NC, n, f), jnp.float32),
        mesh=mesh,
        scratch_types=[
            pltpu.VMEM((nchunks, chunk), jnp.int32),
            pltpu.VMEM((chunk, f), jnp.float32),
            pltpu.VMEM_SHARED((n, f), jnp.float32),
            pltpu.SemaphoreType.DMA,
        ],
        compiler_params=pltpu.CompilerParams(use_tc_tiling_on_sc=False),
    )
    def k(dst_hbm, ones_hbm, zero_hbm, out_hbm, didx, ones_v, acc, ssem):
        c = lax.axis_index("c")
        s = lax.axis_index("s")
        wid = s * NC + c

        pltpu.sync_copy(dst_hbm.at[wid], didx)
        pltpu.sync_copy(ones_hbm, ones_v)
        pltpu.sync_copy(zero_hbm.at[pl.ds(s * rpt, rpt)],
                        acc.at[pl.ds(s * rpt, rpt)])
        if rem:
            @pl.when(s == NS - 1)
            def _():
                pltpu.sync_copy(zero_hbm.at[pl.ds(NS * rpt, rem)],
                                acc.at[pl.ds(NS * rpt, rem)])
        plsc.subcore_barrier()

        lag = 8

        def chunk_body(j, carry):
            pltpu.async_copy(ones_v, acc.at[didx.at[j]], ssem, add=True)

            @pl.when(j >= lag)
            def _():
                pltpu.make_async_copy(ones_v, acc.at[didx.at[j]],
                                      ssem).wait()
            return carry

        lax.fori_loop(0, nchunks, chunk_body, 0)
        for _ in range(min(lag, nchunks)):
            pltpu.make_async_copy(ones_v, acc.at[didx.at[0]],
                                  ssem).wait()
        plsc.subcore_barrier()
        pltpu.sync_copy(acc.at[pl.ds(s * rpt, rpt)],
                        out_hbm.at[c, pl.ds(s * rpt, rpt)])
        if rem:
            @pl.when(s == NS - 1)
            def _():
                pltpu.sync_copy(acc.at[pl.ds(NS * rpt, rem)],
                                out_hbm.at[c, pl.ds(NS * rpt, rem)])

    return k


def _tc_call(body, out_shapes):
    return pl.pallas_call(body, out_shape=out_shapes)


def _k_matmul1(x_ref, wbd_ref, g_ref):
    xp = jnp.reshape(x_ref[...], (x_ref.shape[0] // 256, 256))
    g = jnp.dot(xp, wbd_ref[...], preferred_element_type=jnp.float32)
    g_ref[...] = jnp.reshape(g, (-1,))


def _k_scale(degp_ref, g_ref, m64_ref, m32_ref, dinv64_ref, dinv32_ref,
             gs_ref):
    r = degp_ref.shape[0] // 256
    dd = jnp.reshape(degp_ref[...], (2 * r, 128))
    deg8 = dd[:r] + dd[r:]
    dinv8 = lax.rsqrt(1.0 + deg8)
    d64 = jnp.dot(dinv8, m64_ref[...], preferred_element_type=jnp.float32)
    d64 = jnp.reshape(d64, (-1,))
    d32 = jnp.dot(dinv8, m32_ref[...], preferred_element_type=jnp.float32)
    d32 = jnp.reshape(d32, (-1,))
    dinv64_ref[...] = d64
    dinv32_ref[...] = d32
    gs_ref[...] = d64 * g_ref[...]


def _combine(p_ref, gs_ref, dinvf_ref, bb):
    nf = gs_ref.shape[0]
    x = nf // 128
    p0 = jnp.reshape(p_ref[pl.ds(0, nf)], (x, 128))
    p1 = jnp.reshape(p_ref[pl.ds(nf, nf)], (x, 128))
    gs = jnp.reshape(gs_ref[...], (x, 128))
    dv = jnp.reshape(dinvf_ref[...], (x, 128))
    y = dv * (p0 + p1 + gs) + bb[None, :]
    return jnp.maximum(y, 0.0)


def _k_mid(p_ref, gs_ref, bb_ref, dinvf_ref, dinvo_ref, wbd_ref, gsn_ref,
           *, regroup):
    y = _combine(p_ref, gs_ref, dinvf_ref, bb_ref[...])
    if regroup:
        y = jnp.reshape(jnp.reshape(y, (-1,)), (y.shape[0] // 2, 256))
    h = jnp.dot(y, wbd_ref[...], preferred_element_type=jnp.float32)
    gsn_ref[...] = dinvo_ref[...] * jnp.reshape(h, (-1,))


def _k_last(p_ref, gs_ref, bb_ref, dinvf_ref, attbd_ref, g4_ref, g4t_ref,
            gsel_ref, gexp_ref, fc1w_ref, fc1b_ref, scw_ref, scb_ref,
            out_ref):
    h = _combine(p_ref, gs_ref, dinvf_ref, bb_ref[...])
    n = gs_ref.shape[0] // 32
    hw = jnp.dot(h, attbd_ref[...], preferred_element_type=jnp.float32)
    sp = jnp.sum(hw, axis=0)[None, :]
    gc = jnp.dot(sp, gsel_ref[...],
                 preferred_element_type=jnp.float32) * (1.0 / n)
    tg = jnp.tanh(gc)
    tgt = jnp.dot(tg, gexp_ref[...],
                  preferred_element_type=jnp.float32)
    s4 = jnp.dot(h * tgt, g4_ref[...],
                 preferred_element_type=jnp.float32)
    s4 = jax.nn.sigmoid(s4)
    s4e = jnp.dot(s4, g4t_ref[...],
                  preferred_element_type=jnp.float32)
    rep128 = jnp.sum(h * s4e, axis=0)[None, :]
    rep = jnp.dot(rep128, gsel_ref[...],
                  preferred_element_type=jnp.float32)
    s = jnp.dot(rep, fc1w_ref[...], preferred_element_type=jnp.float32)
    s = jnp.maximum(s + fc1b_ref[...][None, :], 0.0)
    s = jnp.dot(s, scw_ref[...], preferred_element_type=jnp.float32)
    s = s + scb_ref[...][None, :]
    m = jnp.max(s, axis=1, keepdims=True)
    out_ref[...] = s - m - jnp.log(
        jnp.sum(jnp.exp(s - m), axis=1, keepdims=True))


def kernel(adj, features, W1, b1, W2, b2, W3, b3, W4, b4, att_W, fc1_W,
           fc1_b, sc_W, sc_b):
    n, d = features.shape
    e = adj.shape[1]
    chunk = 80
    f32 = jnp.float32
    epw = e // NW
    src = adj[0].reshape(NW, epw // chunk, chunk)
    dst = adj[1].reshape(NW, epw // chunk, chunk)

    def bdiag(w, q):
        return jnp.kron(jnp.eye(q, dtype=f32), w)

    lanes = jnp.arange(128)
    m64 = (lanes[:, None] == (jnp.arange(512)[None, :] // 64) * 16).astype(f32)
    m32 = (lanes[:, None] == (jnp.arange(256)[None, :] // 32) * 16).astype(f32)
    g4 = (lanes[:, None] // 32 == jnp.arange(4)[None, :]).astype(f32)
    g4t = g4.T
    gsel = (lanes[:, None] % 32 == jnp.arange(32)[None, :]).astype(f32)
    gexp = gsel.T

    deg_k = _make_degree(n, e, chunk)
    degp = deg_k(dst, jnp.ones((chunk, 16), f32),
                 jnp.zeros((n * 16,), f32).reshape(n, 16))

    g1 = _tc_call(
        _k_matmul1, jax.ShapeDtypeStruct((n * W1.shape[1],), f32)
    )(features.reshape(-1), bdiag(W1, 2))

    dinv64, dinv32, gs = _tc_call(
        _k_scale,
        (jax.ShapeDtypeStruct((n * 64,), f32),
         jax.ShapeDtypeStruct((n * 32,), f32),
         jax.ShapeDtypeStruct((n * W1.shape[1],), f32)),
    )(degp.reshape(-1), g1, m64, m32)

    layers = [
        (b1, bdiag(W2, 2), 64, 64, False),
        (b2, bdiag(W3, 4), 64, 32, True),
        (b3, bdiag(W4, 4), 32, 32, False),
    ]
    dinv_of = {64: dinv64, 32: dinv32}
    for b, wbd, f, fn, regroup in layers:
        scat = _make_edge_scatter(n, e, f, chunk)
        p = scat(src, dst, gs.reshape(n, f),
                 jnp.zeros((n * f,), f32).reshape(n, f))
        gs = _tc_call(
            functools.partial(_k_mid, regroup=regroup),
            jax.ShapeDtypeStruct((n * fn,), f32),
        )(p.reshape(-1), gs, jnp.tile(b, 128 // f), dinv_of[f],
          dinv_of[fn], wbd)

    f = b4.shape[0]
    scat = _make_edge_scatter(n, e, f, chunk)
    p = scat(src, dst, gs.reshape(n, f),
             jnp.zeros((n * f,), f32).reshape(n, f))
    out = _tc_call(
        _k_last, jax.ShapeDtypeStruct((1, sc_W.shape[1]), f32)
    )(p.reshape(-1), gs, jnp.tile(b4, 128 // f), dinv_of[f],
      bdiag(att_W, 4), g4, g4t, gsel, gexp, fc1_W, fc1_b, sc_W, sc_b)
    return out

# --- scband reference (transcript-rebuilt; emitter-appended) ---
"""Pipeline reference for scband-gcn-cn-v2-67937792688713 (READ-ONLY COPY).

The authoritative reference and input builder live on the scoring server;
editing this copy changes nothing except your own understanding.
"""

import jax, jax.numpy as jnp
import numpy as np

N = 10000
E = 320000
D = 128
F1, F2, F3, F4 = 64, 64, 32, 32
BOTTLE = 16
NUM_CLASSES = 10


def _glorot(key, shape):
    fan_in, fan_out = shape[0], shape[1]
    limit = np.sqrt(6.0 / (fan_in + fan_out))
    return jax.random.uniform(key, shape, dtype=jnp.float32, minval=-limit, maxval=limit)


def setup_inputs(seed: int = 0) -> dict:
    key = jax.random.key(seed)
    ks = jax.random.split(key, 16)
    features = jax.random.normal(ks[0], (N, D), dtype=jnp.float32)
    adj = jax.random.randint(ks[1], (2, E), 0, N, dtype=jnp.int32)
    return {
        "adj": adj,
        "features": features,
        "W1": _glorot(ks[2], (D, F1)),
        "b1": jnp.zeros((F1,), jnp.float32),
        "W2": _glorot(ks[3], (F1, F2)),
        "b2": jnp.zeros((F2,), jnp.float32),
        "W3": _glorot(ks[4], (F2, F3)),
        "b3": jnp.zeros((F3,), jnp.float32),
        "W4": _glorot(ks[5], (F3, F4)),
        "b4": jnp.zeros((F4,), jnp.float32),
        "att_W": _glorot(ks[6], (F4, F4)),
        "fc1_W": _glorot(ks[7], (F4, BOTTLE)),
        "fc1_b": jnp.zeros((BOTTLE,), jnp.float32),
        "sc_W": _glorot(ks[8], (BOTTLE, NUM_CLASSES)),
        "sc_b": jnp.zeros((NUM_CLASSES,), jnp.float32),
    }


def reference(adj, features, W1, b1, W2, b2, W3, b3, W4, b4, att_W, fc1_W, fc1_b, sc_W, sc_b):
    n = features.shape[0]
    # GCNConv: add self-loops, symmetric normalization D^-1/2 A D^-1/2
    loop = jnp.arange(n, dtype=adj.dtype)
    src = jnp.concatenate([adj[0], loop])
    dst = jnp.concatenate([adj[1], loop])
    deg = jnp.zeros((n,), jnp.float32).at[dst].add(1.0)
    dinv = jnp.where(deg > 0, jax.lax.rsqrt(jnp.maximum(deg, 1e-12)), 0.0)
    norm = dinv[src] * dinv[dst]

    def gcn(x, W, b):
        h = x @ W
        msg = h[src] * norm[:, None]
        out = jnp.zeros((n, W.shape[1]), x.dtype).at[dst].add(msg)
        return out + b

    h = jax.nn.relu(gcn(features, W1, b1))
    h = jax.nn.relu(gcn(h, W2, b2))
    h = jax.nn.relu(gcn(h, W3, b3))
    h = jax.nn.relu(gcn(h, W4, b4))

    # AttentionModule graph-level pooling
    global_context = jnp.mean(h @ att_W, axis=0)
    transformed_global = jnp.tanh(global_context)
    sigmoid_scores = jax.nn.sigmoid(h @ transformed_global[:, None])  # [N, 1]
    representation = h.T @ sigmoid_scores  # [F4, 1]

    pooled = representation.T  # [1, F4]
    s = jax.nn.relu(pooled @ fc1_W + fc1_b)
    s = s @ sc_W + sc_b
    return jax.nn.log_softmax(s, axis=1)

if __name__ == "__main__":
    import jax
    _d = setup_inputs()
    print(jax.jit(kernel)(*tuple(_d.values())))

</pallas_src>

<mosaic_0001>
#map = affine_map<(d0, d1) -> (0, 0, 0)>
#map1 = affine_map<(d0, d1) -> (0, 0)>
module attributes {stable_mosaic.version = 14 : i64} {
  func.func @k(%arg0: i32, %arg1: i32, %arg2: memref<32x125x80xi32, #tpu.memory_space<hbm>>, %arg3: memref<80x16xf32, #tpu.memory_space<hbm>>, %arg4: memref<10000x16xf32, #tpu.memory_space<hbm>>, %arg5: memref<2x10000x16xf32, #tpu.memory_space<hbm>>, %arg6: memref<125x80xi32, #tpu.memory_space<vmem>>, %arg7: memref<80x16xf32, #tpu.memory_space<vmem>>, %arg8: memref<10000x16xf32, #tpu.memory_space<vmem_shared>>, %arg9: memref<!tpu.dma_semaphore, #tpu.memory_space<semaphore_mem>>) attributes {dimension_semantics = [#tpu.dimension_semantics<core_parallel>, #tpu.dimension_semantics<subcore_parallel>], iteration_bounds = array<i64: 2, 16>, scalar_prefetch = 0 : i64, scratch_operands = 4 : i64, tpu.core_type = #tpu.core_type<sc_vector_subcore>, window_params = [{transform_indices = #map}, {transform_indices = #map1}, {transform_indices = #map1}, {transform_indices = #map}]} {
    %mul3A = arith.constant 2 : i32
    %mul3A_0 = arith.muli %arg1, %mul3A : i32
    %add3A = arith.addi %mul3A_0, %arg0 : i32
    "tpu.region"() ({
      %run_scoped3A = tpu.sem_alloc : memref<!tpu.dma_semaphore, #tpu.memory_space<semaphore_mem>>
      %dma_start3A = arith.constant 0 : i32
      %dma_start3A_77 = arith.constant 0 : i32
      %dma_start3A_78 = tpu.memref_slice %arg2[%add3A, %dma_start3A, %dma_start3A_77] : memref<32x125x80xi32, #tpu.memory_space<hbm>> -> memref<1x125x80xi32, #tpu.memory_space<hbm>>
      %dma_start3A_79 = tpu.memref_squeeze %dma_start3A_78 : memref<1x125x80xi32, #tpu.memory_space<hbm>> -> memref<125x80xi32, #tpu.memory_space<hbm>>
      %dma_start3A_80 = arith.constant 0 : i32
      %dma_start3A_81 = arith.constant 0 : i32
      %dma_start3A_82 = tpu.memref_slice %arg2[%add3A, %dma_start3A_80, %dma_start3A_81] : memref<32x125x80xi32, #tpu.memory_space<hbm>> -> memref<1x125x80xi32, #tpu.memory_space<hbm>>
      %dma_start3A_83 = tpu.memref_squeeze %dma_start3A_82 : memref<1x125x80xi32, #tpu.memory_space<hbm>> -> memref<125x80xi32, #tpu.memory_space<hbm>>
      tpu.enqueue_dma source(%dma_start3A_83 : memref<125x80xi32, #tpu.memory_space<hbm>>) target(%arg6 : memref<125x80xi32, #tpu.memory_space<vmem>>) target_semaphore(%run_scoped3A : memref<!tpu.dma_semaphore, #tpu.memory_space<semaphore_mem>>)
      %dma_wait3A_84 = arith.constant 0 : i32
      %dma_wait3A_85 = arith.constant 0 : i32
      %dma_wait3A_86 = tpu.memref_slice %arg2[%add3A, %dma_wait3A_84, %dma_wait3A_85] : memref<32x125x80xi32, #tpu.memory_space<hbm>> -> memref<1x125x80xi32, #tpu.memory_space<hbm>>
      %dma_wait3A_87 = tpu.memref_squeeze %dma_wait3A_86 : memref<1x125x80xi32, #tpu.memory_space<hbm>> -> memref<125x80xi32, #tpu.memory_space<hbm>>
      %dma_wait3A_88 = arith.constant 0 : i32
      %dma_wait3A_89 = arith.constant 0 : i32
      %dma_wait3A_90 = tpu.memref_slice %arg2[%add3A, %dma_wait3A_88, %dma_wait3A_89] : memref<32x125x80xi32, #tpu.memory_space<hbm>> -> memref<1x125x80xi32, #tpu.memory_space<hbm>>
      %dma_wait3A_91 = tpu.memref_squeeze %dma_wait3A_90 : memref<1x125x80xi32, #tpu.memory_space<hbm>> -> memref<125x80xi32, #tpu.memory_space<hbm>>
      tpu.wait_dma2 semaphore(%run_scoped3A : memref<!tpu.dma_semaphore, #tpu.memory_space<semaphore_mem>>) src(%dma_wait3A_91 : memref<125x80xi32, #tpu.memory_space<hbm>>) dst(%arg6 : memref<125x80xi32, #tpu.memory_space<vmem>>)
      tpu.yield
    }) : () -> ()
    "tpu.region"() ({
      %run_scoped3A = tpu.sem_alloc : memref<!tpu.dma_semaphore, #tpu.memory_space<semaphore_mem>>
      tpu.enqueue_dma source(%arg3 : memref<80x16xf32, #tpu.memory_space<hbm>>) target(%arg7 : memref<80x16xf32, #tpu.memory_space<vmem>>) target_semaphore(%run_scoped3A : memref<!tpu.dma_semaphore, #tpu.memory_space<semaphore_mem>>)
      tpu.wait_dma2 semaphore(%run_scoped3A : memref<!tpu.dma_semaphore, #tpu.memory_space<semaphore_mem>>) src(%arg3 : memref<80x16xf32, #tpu.memory_space<hbm>>) dst(%arg7 : memref<80x16xf32, #tpu.memory_space<vmem>>)
      tpu.yield
    }) : () -> ()
    %mul3A_1 = arith.constant 624 : i32
    %mul3A_2 = arith.muli %arg1, %mul3A_1 : i32
    %mul3A_3 = arith.constant 624 : i32
    %mul3A_4 = arith.muli %arg1, %mul3A_3 : i32
    "tpu.region"() ({
      %run_scoped3A = tpu.sem_alloc : memref<!tpu.dma_semaphore, #tpu.memory_space<semaphore_mem>>
      %dma_start3A = arith.constant 0 : i32
      %dma_start3A_77 = tpu.memref_slice %arg8[%mul3A_4, %dma_start3A] : memref<10000x16xf32, #tpu.memory_space<vmem_shared>> -> memref<624x16xf32, #tpu.memory_space<vmem_shared>>
      %dma_start3A_78 = arith.constant 0 : i32
      %dma_start3A_79 = tpu.memref_slice %arg4[%mul3A_2, %dma_start3A_78] : memref<10000x16xf32, #tpu.memory_space<hbm>> -> memref<624x16xf32, #tpu.memory_space<hbm>>
      tpu.enqueue_dma source(%dma_start3A_79 : memref<624x16xf32, #tpu.memory_space<hbm>>) target(%dma_start3A_77 : memref<624x16xf32, #tpu.memory_space<vmem_shared>>) target_semaphore(%run_scoped3A : memref<!tpu.dma_semaphore, #tpu.memory_space<semaphore_mem>>)
      %dma_wait3A_80 = arith.constant 0 : i32
      %dma_wait3A_81 = tpu.memref_slice %arg8[%mul3A_4, %dma_wait3A_80] : memref<10000x16xf32, #tpu.memory_space<vmem_shared>> -> memref<624x16xf32, #tpu.memory_space<vmem_shared>>
      %dma_wait3A_82 = arith.constant 0 : i32
      %dma_wait3A_83 = tpu.memref_slice %arg4[%mul3A_2, %dma_wait3A_82] : memref<10000x16xf32, #tpu.memory_space<hbm>> -> memref<624x16xf32, #tpu.memory_space<hbm>>
      tpu.wait_dma2 semaphore(%run_scoped3A : memref<!tpu.dma_semaphore, #tpu.memory_space<semaphore_mem>>) src(%dma_wait3A_83 : memref<624x16xf32, #tpu.memory_space<hbm>>) dst(%dma_wait3A_81 : memref<624x16xf32, #tpu.memory_space<vmem_shared>>)
      tpu.yield
    }) : () -> ()
    %eq3A = arith.constant 15 : i32
    %eq3A_5 = arith.cmpi eq, %arg1, %eq3A : i32
    %convert_element_type3A = arith.extui %eq3A_5 : i1 to i32
    %cond3A = arith.constant 0 : i32
    %cond3A_6 = arith.cmpi ne, %convert_element_type3A, %cond3A : i32
    scf.if %cond3A_6 {
      "tpu.region"() ({
        %run_scoped3A = tpu.sem_alloc : memref<!tpu.dma_semaphore, #tpu.memory_space<semaphore_mem>>
        %dma_start3A = arith.constant 9984 : i32
        %dma_start3A_77 = arith.constant 0 : i32
        %dma_start3A_78 = tpu.memref_slice %arg8[%dma_start3A, %dma_start3A_77] : memref<10000x16xf32, #tpu.memory_space<vmem_shared>> -> memref<16x16xf32, #tpu.memory_space<vmem_shared>>
        %dma_start3A_79 = arith.constant 9984 : i32
        %dma_start3A_80 = arith.constant 0 : i32
        %dma_start3A_81 = tpu.memref_slice %arg4[%dma_start3A_79, %dma_start3A_80] : memref<10000x16xf32, #tpu.memory_space<hbm>> -> memref<16x16xf32, #tpu.memory_space<hbm>>
        tpu.enqueue_dma source(%dma_start3A_81 : memref<16x16xf32, #tpu.memory_space<hbm>>) target(%dma_start3A_78 : memref<16x16xf32, #tpu.memory_space<vmem_shared>>) target_semaphore(%run_scoped3A : memref<!tpu.dma_semaphore, #tpu.memory_space<semaphore_mem>>)
        %dma_wait3A_82 = arith.constant 9984 : i32
        %dma_wait3A_83 = arith.constant 0 : i32
        %dma_wait3A_84 = tpu.memref_slice %arg8[%dma_wait3A_82, %dma_wait3A_83] : memref<10000x16xf32, #tpu.memory_space<vmem_shared>> -> memref<16x16xf32, #tpu.memory_space<vmem_shared>>
        %dma_wait3A_85 = arith.constant 9984 : i32
        %dma_wait3A_86 = arith.constant 0 : i32
        %dma_wait3A_87 = tpu.memref_slice %arg4[%dma_wait3A_85, %dma_wait3A_86] : memref<10000x16xf32, #tpu.memory_space<hbm>> -> memref<16x16xf32, #tpu.memory_space<hbm>>
        tpu.wait_dma2 semaphore(%run_scoped3A : memref<!tpu.dma_semaphore, #tpu.memory_space<semaphore_mem>>) src(%dma_wait3A_87 : memref<16x16xf32, #tpu.memory_space<hbm>>) dst(%dma_wait3A_84 : memref<16x16xf32, #tpu.memory_space<vmem_shared>>)
        tpu.yield
      }) : () -> ()
    } else {
    }
    %barrier3A = arith.constant 0 : index
    tpu.barrier barrier_id(%barrier3A)
    %scan3A = arith.constant 0 : i32
    %scan3A_7 = arith.constant 0 : i32
    %scan3A_8 = arith.constant 125 : i32
    %scan3A_9 = arith.addi %scan3A_7, %scan3A_8 : i32
    %scan3A_10 = arith.constant 1 : i32
    scf.for %scan3A_77 = %scan3A_7 to %scan3A_9 step %scan3A_10  : i32 {
      %dma_start3A = arith.constant 0 : i32
      %dma_start3A_78 = tpu.memref_slice %arg6[%scan3A_77, %dma_start3A] : memref<125x80xi32, #tpu.memory_space<vmem>> -> memref<1x80xi32, #tpu.memory_space<vmem>>
      %dma_start3A_79 = tpu.memref_squeeze %dma_start3A_78 : memref<1x80xi32, #tpu.memory_space<vmem>> -> memref<80xi32, #tpu.memory_space<vmem>>
      %dma_start3A_80 = arith.constant 0 : i32
      %dma_start3A_81 = arith.constant 0 : i32
      %dma_start3A_82 = tpu.memref_slice %arg8[%dma_start3A_80, %dma_start3A_81] : memref<10000x16xf32, #tpu.memory_space<vmem_shared>> -> memref<10000x16xf32, #tpu.memory_space<vmem_shared>>
      tpu.enqueue_indirect_dma source(%arg7 : memref<80x16xf32, #tpu.memory_space<vmem>>) target(%dma_start3A_82 : memref<10000x16xf32, #tpu.memory_space<vmem_shared>>) offsets(%dma_start3A_79 : memref<80xi32, #tpu.memory_space<vmem>>) semaphore(%arg9 : memref<!tpu.dma_semaphore, #tpu.memory_space<semaphore_mem>>) {add = true}
      %ge3A = arith.constant 8 : i32
      %ge3A_83 = arith.cmpi sge, %scan3A_77, %ge3A : i32
      %convert_element_type3A_84 = arith.extui %ge3A_83 : i1 to i32
      %cond3A_85 = arith.constant 0 : i32
      %cond3A_86 = arith.cmpi ne, %convert_element_type3A_84, %cond3A_85 : i32
      scf.if %cond3A_86 {
        %dma_wait3A_87 = arith.constant 0 : i32
        %dma_wait3A_88 = tpu.memref_slice %arg6[%scan3A_77, %dma_wait3A_87] : memref<125x80xi32, #tpu.memory_space<vmem>> -> memref<1x80xi32, #tpu.memory_space<vmem>>
        %dma_wait3A_89 = tpu.memref_squeeze %dma_wait3A_88 : memref<1x80xi32, #tpu.memory_space<vmem>> -> memref<80xi32, #tpu.memory_space<vmem>>
        %dma_wait3A_90 = arith.constant 0 : i32
        %dma_wait3A_91 = arith.constant 0 : i32
        %dma_wait3A_92 = tpu.memref_slice %arg8[%dma_wait3A_90, %dma_wait3A_91] : memref<10000x16xf32, #tpu.memory_space<vmem_shared>> -> memref<10000x16xf32, #tpu.memory_space<vmem_shared>>
        tpu.wait_indirect_dma semaphore(%arg9 : memref<!tpu.dma_semaphore, #tpu.memory_space<semaphore_mem>>) src(%arg7 : memref<80x16xf32, #tpu.memory_space<vmem>>) dst(%dma_wait3A_92 : memref<10000x16xf32, #tpu.memory_space<vmem_shared>>)
      } else {
      }
    }
    %scan3A_11 = arith.constant 125 : i32
    %dma_wait3A = arith.constant 0 : i32
    %dma_wait3A_12 = arith.constant 0 : i32
    %dma_wait3A_13 = tpu.memref_slice %arg6[%dma_wait3A, %dma_wait3A_12] : memref<125x80xi32, #tpu.memory_space<vmem>> -> memref<1x80xi32, #tpu.memory_space<vmem>>
    %dma_wait3A_14 = tpu.memref_squeeze %dma_wait3A_13 : memref<1x80xi32, #tpu.memory_space<vmem>> -> memref<80xi32, #tpu.memory_space<vmem>>
    %dma_wait3A_15 = arith.constant 0 : i32
    %dma_wait3A_16 = arith.constant 0 : i32
    %dma_wait3A_17 = tpu.memref_slice %arg8[%dma_wait3A_15, %dma_wait3A_16] : memref<10000x16xf32, #tpu.memory_space<vmem_shared>> -> memref<10000x16xf32, #tpu.memory_space<vmem_shared>>
    tpu.wait_indirect_dma semaphore(%arg9 : memref<!tpu.dma_semaphore, #tpu.memory_space<semaphore_mem>>) src(%arg7 : memref<80x16xf32, #tpu.memory_space<vmem>>) dst(%dma_wait3A_17 : memref<10000x16xf32, #tpu.memory_space<vmem_shared>>)
    %dma_wait3A_18 = arith.constant 0 : i32
    %dma_wait3A_19 = arith.constant 0 : i32
    %dma_wait3A_20 = tpu.memref_slice %arg6[%dma_wait3A_18, %dma_wait3A_19] : memref<125x80xi32, #tpu.memory_space<vmem>> -> memref<1x80xi32, #tpu.memory_space<vmem>>
    %dma_wait3A_21 = tpu.memref_squeeze %dma_wait3A_20 : memref<1x80xi32, #tpu.memory_space<vmem>> -> memref<80xi32, #tpu.memory_space<vmem>>
    %dma_wait3A_22 = arith.constant 0 : i32
    %dma_wait3A_23 = arith.constant 0 : i32
    %dma_wait3A_24 = tpu.memref_slice %arg8[%dma_wait3A_22, %dma_wait3A_23] : memref<10000x16xf32, #tpu.memory_space<vmem_shared>> -> memref<10000x16xf32, #tpu.memory_space<vmem_shared>>
    tpu.wait_indirect_dma semaphore(%arg9 : memref<!tpu.dma_semaphore, #tpu.memory_space<semaphore_mem>>) src(%arg7 : memref<80x16xf32, #tpu.memory_space<vmem>>) dst(%dma_wait3A_24 : memref<10000x16xf32, #tpu.memory_space<vmem_shared>>)
    %dma_wait3A_25 = arith.constant 0 : i32
    %dma_wait3A_26 = arith.constant 0 : i32
    %dma_wait3A_27 = tpu.memref_slice %arg6[%dma_wait3A_25, %dma_wait3A_26] : memref<125x80xi32, #tpu.memory_space<vmem>> -> memref<1x80xi32, #tpu.memory_space<vmem>>
    %dma_wait3A_28 = tpu.memref_squeeze %dma_wait3A_27 : memref<1x80xi32, #tpu.memory_space<vmem>> -> memref<80xi32, #tpu.memory_space<vmem>>
    %dma_wait3A_29 = arith.constant 0 : i32
    %dma_wait3A_30 = arith.constant 0 : i32
    %dma_wait3A_31 = tpu.memref_slice %arg8[%dma_wait3A_29, %dma_wait3A_30] : memref<10000x16xf32, #tpu.memory_space<vmem_shared>> -> memref<10000x16xf32, #tpu.memory_space<vmem_shared>>
    tpu.wait_indirect_dma semaphore(%arg9 : memref<!tpu.dma_semaphore, #tpu.memory_space<semaphore_mem>>) src(%arg7 : memref<80x16xf32, #tpu.memory_space<vmem>>) dst(%dma_wait3A_31 : memref<10000x16xf32, #tpu.memory_space<vmem_shared>>)
    %dma_wait3A_32 = arith.constant 0 : i32
    %dma_wait3A_33 = arith.constant 0 : i32
    %dma_wait3A_34 = tpu.memref_slice %arg6[%dma_wait3A_32, %dma_wait3A_33] : memref<125x80xi32, #tpu.memory_space<vmem>> -> memref<1x80xi32, #tpu.memory_space<vmem>>
    %dma_wait3A_35 = tpu.memref_squeeze %dma_wait3A_34 : memref<1x80xi32, #tpu.memory_space<vmem>> -> memref<80xi32, #tpu.memory_space<vmem>>
    %dma_wait3A_36 = arith.constant 0 : i32
    %dma_wait3A_37 = arith.constant 0 : i32
    %dma_wait3A_38 = tpu.memref_slice %arg8[%dma_wait3A_36, %dma_wait3A_37] : memref<10000x16xf32, #tpu.memory_space<vmem_shared>> -> memref<10000x16xf32, #tpu.memory_space<vmem_shared>>
    tpu.wait_indirect_dma semaphore(%arg9 : memref<!tpu.dma_semaphore, #tpu.memory_space<semaphore_mem>>) src(%arg7 : memref<80x16xf32, #tpu.memory_space<vmem>>) dst(%dma_wait3A_38 : memref<10000x16xf32, #tpu.memory_space<vmem_shared>>)
    %dma_wait3A_39 = arith.constant 0 : i32
    %dma_wait3A_40 = arith.constant 0 : i32
    %dma_wait3A_41 = tpu.memref_slice %arg6[%dma_wait3A_39, %dma_wait3A_40] : memref<125x80xi32, #tpu.memory_space<vmem>> -> memref<1x80xi32, #tpu.memory_space<vmem>>
    %dma_wait3A_42 = tpu.memref_squeeze %dma_wait3A_41 : memref<1x80xi32, #tpu.memory_space<vmem>> -> memref<80xi32, #tpu.memory_space<vmem>>
    %dma_wait3A_43 = arith.constant 0 : i32
    %dma_wait3A_44 = arith.constant 0 : i32
    %dma_wait3A_45 = tpu.memref_slice %arg8[%dma_wait3A_43, %dma_wait3A_44] : memref<10000x16xf32, #tpu.memory_space<vmem_shared>> -> memref<10000x16xf32, #tpu.memory_space<vmem_shared>>
    tpu.wait_indirect_dma semaphore(%arg9 : memref<!tpu.dma_semaphore, #tpu.memory_space<semaphore_mem>>) src(%arg7 : memref<80x16xf32, #tpu.memory_space<vmem>>) dst(%dma_wait3A_45 : memref<10000x16xf32, #tpu.memory_space<vmem_shared>>)
    %dma_wait3A_46 = arith.constant 0 : i32
    %dma_wait3A_47 = arith.constant 0 : i32
    %dma_wait3A_48 = tpu.memref_slice %arg6[%dma_wait3A_46, %dma_wait3A_47] : memref<125x80xi32, #tpu.memory_space<vmem>> -> memref<1x80xi32, #tpu.memory_space<vmem>>
    %dma_wait3A_49 = tpu.memref_squeeze %dma_wait3A_48 : memref<1x80xi32, #tpu.memory_space<vmem>> -> memref<80xi32, #tpu.memory_space<vmem>>
    %dma_wait3A_50 = arith.constant 0 : i32
    %dma_wait3A_51 = arith.constant 0 : i32
    %dma_wait3A_52 = tpu.memref_slice %arg8[%dma_wait3A_50, %dma_wait3A_51] : memref<10000x16xf32, #tpu.memory_space<vmem_shared>> -> memref<10000x16xf32, #tpu.memory_space<vmem_shared>>
    tpu.wait_indirect_dma semaphore(%arg9 : memref<!tpu.dma_semaphore, #tpu.memory_space<semaphore_mem>>) src(%arg7 : memref<80x16xf32, #tpu.memory_space<vmem>>) dst(%dma_wait3A_52 : memref<10000x16xf32, #tpu.memory_space<vmem_shared>>)
    %dma_wait3A_53 = arith.constant 0 : i32
    %dma_wait3A_54 = arith.constant 0 : i32
    %dma_wait3A_55 = tpu.memref_slice %arg6[%dma_wait3A_53, %dma_wait3A_54] : memref<125x80xi32, #tpu.memory_space<vmem>> -> memref<1x80xi32, #tpu.memory_space<vmem>>
    %dma_wait3A_56 = tpu.memref_squeeze %dma_wait3A_55 : memref<1x80xi32, #tpu.memory_space<vmem>> -> memref<80xi32, #tpu.memory_space<vmem>>
    %dma_wait3A_57 = arith.constant 0 : i32
    %dma_wait3A_58 = arith.constant 0 : i32
    %dma_wait3A_59 = tpu.memref_slice %arg8[%dma_wait3A_57, %dma_wait3A_58] : memref<10000x16xf32, #tpu.memory_space<vmem_shared>> -> memref<10000x16xf32, #tpu.memory_space<vmem_shared>>
    tpu.wait_indirect_dma semaphore(%arg9 : memref<!tpu.dma_semaphore, #tpu.memory_space<semaphore_mem>>) src(%arg7 : memref<80x16xf32, #tpu.memory_space<vmem>>) dst(%dma_wait3A_59 : memref<10000x16xf32, #tpu.memory_space<vmem_shared>>)
    %dma_wait3A_60 = arith.constant 0 : i32
    %dma_wait3A_61 = arith.constant 0 : i32
    %dma_wait3A_62 = tpu.memref_slice %arg6[%dma_wait3A_60, %dma_wait3A_61] : memref<125x80xi32, #tpu.memory_space<vmem>> -> memref<1x80xi32, #tpu.memory_space<vmem>>
    %dma_wait3A_63 = tpu.memref_squeeze %dma_wait3A_62 : memref<1x80xi32, #tpu.memory_space<vmem>> -> memref<80xi32, #tpu.memory_space<vmem>>
    %dma_wait3A_64 = arith.constant 0 : i32
    %dma_wait3A_65 = arith.constant 0 : i32
    %dma_wait3A_66 = tpu.memref_slice %arg8[%dma_wait3A_64, %dma_wait3A_65] : memref<10000x16xf32, #tpu.memory_space<vmem_shared>> -> memref<10000x16xf32, #tpu.memory_space<vmem_shared>>
    tpu.wait_indirect_dma semaphore(%arg9 : memref<!tpu.dma_semaphore, #tpu.memory_space<semaphore_mem>>) src(%arg7 : memref<80x16xf32, #tpu.memory_space<vmem>>) dst(%dma_wait3A_66 : memref<10000x16xf32, #tpu.memory_space<vmem_shared>>)
    %barrier3A_67 = arith.constant 0 : index
    tpu.barrier barrier_id(%barrier3A_67)
    %mul3A_68 = arith.constant 624 : i32
    %mul3A_69 = arith.muli %arg1, %mul3A_68 : i32
    %mul3A_70 = arith.constant 624 : i32
    %mul3A_71 = arith.muli %arg1, %mul3A_70 : i32
    "tpu.region"() ({
      %run_scoped3A = tpu.sem_alloc : memref<!tpu.dma_semaphore, #tpu.memory_space<semaphore_mem>>
      %dma_start3A = arith.constant 0 : i32
      %dma_start3A_77 = tpu.memref_slice %arg5[%arg0, %mul3A_71, %dma_start3A] : memref<2x10000x16xf32, #tpu.memory_space<hbm>> -> memref<1x624x16xf32, #tpu.memory_space<hbm>>
      %dma_start3A_78 = tpu.memref_squeeze %dma_start3A_77 : memref<1x624x16xf32, #tpu.memory_space<hbm>> -> memref<624x16xf32, #tpu.memory_space<hbm>>
      %dma_start3A_79 = arith.constant 0 : i32
      %dma_start3A_80 = tpu.memref_slice %arg8[%mul3A_69, %dma_start3A_79] : memref<10000x16xf32, #tpu.memory_space<vmem_shared>> -> memref<624x16xf32, #tpu.memory_space<vmem_shared>>
      tpu.enqueue_dma source(%dma_start3A_80 : memref<624x16xf32, #tpu.memory_space<vmem_shared>>) target(%dma_start3A_78 : memref<624x16xf32, #tpu.memory_space<hbm>>) target_semaphore(%run_scoped3A : memref<!tpu.dma_semaphore, #tpu.memory_space<semaphore_mem>>)
      %dma_wait3A_81 = arith.constant 0 : i32
      %dma_wait3A_82 = tpu.memref_slice %arg5[%arg0, %mul3A_71, %dma_wait3A_81] : memref<2x10000x16xf32, #tpu.memory_space<hbm>> -> memref<1x624x16xf32, #tpu.memory_space<hbm>>
      %dma_wait3A_83 = tpu.memref_squeeze %dma_wait3A_82 : memref<1x624x16xf32, #tpu.memory_space<hbm>> -> memref<624x16xf32, #tpu.memory_space<hbm>>
      %dma_wait3A_84 = arith.constant 0 : i32
      %dma_wait3A_85 = tpu.memref_slice %arg8[%mul3A_69, %dma_wait3A_84] : memref<10000x16xf32, #tpu.memory_space<vmem_shared>> -> memref<624x16xf32, #tpu.memory_space<vmem_shared>>
      tpu.wait_dma2 semaphore(%run_scoped3A : memref<!tpu.dma_semaphore, #tpu.memory_space<semaphore_mem>>) src(%dma_wait3A_85 : memref<624x16xf32, #tpu.memory_space<vmem_shared>>) dst(%dma_wait3A_83 : memref<624x16xf32, #tpu.memory_space<hbm>>)
      tpu.yield
    }) : () -> ()
    %eq3A_72 = arith.constant 15 : i32
    %eq3A_73 = arith.cmpi eq, %arg1, %eq3A_72 : i32
    %convert_element_type3A_74 = arith.extui %eq3A_73 : i1 to i32
    %cond3A_75 = arith.constant 0 : i32
    %cond3A_76 = arith.cmpi ne, %convert_element_type3A_74, %cond3A_75 : i32
    scf.if %cond3A_76 {
      "tpu.region"() ({
        %run_scoped3A = tpu.sem_alloc : memref<!tpu.dma_semaphore, #tpu.memory_space<semaphore_mem>>
        %dma_start3A = arith.constant 9984 : i32
        %dma_start3A_77 = arith.constant 0 : i32
        %dma_start3A_78 = tpu.memref_slice %arg5[%arg0, %dma_start3A, %dma_start3A_77] : memref<2x10000x16xf32, #tpu.memory_space<hbm>> -> memref<1x16x16xf32, #tpu.memory_space<hbm>>
        %dma_start3A_79 = tpu.memref_squeeze %dma_start3A_78 : memref<1x16x16xf32, #tpu.memory_space<hbm>> -> memref<16x16xf32, #tpu.memory_space<hbm>>
        %dma_start3A_80 = arith.constant 9984 : i32
        %dma_start3A_81 = arith.constant 0 : i32
        %dma_start3A_82 = tpu.memref_slice %arg8[%dma_start3A_80, %dma_start3A_81] : memref<10000x16xf32, #tpu.memory_space<vmem_shared>> -> memref<16x16xf32, #tpu.memory_space<vmem_shared>>
        tpu.enqueue_dma source(%dma_start3A_82 : memref<16x16xf32, #tpu.memory_space<vmem_shared>>) target(%dma_start3A_79 : memref<16x16xf32, #tpu.memory_space<hbm>>) target_semaphore(%run_scoped3A : memref<!tpu.dma_semaphore, #tpu.memory_space<semaphore_mem>>)
        %dma_wait3A_83 = arith.constant 9984 : i32
        %dma_wait3A_84 = arith.constant 0 : i32
        %dma_wait3A_85 = tpu.memref_slice %arg5[%arg0, %dma_wait3A_83, %dma_wait3A_84] : memref<2x10000x16xf32, #tpu.memory_space<hbm>> -> memref<1x16x16xf32, #tpu.memory_space<hbm>>
        %dma_wait3A_86 = tpu.memref_squeeze %dma_wait3A_85 : memref<1x16x16xf32, #tpu.memory_space<hbm>> -> memref<16x16xf32, #tpu.memory_space<hbm>>
        %dma_wait3A_87 = arith.constant 9984 : i32
        %dma_wait3A_88 = arith.constant 0 : i32
        %dma_wait3A_89 = tpu.memref_slice %arg8[%dma_wait3A_87, %dma_wait3A_88] : memref<10000x16xf32, #tpu.memory_space<vmem_shared>> -> memref<16x16xf32, #tpu.memory_space<vmem_shared>>
        tpu.wait_dma2 semaphore(%run_scoped3A : memref<!tpu.dma_semaphore, #tpu.memory_space<semaphore_mem>>) src(%dma_wait3A_89 : memref<16x16xf32, #tpu.memory_space<vmem_shared>>) dst(%dma_wait3A_86 : memref<16x16xf32, #tpu.memory_space<hbm>>)
        tpu.yield
      }) : () -> ()
    } else {
    }
    return
  }
}

#map = affine_map<(d0, d1) -> (0, 0, 0)>
#map1 = affine_map<(d0, d1) -> (0, 0)>
module attributes {stable_mosaic.version = 14 : i64} {
  func.func @k(%arg0: i32, %arg1: i32, %arg2: memref<32x125x80xi32, #tpu.memory_space<hbm>>, %arg3: memref<32x125x80xi32, #tpu.memory_space<hbm>>, %arg4: memref<10000x64xf32, #tpu.memory_space<hbm>>, %arg5: memref<10000x64xf32, #tpu.memory_space<hbm>>, %arg6: memref<2x10000x64xf32, #tpu.memory_space<hbm>>, %arg7: memref<125x80xi32, #tpu.memory_space<vmem>>, %arg8: memref<125x80xi32, #tpu.memory_space<vmem>>, %arg9: memref<10x80x64xf32, #tpu.memory_space<vmem>>, %arg10: memref<10000x64xf32, #tpu.memory_space<vmem_shared>>, %arg11: memref<!tpu.dma_semaphore, #tpu.memory_space<semaphore_mem>>, %arg12: memref<!tpu.dma_semaphore, #tpu.memory_space<semaphore_mem>>) attributes {dimension_semantics = [#tpu.dimension_semantics<core_parallel>, #tpu.dimension_semantics<subcore_parallel>], iteration_bounds = array<i64: 2, 16>, scalar_prefetch = 0 : i64, scratch_operands = 6 : i64, tpu.core_type = #tpu.core_type<sc_vector_subcore>, window_params = [{transform_indices = #map}, {transform_indices = #map}, {transform_indices = #map1}, {transform_indices = #map1}, {transform_indices = #map}]} {
    %mul3A = arith.constant 2 : i32
    %mul3A_0 = arith.muli %arg1, %mul3A : i32
    %add3A = arith.addi %mul3A_0, %arg0 : i32
    "tpu.region"() ({
      %run_scoped3A = tpu.sem_alloc : memref<!tpu.dma_semaphore, #tpu.memory_space<semaphore_mem>>
      %dma_start3A_140 = arith.constant 0 : i32
      %dma_start3A_141 = arith.constant 0 : i32
      %dma_start3A_142 = tpu.memref_slice %arg2[%add3A, %dma_start3A_140, %dma_start3A_141] : memref<32x125x80xi32, #tpu.memory_space<hbm>> -> memref<1x125x80xi32, #tpu.memory_space<hbm>>
      %dma_start3A_143 = tpu.memref_squeeze %dma_start3A_142 : memref<1x125x80xi32, #tpu.memory_space<hbm>> -> memref<125x80xi32, #tpu.memory_space<hbm>>
      %dma_start3A_144 = arith.constant 0 : i32
      %dma_start3A_145 = arith.constant 0 : i32
      %dma_start3A_146 = tpu.memref_slice %arg2[%add3A, %dma_start3A_144, %dma_start3A_145] : memref<32x125x80xi32, #tpu.memory_space<hbm>> -> memref<1x125x80xi32, #tpu.memory_space<hbm>>
      %dma_start3A_147 = tpu.memref_squeeze %dma_start3A_146 : memref<1x125x80xi32, #tpu.memory_space<hbm>> -> memref<125x80xi32, #tpu.memory_space<hbm>>
      tpu.enqueue_dma source(%dma_start3A_147 : memref<125x80xi32, #tpu.memory_space<hbm>>) target(%arg7 : memref<125x80xi32, #tpu.memory_space<vmem>>) target_semaphore(%run_scoped3A : memref<!tpu.dma_semaphore, #tpu.memory_space<semaphore_mem>>)
      %dma_wait3A_148 = arith.constant 0 : i32
      %dma_wait3A_149 = arith.constant 0 : i32
      %dma_wait3A_150 = tpu.memref_slice %arg2[%add3A, %dma_wait3A_148, %dma_wait3A_149] : memref<32x125x80xi32, #tpu.memory_space<hbm>> -> memref<1x125x80xi32, #tpu.memory_space<hbm>>
      %dma_wait3A_151 = tpu.memref_squeeze %dma_wait3A_150 : memref<1x125x80xi32, #tpu.memory_space<hbm>> -> memref<125x80xi32, #tpu.memory_space<hbm>>
      %dma_wait3A_152 = arith.constant 0 : i32
      %dma_wait3A_153 = arith.constant 0 : i32
      %dma_wait3A_154 = tpu.memref_slice %arg2[%add3A, %dma_wait3A_152, %dma_wait3A_153] : memref<32x125x80xi32, #tpu.memory_space<hbm>> -> memref<1x125x80xi32, #tpu.memory_space<hbm>>
      %dma_wait3A_155 = tpu.memref_squeeze %dma_wait3A_154 : memref<1x125x80xi32, #tpu.memory_space<hbm>> -> memref<125x80xi32, #tpu.memory_space<hbm>>
      tpu.wait_dma2 semaphore(%run_scoped3A : memref<!tpu.dma_semaphore, #tpu.memory_space<semaphore_mem>>) src(%dma_wait3A_155 : memref<125x80xi32, #tpu.memory_space<hbm>>) dst(%arg7 : memref<125x80xi32, #tpu.memory_space<vmem>>)
      tpu.yield
    }) : () -> ()
    "tpu.region"() ({
      %run_scoped3A = tpu.sem_alloc : memref<!tpu.dma_semaphore, #tpu.memory_space<semaphore_mem>>
      %dma_start3A_140 = arith.constant 0 : i32
      %dma_start3A_141 = arith.constant 0 : i32
      %dma_start3A_142 = tpu.memref_slice %arg3[%add3A, %dma_start3A_140, %dma_start3A_141] : memref<32x125x80xi32, #tpu.memory_space<hbm>> -> memref<1x125x80xi32, #tpu.memory_space<hbm>>
      %dma_start3A_143 = tpu.memref_squeeze %dma_start3A_142 : memref<1x125x80xi32, #tpu.memory_space<hbm>> -> memref<125x80xi32, #tpu.memory_space<hbm>>
      %dma_start3A_144 = arith.constant 0 : i32
      %dma_start3A_145 = arith.constant 0 : i32
      %dma_start3A_146 = tpu.memref_slice %arg3[%add3A, %dma_start3A_144, %dma_start3A_145] : memref<32x125x80xi32, #tpu.memory_space<hbm>> -> memref<1x125x80xi32, #tpu.memory_space<hbm>>
      %dma_start3A_147 = tpu.memref_squeeze %dma_start3A_146 : memref<1x125x80xi32, #tpu.memory_space<hbm>> -> memref<125x80xi32, #tpu.memory_space<hbm>>
      tpu.enqueue_dma source(%dma_start3A_147 : memref<125x80xi32, #tpu.memory_space<hbm>>) target(%arg8 : memref<125x80xi32, #tpu.memory_space<vmem>>) target_semaphore(%run_scoped3A : memref<!tpu.dma_semaphore, #tpu.memory_space<semaphore_mem>>)
      %dma_wait3A_148 = arith.constant 0 : i32
      %dma_wait3A_149 = arith.constant 0 : i32
      %dma_wait3A_150 = tpu.memref_slice %arg3[%add3A, %dma_wait3A_148, %dma_wait3A_149] : memref<32x125x80xi32, #tpu.memory_space<hbm>> -> memref<1x125x80xi32, #tpu.memory_space<hbm>>
      %dma_wait3A_151 = tpu.memref_squeeze %dma_wait3A_150 : memref<1x125x80xi32, #tpu.memory_space<hbm>> -> memref<125x80xi32, #tpu.memory_space<hbm>>
      %dma_wait3A_152 = arith.constant 0 : i32
      %dma_wait3A_153 = arith.constant 0 : i32
      %dma_wait3A_154 = tpu.memref_slice %arg3[%add3A, %dma_wait3A_152, %dma_wait3A_153] : memref<32x125x80xi32, #tpu.memory_space<hbm>> -> memref<1x125x80xi32, #tpu.memory_space<hbm>>
      %dma_wait3A_155 = tpu.memref_squeeze %dma_wait3A_154 : memref<1x125x80xi32, #tpu.memory_space<hbm>> -> memref<125x80xi32, #tpu.memory_space<hbm>>
      tpu.wait_dma2 semaphore(%run_scoped3A : memref<!tpu.dma_semaphore, #tpu.memory_space<semaphore_mem>>) src(%dma_wait3A_155 : memref<125x80xi32, #tpu.memory_space<hbm>>) dst(%arg8 : memref<125x80xi32, #tpu.memory_space<vmem>>)
      tpu.yield
    }) : () -> ()
    %mul3A_1 = arith.constant 624 : i32
    %mul3A_2 = arith.muli %arg1, %mul3A_1 : i32
    %mul3A_3 = arith.constant 624 : i32
    %mul3A_4 = arith.muli %arg1, %mul3A_3 : i32
    "tpu.region"() ({
      %run_scoped3A = tpu.sem_alloc : memref<!tpu.dma_semaphore, #tpu.memory_space<semaphore_mem>>
      %dma_start3A_140 = arith.constant 0 : i32
      %dma_start3A_141 = tpu.memref_slice %arg10[%mul3A_4, %dma_start3A_140] : memref<10000x64xf32, #tpu.memory_space<vmem_shared>> -> memref<624x64xf32, #tpu.memory_space<vmem_shared>>
      %dma_start3A_142 = arith.constant 0 : i32
      %dma_start3A_143 = tpu.memref_slice %arg5[%mul3A_2, %dma_start3A_142] : memref<10000x64xf32, #tpu.memory_space<hbm>> -> memref<624x64xf32, #tpu.memory_space<hbm>>
      tpu.enqueue_dma source(%dma_start3A_143 : memref<624x64xf32, #tpu.memory_space<hbm>>) target(%dma_start3A_141 : memref<624x64xf32, #tpu.memory_space<vmem_shared>>) target_semaphore(%run_scoped3A : memref<!tpu.dma_semaphore, #tpu.memory_space<semaphore_mem>>)
      %dma_wait3A_144 = arith.constant 0 : i32
      %dma_wait3A_145 = tpu.memref_slice %arg10[%mul3A_4, %dma_wait3A_144] : memref<10000x64xf32, #tpu.memory_space<vmem_shared>> -> memref<624x64xf32, #tpu.memory_space<vmem_shared>>
      %dma_wait3A_146 = arith.constant 0 : i32
      %dma_wait3A_147 = tpu.memref_slice %arg5[%mul3A_2, %dma_wait3A_146] : memref<10000x64xf32, #tpu.memory_space<hbm>> -> memref<624x64xf32, #tpu.memory_space<hbm>>
      tpu.wait_dma2 semaphore(%run_scoped3A : memref<!tpu.dma_semaphore, #tpu.memory_space<semaphore_mem>>) src(%dma_wait3A_147 : memref<624x64xf32, #tpu.memory_space<hbm>>) dst(%dma_wait3A_145 : memref<624x64xf32, #tpu.memory_space<vmem_shared>>)
      tpu.yield
    }) : () -> ()
    %eq3A = arith.constant 15 : i32
    %eq3A_5 = arith.cmpi eq, %arg1, %eq3A : i32
    %convert_element_type3A = arith.extui %eq3A_5 : i1 to i32
    %cond3A = arith.constant 0 : i32
    %cond3A_6 = arith.cmpi ne, %convert_element_type3A, %cond3A : i32
    scf.if %cond3A_6 {
      "tpu.region"() ({
        %run_scoped3A = tpu.sem_alloc : memref<!tpu.dma_semaphore, #tpu.memory_space<semaphore_mem>>
        %dma_start3A_140 = arith.constant 9984 : i32
        %dma_start3A_141 = arith.constant 0 : i32
        %dma_start3A_142 = tpu.memref_slice %arg10[%dma_start3A_140, %dma_start3A_141] : memref<10000x64xf32, #tpu.memory_space<vmem_shared>> -> memref<16x64xf32, #tpu.memory_space<vmem_shared>>
        %dma_start3A_143 = arith.constant 9984 : i32
        %dma_start3A_144 = arith.constant 0 : i32
        %dma_start3A_145 = tpu.memref_slice %arg5[%dma_start3A_143, %dma_start3A_144] : memref<10000x64xf32, #tpu.memory_space<hbm>> -> memref<16x64xf32, #tpu.memory_space<hbm>>
        tpu.enqueue_dma source(%dma_start3A_145 : memref<16x64xf32, #tpu.memory_space<hbm>>) target(%dma_start3A_142 : memref<16x64xf32, #tpu.memory_space<vmem_shared>>) target_semaphore(%run_scoped3A : memref<!tpu.dma_semaphore, #tpu.memory_space<semaphore_mem>>)
        %dma_wait3A_146 = arith.constant 9984 : i32
        %dma_wait3A_147 = arith.constant 0 : i32
        %dma_wait3A_148 = tpu.memref_slice %arg10[%dma_wait3A_146, %dma_wait3A_147] : memref<10000x64xf32, #tpu.memory_space<vmem_shared>> -> memref<16x64xf32, #tpu.memory_space<vmem_shared>>
        %dma_wait3A_149 = arith.constant 9984 : i32
        %dma_wait3A_150 = arith.constant 0 : i32
        %dma_wait3A_151 = tpu.memref_slice %arg5[%dma_wait3A_149, %dma_wait3A_150] : memref<10000x64xf32, #tpu.memory_space<hbm>> -> memref<16x64xf32, #tpu.memory_space<hbm>>
        tpu.wait_dma2 semaphore(%run_scoped3A : memref<!tpu.dma_semaphore, #tpu.memory_space<semaphore_mem>>) src(%dma_wait3A_151 : memref<16x64xf32, #tpu.memory_space<hbm>>) dst(%dma_wait3A_148 : memref<16x64xf32, #tpu.memory_space<vmem_shared>>)
        tpu.yield
      }) : () -> ()
    } else {
    }
    %barrier3A = arith.constant 0 : index
    tpu.barrier barrier_id(%barrier3A)
    %dma_start3A = arith.constant 0 : i32
    %dma_start3A_7 = arith.constant 0 : i32
    %dma_start3A_8 = arith.constant 0 : i32
    %dma_start3A_9 = arith.constant 0 : i32
    %dma_start3A_10 = tpu.memref_slice %arg9[%dma_start3A_7, %dma_start3A_8, %dma_start3A_9] : memref<10x80x64xf32, #tpu.memory_space<vmem>> -> memref<1x80x64xf32, #tpu.memory_space<vmem>>
    %dma_start3A_11 = tpu.memref_squeeze %dma_start3A_10 : memref<1x80x64xf32, #tpu.memory_space<vmem>> -> memref<80x64xf32, #tpu.memory_space<vmem>>
    %dma_start3A_12 = arith.constant 0 : i32
    %dma_start3A_13 = tpu.memref_slice %arg7[%dma_start3A, %dma_start3A_12] : memref<125x80xi32, #tpu.memory_space<vmem>> -> memref<1x80xi32, #tpu.memory_space<vmem>>
    %dma_start3A_14 = tpu.memref_squeeze %dma_start3A_13 : memref<1x80xi32, #tpu.memory_space<vmem>> -> memref<80xi32, #tpu.memory_space<vmem>>
    %dma_start3A_15 = arith.constant 0 : i32
    %dma_start3A_16 = arith.constant 0 : i32
    %dma_start3A_17 = tpu.memref_slice %arg4[%dma_start3A_15, %dma_start3A_16] : memref<10000x64xf32, #tpu.memory_space<hbm>> -> memref<10000x64xf32, #tpu.memory_space<hbm>>
    tpu.enqueue_indirect_dma source(%dma_start3A_17 : memref<10000x64xf32, #tpu.memory_space<hbm>>) target(%dma_start3A_11 : memref<80x64xf32, #tpu.memory_space<vmem>>) offsets(%dma_start3A_14 : memref<80xi32, #tpu.memory_space<vmem>>) semaphore(%arg11 : memref<!tpu.dma_semaphore, #tpu.memory_space<semaphore_mem>>)
    %dma_start3A_18 = arith.constant 1 : i32
    %dma_start3A_19 = arith.constant 1 : i32
    %dma_start3A_20 = arith.constant 0 : i32
    %dma_start3A_21 = arith.constant 0 : i32
    %dma_start3A_22 = tpu.memref_slice %arg9[%dma_start3A_19, %dma_start3A_20, %dma_start3A_21] : memref<10x80x64xf32, #tpu.memory_space<vmem>> -> memref<1x80x64xf32, #tpu.memory_space<vmem>>
    %dma_start3A_23 = tpu.memref_squeeze %dma_start3A_22 : memref<1x80x64xf32, #tpu.memory_space<vmem>> -> memref<80x64xf32, #tpu.memory_space<vmem>>
    %dma_start3A_24 = arith.constant 0 : i32
    %dma_start3A_25 = tpu.memref_slice %arg7[%dma_start3A_18, %dma_start3A_24] : memref<125x80xi32, #tpu.memory_space<vmem>> -> memref<1x80xi32, #tpu.memory_space<vmem>>
    %dma_start3A_26 = tpu.memref_squeeze %dma_start3A_25 : memref<1x80xi32, #tpu.memory_space<vmem>> -> memref<80xi32, #tpu.memory_space<vmem>>
    %dma_start3A_27 = arith.constant 0 : i32
    %dma_start3A_28 = arith.constant 0 : i32
    %dma_start3A_29 = tpu.memref_slice %arg4[%dma_start3A_27, %dma_start3A_28] : memref<10000x64xf32, #tpu.memory_space<hbm>> -> memref<10000x64xf32, #tpu.memory_space<hbm>>
    tpu.enqueue_indirect_dma source(%dma_start3A_29 : memref<10000x64xf32, #tpu.memory_space<hbm>>) target(%dma_start3A_23 : memref<80x64xf32, #tpu.memory_space<vmem>>) offsets(%dma_start3A_26 : memref<80xi32, #tpu.memory_space<vmem>>) semaphore(%arg11 : memref<!tpu.dma_semaphore, #tpu.memory_space<semaphore_mem>>)
    %dma_start3A_30 = arith.constant 2 : i32
    %dma_start3A_31 = arith.constant 2 : i32
    %dma_start3A_32 = arith.constant 0 : i32
    %dma_start3A_33 = arith.constant 0 : i32
    %dma_start3A_34 = tpu.memref_slice %arg9[%dma_start3A_31, %dma_start3A_32, %dma_start3A_33] : memref<10x80x64xf32, #tpu.memory_space<vmem>> -> memref<1x80x64xf32, #tpu.memory_space<vmem>>
    %dma_start3A_35 = tpu.memref_squeeze %dma_start3A_34 : memref<1x80x64xf32, #tpu.memory_space<vmem>> -> memref<80x64xf32, #tpu.memory_space<vmem>>
    %dma_start3A_36 = arith.constant 0 : i32
    %dma_start3A_37 = tpu.memref_slice %arg7[%dma_start3A_30, %dma_start3A_36] : memref<125x80xi32, #tpu.memory_space<vmem>> -> memref<1x80xi32, #tpu.memory_space<vmem>>
    %dma_start3A_38 = tpu.memref_squeeze %dma_start3A_37 : memref<1x80xi32, #tpu.memory_space<vmem>> -> memref<80xi32, #tpu.memory_space<vmem>>
    %dma_start3A_39 = arith.constant 0 : i32
    %dma_start3A_40 = arith.constant 0 : i32
    %dma_start3A_41 = tpu.memref_slice %arg4[%dma_start3A_39, %dma_start3A_40] : memref<10000x64xf32, #tpu.memory_space<hbm>> -> memref<10000x64xf32, #tpu.memory_space<hbm>>
    tpu.enqueue_indirect_dma source(%dma_start3A_41 : memref<10000x64xf32, #tpu.memory_space<hbm>>) target(%dma_start3A_35 : memref<80x64xf32, #tpu.memory_space<vmem>>) offsets(%dma_start3A_38 : memref<80xi32, #tpu.memory_space<vmem>>) semaphore(%arg11 : memref<!tpu.dma_semaphore, #tpu.memory_space<semaphore_mem>>)
    %dma_start3A_42 = arith.constant 3 : i32
    %dma_start3A_43 = arith.constant 3 : i32
    %dma_start3A_44 = arith.constant 0 : i32
    %dma_start3A_45 = arith.constant 0 : i32
    %dma_start3A_46 = tpu.memref_slice %arg9[%dma_start3A_43, %dma_start3A_44, %dma_start3A_45] : memref<10x80x64xf32, #tpu.memory_space<vmem>> -> memref<1x80x64xf32, #tpu.memory_space<vmem>>
    %dma_start3A_47 = tpu.memref_squeeze %dma_start3A_46 : memref<1x80x64xf32, #tpu.memory_space<vmem>> -> memref<80x64xf32, #tpu.memory_space<vmem>>
    %dma_start3A_48 = arith.constant 0 : i32
    %dma_start3A_49 = tpu.memref_slice %arg7[%dma_start3A_42, %dma_start3A_48] : memref<125x80xi32, #tpu.memory_space<vmem>> -> memref<1x80xi32, #tpu.memory_space<vmem>>
    %dma_start3A_50 = tpu.memref_squeeze %dma_start3A_49 : memref<1x80xi32, #tpu.memory_space<vmem>> -> memref<80xi32, #tpu.memory_space<vmem>>
    %dma_start3A_51 = arith.constant 0 : i32
    %dma_start3A_52 = arith.constant 0 : i32
    %dma_start3A_53 = tpu.memref_slice %arg4[%dma_start3A_51, %dma_start3A_52] : memref<10000x64xf32, #tpu.memory_space<hbm>> -> memref<10000x64xf32, #tpu.memory_space<hbm>>
    tpu.enqueue_indirect_dma source(%dma_start3A_53 : memref<10000x64xf32, #tpu.memory_space<hbm>>) target(%dma_start3A_47 : memref<80x64xf32, #tpu.memory_space<vmem>>) offsets(%dma_start3A_50 : memref<80xi32, #tpu.memory_space<vmem>>) semaphore(%arg11 : memref<!tpu.dma_semaphore, #tpu.memory_space<semaphore_mem>>)
    %dma_start3A_54 = arith.constant 4 : i32
    %dma_start3A_55 = arith.constant 4 : i32
    %dma_start3A_56 = arith.constant 0 : i32
    %dma_start3A_57 = arith.constant 0 : i32
    %dma_start3A_58 = tpu.memref_slice %arg9[%dma_start3A_55, %dma_start3A_56, %dma_start3A_57] : memref<10x80x64xf32, #tpu.memory_space<vmem>> -> memref<1x80x64xf32, #tpu.memory_space<vmem>>
    %dma_start3A_59 = tpu.memref_squeeze %dma_start3A_58 : memref<1x80x64xf32, #tpu.memory_space<vmem>> -> memref<80x64xf32, #tpu.memory_space<vmem>>
    %dma_start3A_60 = arith.constant 0 : i32
    %dma_start3A_61 = tpu.memref_slice %arg7[%dma_start3A_54, %dma_start3A_60] : memref<125x80xi32, #tpu.memory_space<vmem>> -> memref<1x80xi32, #tpu.memory_space<vmem>>
    %dma_start3A_62 = tpu.memref_squeeze %dma_start3A_61 : memref<1x80xi32, #tpu.memory_space<vmem>> -> memref<80xi32, #tpu.memory_space<vmem>>
    %dma_start3A_63 = arith.constant 0 : i32
    %dma_start3A_64 = arith.constant 0 : i32
    %dma_start3A_65 = tpu.memref_slice %arg4[%dma_start3A_63, %dma_start3A_64] : memref<10000x64xf32, #tpu.memory_space<hbm>> -> memref<10000x64xf32, #tpu.memory_space<hbm>>
    tpu.enqueue_indirect_dma source(%dma_start3A_65 : memref<10000x64xf32, #tpu.memory_space<hbm>>) target(%dma_start3A_59 : memref<80x64xf32, #tpu.memory_space<vmem>>) offsets(%dma_start3A_62 : memref<80xi32, #tpu.memory_space<vmem>>) semaphore(%arg11 : memref<!tpu.dma_semaphore, #tpu.memory_space<semaphore_mem>>)
    %scan3A = arith.constant 0 : i32
    %scan3A_66 = arith.constant 0 : i32
    %scan3A_67 = arith.constant 125 : i32
    %scan3A_68 = arith.addi %scan3A_66, %scan3A_67 : i32
    %scan3A_69 = arith.constant 1 : i32
    scf.for %scan3A_140 = %scan3A_66 to %scan3A_68 step %scan3A_69  : i32 {
      %rem3A = arith.constant 10 : i32
      %rem3A_141 = arith.remsi %scan3A_140, %rem3A : i32
      %dma_wait3A_142 = arith.constant 0 : i32
      %dma_wait3A_143 = arith.constant 0 : i32
      %dma_wait3A_144 = tpu.memref_slice %arg9[%rem3A_141, %dma_wait3A_142, %dma_wait3A_143] : memref<10x80x64xf32, #tpu.memory_space<vmem>> -> memref<1x80x64xf32, #tpu.memory_space<vmem>>
      %dma_wait3A_145 = tpu.memref_squeeze %dma_wait3A_144 : memref<1x80x64xf32, #tpu.memory_space<vmem>> -> memref<80x64xf32, #tpu.memory_space<vmem>>
      %dma_wait3A_146 = arith.constant 0 : i32
      %dma_wait3A_147 = tpu.memref_slice %arg7[%scan3A_140, %dma_wait3A_146] : memref<125x80xi32, #tpu.memory_space<vmem>> -> memref<1x80xi32, #tpu.memory_space<vmem>>
      %dma_wait3A_148 = tpu.memref_squeeze %dma_wait3A_147 : memref<1x80xi32, #tpu.memory_space<vmem>> -> memref<80xi32, #tpu.memory_space<vmem>>
      %dma_wait3A_149 = arith.constant 0 : i32
      %dma_wait3A_150 = arith.constant 0 : i32
      %dma_wait3A_151 = tpu.memref_slice %arg4[%dma_wait3A_149, %dma_wait3A_150] : memref<10000x64xf32, #tpu.memory_space<hbm>> -> memref<10000x64xf32, #tpu.memory_space<hbm>>
      tpu.wait_indirect_dma semaphore(%arg11 : memref<!tpu.dma_semaphore, #tpu.memory_space<semaphore_mem>>) src(%dma_wait3A_151 : memref<10000x64xf32, #tpu.memory_space<hbm>>) dst(%dma_wait3A_145 : memref<80x64xf32, #tpu.memory_space<vmem>>)
      %dma_start3A_152 = arith.constant 0 : i32
      %dma_start3A_153 = arith.constant 0 : i32
      %dma_start3A_154 = tpu.memref_slice %arg9[%rem3A_141, %dma_start3A_152, %dma_start3A_153] : memref<10x80x64xf32, #tpu.memory_space<vmem>> -> memref<1x80x64xf32, #tpu.memory_space<vmem>>
      %dma_start3A_155 = tpu.memref_squeeze %dma_start3A_154 : memref<1x80x64xf32, #tpu.memory_space<vmem>> -> memref<80x64xf32, #tpu.memory_space<vmem>>
      %dma_start3A_156 = arith.constant 0 : i32
      %dma_start3A_157 = tpu.memref_slice %arg8[%scan3A_140, %dma_start3A_156] : memref<125x80xi32, #tpu.memory_space<vmem>> -> memref<1x80xi32, #tpu.memory_space<vmem>>
      %dma_start3A_158 = tpu.memref_squeeze %dma_start3A_157 : memref<1x80xi32, #tpu.memory_space<vmem>> -> memref<80xi32, #tpu.memory_space<vmem>>
      %dma_start3A_159 = arith.constant 0 : i32
      %dma_start3A_160 = arith.constant 0 : i32
      %dma_start3A_161 = tpu.memref_slice %arg10[%dma_start3A_159, %dma_start3A_160] : memref<10000x64xf32, #tpu.memory_space<vmem_shared>> -> memref<10000x64xf32, #tpu.memory_space<vmem_shared>>
      tpu.enqueue_indirect_dma source(%dma_start3A_155 : memref<80x64xf32, #tpu.memory_space<vmem>>) target(%dma_start3A_161 : memref<10000x64xf32, #tpu.memory_space<vmem_shared>>) offsets(%dma_start3A_158 : memref<80xi32, #tpu.memory_space<vmem>>) semaphore(%arg12 : memref<!tpu.dma_semaphore, #tpu.memory_space<semaphore_mem>>) {add = true}
      %ge3A = arith.constant 5 : i32
      %ge3A_162 = arith.cmpi sge, %scan3A_140, %ge3A : i32
      %convert_element_type3A_163 = arith.extui %ge3A_162 : i1 to i32
      %cond3A_164 = arith.constant 0 : i32
      %cond3A_165 = arith.cmpi ne, %convert_element_type3A_163, %cond3A_164 : i32
      scf.if %cond3A_165 {
        %dma_wait3A_172 = arith.constant 0 : i32
        %dma_wait3A_173 = arith.constant 0 : i32
        %dma_wait3A_174 = tpu.memref_slice %arg9[%rem3A_141, %dma_wait3A_172, %dma_wait3A_173] : memref<10x80x64xf32, #tpu.memory_space<vmem>> -> memref<1x80x64xf32, #tpu.memory_space<vmem>>
        %dma_wait3A_175 = tpu.memref_squeeze %dma_wait3A_174 : memref<1x80x64xf32, #tpu.memory_space<vmem>> -> memref<80x64xf32, #tpu.memory_space<vmem>>
        %dma_wait3A_176 = arith.constant 0 : i32
        %dma_wait3A_177 = tpu.memref_slice %arg8[%scan3A_140, %dma_wait3A_176] : memref<125x80xi32, #tpu.memory_space<vmem>> -> memref<1x80xi32, #tpu.memory_space<vmem>>
        %dma_wait3A_178 = tpu.memref_squeeze %dma_wait3A_177 : memref<1x80xi32, #tpu.memory_space<vmem>> -> memref<80xi32, #tpu.memory_space<vmem>>
        %dma_wait3A_179 = arith.constant 0 : i32
        %dma_wait3A_180 = arith.constant 0 : i32
        %dma_wait3A_181 = tpu.memref_slice %arg10[%dma_wait3A_179, %dma_wait3A_180] : memref<10000x64xf32, #tpu.memory_space<vmem_shared>> -> memref<10000x64xf32, #tpu.memory_space<vmem_shared>>
        tpu.wait_indirect_dma semaphore(%arg12 : memref<!tpu.dma_semaphore, #tpu.memory_space<semaphore_mem>>) src(%dma_wait3A_175 : memref<80x64xf32, #tpu.memory_space<vmem>>) dst(%dma_wait3A_181 : memref<10000x64xf32, #tpu.memory_space<vmem_shared>>)
      } else {
      }
      %add3A_166 = arith.constant 5 : i32
      %add3A_167 = arith.addi %scan3A_140, %add3A_166 : i32
      %lt3A = arith.constant 125 : i32
      %lt3A_168 = arith.cmpi slt, %add3A_167, %lt3A : i32
      %convert_element_type3A_169 = arith.extui %lt3A_168 : i1 to i32
      %cond3A_170 = arith.constant 0 : i32
      %cond3A_171 = arith.cmpi ne, %convert_element_type3A_169, %cond3A_170 : i32
      scf.if %cond3A_171 {
        %add3A_172 = arith.constant 5 : i32
        %add3A_173 = arith.addi %scan3A_140, %add3A_172 : i32
        %add3A_174 = arith.constant 5 : i32
        %add3A_175 = arith.addi %scan3A_140, %add3A_174 : i32
        %rem3A_176 = arith.constant 10 : i32
        %rem3A_177 = arith.remsi %add3A_175, %rem3A_176 : i32
        %dma_start3A_178 = arith.constant 0 : i32
        %dma_start3A_179 = arith.constant 0 : i32
        %dma_start3A_180 = tpu.memref_slice %arg9[%rem3A_177, %dma_start3A_178, %dma_start3A_179] : memref<10x80x64xf32, #tpu.memory_space<vmem>> -> memref<1x80x64xf32, #tpu.memory_space<vmem>>
        %dma_start3A_181 = tpu.memref_squeeze %dma_start3A_180 : memref<1x80x64xf32, #tpu.memory_space<vmem>> -> memref<80x64xf32, #tpu.memory_space<vmem>>
        %dma_start3A_182 = arith.constant 0 : i32
        %dma_start3A_183 = tpu.memref_slice %arg7[%add3A_173, %dma_start3A_182] : memref<125x80xi32, #tpu.memory_space<vmem>> -> memref<1x80xi32, #tpu.memory_space<vmem>>
        %dma_start3A_184 = tpu.memref_squeeze %dma_start3A_183 : memref<1x80xi32, #tpu.memory_space<vmem>> -> memref<80xi32, #tpu.memory_space<vmem>>
        %dma_start3A_185 = arith.constant 0 : i32
        %dma_start3A_186 = arith.constant 0 : i32
        %dma_start3A_187 = tpu.memref_slice %arg4[%dma_start3A_185, %dma_start3A_186] : memref<10000x64xf32, #tpu.memory_space<hbm>> -> memref<10000x64xf32, #tpu.memory_space<hbm>>
        tpu.enqueue_indirect_dma source(%dma_start3A_187 : memref<10000x64xf32, #tpu.memory_space<hbm>>) target(%dma_start3A_181 : memref<80x64xf32, #tpu.memory_space<vmem>>) offsets(%dma_start3A_184 : memref<80xi32, #tpu.memory_space<vmem>>) semaphore(%arg11 : memref<!tpu.dma_semaphore, #tpu.memory_space<semaphore_mem>>)
      } else {
      }
    }
    %scan3A_70 = arith.constant 125 : i32
    %dma_wait3A = arith.constant 0 : i32
    %dma_wait3A_71 = arith.constant 0 : i32
    %dma_wait3A_72 = arith.constant 0 : i32
    %dma_wait3A_73 = arith.constant 0 : i32
    %dma_wait3A_74 = tpu.memref_slice %arg9[%dma_wait3A, %dma_wait3A_72, %dma_wait3A_73] : memref<10x80x64xf32, #tpu.memory_space<vmem>> -> memref<1x80x64xf32, #tpu.memory_space<vmem>>
    %dma_wait3A_75 = tpu.memref_squeeze %dma_wait3A_74 : memref<1x80x64xf32, #tpu.memory_space<vmem>> -> memref<80x64xf32, #tpu.memory_space<vmem>>
    %dma_wait3A_76 = arith.constant 0 : i32
    %dma_wait3A_77 = tpu.memref_slice %arg8[%dma_wait3A_71, %dma_wait3A_76] : memref<125x80xi32, #tpu.memory_space<vmem>> -> memref<1x80xi32, #tpu.memory_space<vmem>>
    %dma_wait3A_78 = tpu.memref_squeeze %dma_wait3A_77 : memref<1x80xi32, #tpu.memory_space<vmem>> -> memref<80xi32, #tpu.memory_space<vmem>>
    %dma_wait3A_79 = arith.constant 0 : i32
    %dma_wait3A_80 = arith.constant 0 : i32
    %dma_wait3A_81 = tpu.memref_slice %arg10[%dma_wait3A_79, %dma_wait3A_80] : memref<10000x64xf32, #tpu.memory_space<vmem_shared>> -> memref<10000x64xf32, #tpu.memory_space<vmem_shared>>
    tpu.wait_indirect_dma semaphore(%arg12 : memref<!tpu.dma_semaphore, #tpu.memory_space<semaphore_mem>>) src(%dma_wait3A_75 : memref<80x64xf32, #tpu.memory_space<vmem>>) dst(%dma_wait3A_81 : memref<10000x64xf32, #tpu.memory_space<vmem_shared>>)
    %dma_wait3A_82 = arith.constant 0 : i32
    %dma_wait3A_83 = arith.constant 0 : i32
    %dma_wait3A_84 = arith.constant 0 : i32
    %dma_wait3A_85 = arith.constant 0 : i32
    %dma_wait3A_86 = tpu.memref_slice %arg9[%dma_wait3A_82, %dma_wait3A_84, %dma_wait3A_85] : memref<10x80x64xf32, #tpu.memory_space<vmem>> -> memref<1x80x64xf32, #tpu.memory_space<vmem>>
    %dma_wait3A_87 = tpu.memref_squeeze %dma_wait3A_86 : memref<1x80x64xf32, #tpu.memory_space<vmem>> -> memref<80x64xf32, #tpu.memory_space<vmem>>
    %dma_wait3A_88 = arith.constant 0 : i32
    %dma_wait3A_89 = tpu.memref_slice %arg8[%dma_wait3A_83, %dma_wait3A_88] : memref<125x80xi32, #tpu.memory_space<vmem>> -> memref<1x80xi32, #tpu.memory_space<vmem>>
    %dma_wait3A_90 = tpu.memref_squeeze %dma_wait3A_89 : memref<1x80xi32, #tpu.memory_space<vmem>> -> memref<80xi32, #tpu.memory_space<vmem>>
    %dma_wait3A_91 = arith.constant 0 : i32
    %dma_wait3A_92 = arith.constant 0 : i32
    %dma_wait3A_93 = tpu.memref_slice %arg10[%dma_wait3A_91, %dma_wait3A_92] : memref<10000x64xf32, #tpu.memory_space<vmem_shared>> -> memref<10000x64xf32, #tpu.memory_space<vmem_shared>>
    tpu.wait_indirect_dma semaphore(%arg12 : memref<!tpu.dma_semaphore, #tpu.memory_space<semaphore_mem>>) src(%dma_wait3A_87 : memref<80x64xf32, #tpu.memory_space<vmem>>) dst(%dma_wait3A_93 : memref<10000x64xf32, #tpu.memory_space<vmem_shared>>)
    %dma_wait3A_94 = arith.constant 0 : i32
    %dma_wait3A_95 = arith.constant 0 : i32
    %dma_wait3A_96 = arith.constant 0 : i32
    %dma_wait3A_97 = arith.constant 0 : i32
    %dma_wait3A_98 = tpu.memref_slice %arg9[%dma_wait3A_94, %dma_wait3A_96, %dma_wait3A_97] : memref<10x80x64xf32, #tpu.memory_space<vmem>> -> memref<1x80x64xf32, #tpu.memory_space<vmem>>
    %dma_wait3A_99 = tpu.memref_squeeze %dma_wait3A_98 : memref<1x80x64xf32, #tpu.memory_space<vmem>> -> memref<80x64xf32, #tpu.memory_space<vmem>>
    %dma_wait3A_100 = arith.constant 0 : i32
    %dma_wait3A_101 = tpu.memref_slice %arg8[%dma_wait3A_95, %dma_wait3A_100] : memref<125x80xi32, #tpu.memory_space<vmem>> -> memref<1x80xi32, #tpu.memory_space<vmem>>
    %dma_wait3A_102 = tpu.memref_squeeze %dma_wait3A_101 : memref<1x80xi32, #tpu.memory_space<vmem>> -> memref<80xi32, #tpu.memory_space<vmem>>
    %dma_wait3A_103 = arith.constant 0 : i32
    %dma_wait3A_104 = arith.constant 0 : i32
    %dma_wait3A_105 = tpu.memref_slice %arg10[%dma_wait3A_103, %dma_wait3A_104] : memref<10000x64xf32, #tpu.memory_space<vmem_shared>> -> memref<10000x64xf32, #tpu.memory_space<vmem_shared>>
    tpu.wait_indirect_dma semaphore(%arg12 : memref<!tpu.dma_semaphore, #tpu.memory_space<semaphore_mem>>) src(%dma_wait3A_99 : memref<80x64xf32, #tpu.memory_space<vmem>>) dst(%dma_wait3A_105 : memref<10000x64xf32, #tpu.memory_space<vmem_shared>>)
    %dma_wait3A_106 = arith.constant 0 : i32
    %dma_wait3A_107 = arith.constant 0 : i32
    %dma_wait3A_108 = arith.constant 0 : i32
    %dma_wait3A_109 = arith.constant 0 : i32
    %dma_wait3A_110 = tpu.memref_slice %arg9[%dma_wait3A_106, %dma_wait3A_108, %dma_wait3A_109] : memref<10x80x64xf32, #tpu.memory_space<vmem>> -> memref<1x80x64xf32, #tpu.memory_space<vmem>>
    %dma_wait3A_111 = tpu.memref_squeeze %dma_wait3A_110 : memref<1x80x64xf32, #tpu.memory_space<vmem>> -> memref<80x64xf32, #tpu.memory_space<vmem>>
    %dma_wait3A_112 = arith.constant 0 : i32
    %dma_wait3A_113 = tpu.memref_slice %arg8[%dma_wait3A_107, %dma_wait3A_112] : memref<125x80xi32, #tpu.memory_space<vmem>> -> memref<1x80xi32, #tpu.memory_space<vmem>>
    %dma_wait3A_114 = tpu.memref_squeeze %dma_wait3A_113 : memref<1x80xi32, #tpu.memory_space<vmem>> -> memref<80xi32, #tpu.memory_space<vmem>>
    %dma_wait3A_115 = arith.constant 0 : i32
    %dma_wait3A_116 = arith.constant 0 : i32
    %dma_wait3A_117 = tpu.memref_slice %arg10[%dma_wait3A_115, %dma_wait3A_116] : memref<10000x64xf32, #tpu.memory_space<vmem_shared>> -> memref<10000x64xf32, #tpu.memory_space<vmem_shared>>
    tpu.wait_indirect_dma semaphore(%arg12 : memref<!tpu.dma_semaphore, #tpu.memory_space<semaphore_mem>>) src(%dma_wait3A_111 : memref<80x64xf32, #tpu.memory_space<vmem>>) dst(%dma_wait3A_117 : memref<10000x64xf32, #tpu.memory_space<vmem_shared>>)
    %dma_wait3A_118 = arith.constant 0 : i32
    %dma_wait3A_119 = arith.constant 0 : i32
    %dma_wait3A_120 = arith.constant 0 : i32
    %dma_wait3A_121 = arith.constant 0 : i32
    %dma_wait3A_122 = tpu.memref_slice %arg9[%dma_wait3A_118, %dma_wait3A_120, %dma_wait3A_121] : memref<10x80x64xf32, #tpu.memory_space<vmem>> -> memref<1x80x64xf32, #tpu.memory_space<vmem>>
    %dma_wait3A_123 = tpu.memref_squeeze %dma_wait3A_122 : memref<1x80x64xf32, #tpu.memory_space<vmem>> -> memref<80x64xf32, #tpu.memory_space<vmem>>
    %dma_wait3A_124 = arith.constant 0 : i32
    %dma_wait3A_125 = tpu.memref_slice %arg8[%dma_wait3A_119, %dma_wait3A_124] : memref<125x80xi32, #tpu.memory_space<vmem>> -> memref<1x80xi32, #tpu.memory_space<vmem>>
    %dma_wait3A_126 = tpu.memref_squeeze %dma_wait3A_125 : memref<1x80xi32, #tpu.memory_space<vmem>> -> memref<80xi32, #tpu.memory_space<vmem>>
    %dma_wait3A_127 = arith.constant 0 : i32
    %dma_wait3A_128 = arith.constant 0 : i32
    %dma_wait3A_129 = tpu.memref_slice %arg10[%dma_wait3A_127, %dma_wait3A_128] : memref<10000x64xf32, #tpu.memory_space<vmem_shared>> -> memref<10000x64xf32, #tpu.memory_space<vmem_shared>>
    tpu.wait_indirect_dma semaphore(%arg12 : memref<!tpu.dma_semaphore, #tpu.memory_space<semaphore_mem>>) src(%dma_wait3A_123 : memref<80x64xf32, #tpu.memory_space<vmem>>) dst(%dma_wait3A_129 : memref<10000x64xf32, #tpu.memory_space<vmem_shared>>)
    %barrier3A_130 = arith.constant 0 : index
    tpu.barrier barrier_id(%barrier3A_130)
    %mul3A_131 = arith.constant 624 : i32
    %mul3A_132 = arith.muli %arg1, %mul3A_131 : i32
    %mul3A_133 = arith.constant 624 : i32
    %mul3A_134 = arith.muli %arg1, %mul3A_133 : i32
    "tpu.region"() ({
      %run_scoped3A = tpu.sem_alloc : memref<!tpu.dma_semaphore, #tpu.memory_space<semaphore_mem>>
      %dma_start3A_140 = arith.constant 0 : i32
      %dma_start3A_141 = tpu.memref_slice %arg6[%arg0, %mul3A_134, %dma_start3A_140] : memref<2x10000x64xf32, #tpu.memory_space<hbm>> -> memref<1x624x64xf32, #tpu.memory_space<hbm>>
      %dma_start3A_142 = tpu.memref_squeeze %dma_start3A_141 : memref<1x624x64xf32, #tpu.memory_space<hbm>> -> memref<624x64xf32, #tpu.memory_space<hbm>>
      %dma_start3A_143 = arith.constant 0 : i32
      %dma_start3A_144 = tpu.memref_slice %arg10[%mul3A_132, %dma_start3A_143] : memref<10000x64xf32, #tpu.memory_space<vmem_shared>> -> memref<624x64xf32, #tpu.memory_space<vmem_shared>>
      tpu.enqueue_dma source(%dma_start3A_144 : memref<624x64xf32, #tpu.memory_space<vmem_shared>>) target(%dma_start3A_142 : memref<624x64xf32, #tpu.memory_space<hbm>>) target_semaphore(%run_scoped3A : memref<!tpu.dma_semaphore, #tpu.memory_space<semaphore_mem>>)
      %dma_wait3A_145 = arith.constant 0 : i32
      %dma_wait3A_146 = tpu.memref_slice %arg6[%arg0, %mul3A_134, %dma_wait3A_145] : memref<2x10000x64xf32, #tpu.memory_space<hbm>> -> memref<1x624x64xf32, #tpu.memory_space<hbm>>
      %dma_wait3A_147 = tpu.memref_squeeze %dma_wait3A_146 : memref<1x624x64xf32, #tpu.memory_space<hbm>> -> memref<624x64xf32, #tpu.memory_space<hbm>>
      %dma_wait3A_148 = arith.constant 0 : i32
      %dma_wait3A_149 = tpu.memref_slice %arg10[%mul3A_132, %dma_wait3A_148] : memref<10000x64xf32, #tpu.memory_space<vmem_shared>> -> memref<624x64xf32, #tpu.memory_space<vmem_shared>>
      tpu.wait_dma2 semaphore(%run_scoped3A : memref<!tpu.dma_semaphore, #tpu.memory_space<semaphore_mem>>) src(%dma_wait3A_149 : memref<624x64xf32, #tpu.memory_space<vmem_shared>>) dst(%dma_wait3A_147 : memref<624x64xf32, #tpu.memory_space<hbm>>)
      tpu.yield
    }) : () -> ()
    %eq3A_135 = arith.constant 15 : i32
    %eq3A_136 = arith.cmpi eq, %arg1, %eq3A_135 : i32
    %convert_element_type3A_137 = arith.extui %eq3A_136 : i1 to i32
    %cond3A_138 = arith.constant 0 : i32
    %cond3A_139 = arith.cmpi ne, %convert_element_type3A_137, %cond3A_138 : i32
    scf.if %cond3A_139 {
      "tpu.region"() ({
        %run_scoped3A = tpu.sem_alloc : memref<!tpu.dma_semaphore, #tpu.memory_space<semaphore_mem>>
        %dma_start3A_140 = arith.constant 9984 : i32
        %dma_start3A_141 = arith.constant 0 : i32
        %dma_start3A_142 = tpu.memref_slice %arg6[%arg0, %dma_start3A_140, %dma_start3A_141] : memref<2x10000x64xf32, #tpu.memory_space<hbm>> -> memref<1x16x64xf32, #tpu.memory_space<hbm>>
        %dma_start3A_143 = tpu.memref_squeeze %dma_start3A_142 : memref<1x16x64xf32, #tpu.memory_space<hbm>> -> memref<16x64xf32, #tpu.memory_space<hbm>>
        %dma_start3A_144 = arith.constant 9984 : i32
        %dma_start3A_145 = arith.constant 0 : i32
        %dma_start3A_146 = tpu.memref_slice %arg10[%dma_start3A_144, %dma_start3A_145] : memref<10000x64xf32, #tpu.memory_space<vmem_shared>> -> memref<16x64xf32, #tpu.memory_space<vmem_shared>>
        tpu.enqueue_dma source(%dma_start3A_146 : memref<16x64xf32, #tpu.memory_space<vmem_shared>>) target(%dma_start3A_143 : memref<16x64xf32, #tpu.memory_space<hbm>>) target_semaphore(%run_scoped3A : memref<!tpu.dma_semaphore, #tpu.memory_space<semaphore_mem>>)
        %dma_wait3A_147 = arith.constant 9984 : i32
        %dma_wait3A_148 = arith.constant 0 : i32
        %dma_wait3A_149 = tpu.memref_slice %arg6[%arg0, %dma_wait3A_147, %dma_wait3A_148] : memref<2x10000x64xf32, #tpu.memory_space<hbm>> -> memref<1x16x64xf32, #tpu.memory_space<hbm>>
        %dma_wait3A_150 = tpu.memref_squeeze %dma_wait3A_149 : memref<1x16x64xf32, #tpu.memory_space<hbm>> -> memref<16x64xf32, #tpu.memory_space<hbm>>
        %dma_wait3A_151 = arith.constant 9984 : i32
        %dma_wait3A_152 = arith.constant 0 : i32
        %dma_wait3A_153 = tpu.memref_slice %arg10[%dma_wait3A_151, %dma_wait3A_152] : memref<10000x64xf32, #tpu.memory_space<vmem_shared>> -> memref<16x64xf32, #tpu.memory_space<vmem_shared>>
        tpu.wait_dma2 semaphore(%run_scoped3A : memref<!tpu.dma_semaphore, #tpu.memory_space<semaphore_mem>>) src(%dma_wait3A_153 : memref<16x64xf32, #tpu.memory_space<vmem_shared>>) dst(%dma_wait3A_150 : memref<16x64xf32, #tpu.memory_space<hbm>>)
        tpu.yield
      }) : () -> ()
    } else {
    }
    return
  }
}

#map = affine_map<(d0, d1) -> (0, 0, 0)>
#map1 = affine_map<(d0, d1) -> (0, 0)>
module attributes {stable_mosaic.version = 14 : i64} {
  func.func @k(%arg0: i32, %arg1: i32, %arg2: memref<32x125x80xi32, #tpu.memory_space<hbm>>, %arg3: memref<32x125x80xi32, #tpu.memory_space<hbm>>, %arg4: memref<10000x32xf32, #tpu.memory_space<hbm>>, %arg5: memref<10000x32xf32, #tpu.memory_space<hbm>>, %arg6: memref<2x10000x32xf32, #tpu.memory_space<hbm>>, %arg7: memref<125x80xi32, #tpu.memory_space<vmem>>, %arg8: memref<125x80xi32, #tpu.memory_space<vmem>>, %arg9: memref<10x80x32xf32, #tpu.memory_space<vmem>>, %arg10: memref<10000x32xf32, #tpu.memory_space<vmem_shared>>, %arg11: memref<!tpu.dma_semaphore, #tpu.memory_space<semaphore_mem>>, %arg12: memref<!tpu.dma_semaphore, #tpu.memory_space<semaphore_mem>>) attributes {dimension_semantics = [#tpu.dimension_semantics<core_parallel>, #tpu.dimension_semantics<subcore_parallel>], iteration_bounds = array<i64: 2, 16>, scalar_prefetch = 0 : i64, scratch_operands = 6 : i64, tpu.core_type = #tpu.core_type<sc_vector_subcore>, window_params = [{transform_indices = #map}, {transform_indices = #map}, {transform_indices = #map1}, {transform_indices = #map1}, {transform_indices = #map}]} {
    %mul3A = arith.constant 2 : i32
    %mul3A_0 = arith.muli %arg1, %mul3A : i32
    %add3A = arith.addi %mul3A_0, %arg0 : i32
    "tpu.region"() ({
      %run_scoped3A = tpu.sem_alloc : memref<!tpu.dma_semaphore, #tpu.memory_space<semaphore_mem>>
      %dma_start3A_140 = arith.constant 0 : i32
      %dma_start3A_141 = arith.constant 0 : i32
      %dma_start3A_142 = tpu.memref_slice %arg2[%add3A, %dma_start3A_140, %dma_start3A_141] : memref<32x125x80xi32, #tpu.memory_space<hbm>> -> memref<1x125x80xi32, #tpu.memory_space<hbm>>
      %dma_start3A_143 = tpu.memref_squeeze %dma_start3A_142 : memref<1x125x80xi32, #tpu.memory_space<hbm>> -> memref<125x80xi32, #tpu.memory_space<hbm>>
      %dma_start3A_144 = arith.constant 0 : i32
      %dma_start3A_145 = arith.constant 0 : i32
      %dma_start3A_146 = tpu.memref_slice %arg2[%add3A, %dma_start3A_144, %dma_start3A_145] : memref<32x125x80xi32, #tpu.memory_space<hbm>> -> memref<1x125x80xi32, #tpu.memory_space<hbm>>
      %dma_start3A_147 = tpu.memref_squeeze %dma_start3A_146 : memref<1x125x80xi32, #tpu.memory_space<hbm>> -> memref<125x80xi32, #tpu.memory_space<hbm>>
      tpu.enqueue_dma source(%dma_start3A_147 : memref<125x80xi32, #tpu.memory_space<hbm>>) target(%arg7 : memref<125x80xi32, #tpu.memory_space<vmem>>) target_semaphore(%run_scoped3A : memref<!tpu.dma_semaphore, #tpu.memory_space<semaphore_mem>>)
      %dma_wait3A_148 = arith.constant 0 : i32
      %dma_wait3A_149 = arith.constant 0 : i32
      %dma_wait3A_150 = tpu.memref_slice %arg2[%add3A, %dma_wait3A_148, %dma_wait3A_149] : memref<32x125x80xi32, #tpu.memory_space<hbm>> -> memref<1x125x80xi32, #tpu.memory_space<hbm>>
      %dma_wait3A_151 = tpu.memref_squeeze %dma_wait3A_150 : memref<1x125x80xi32, #tpu.memory_space<hbm>> -> memref<125x80xi32, #tpu.memory_space<hbm>>
      %dma_wait3A_152 = arith.constant 0 : i32
      %dma_wait3A_153 = arith.constant 0 : i32
      %dma_wait3A_154 = tpu.memref_slice %arg2[%add3A, %dma_wait3A_152, %dma_wait3A_153] : memref<32x125x80xi32, #tpu.memory_space<hbm>> -> memref<1x125x80xi32, #tpu.memory_space<hbm>>
      %dma_wait3A_155 = tpu.memref_squeeze %dma_wait3A_154 : memref<1x125x80xi32, #tpu.memory_space<hbm>> -> memref<125x80xi32, #tpu.memory_space<hbm>>
      tpu.wait_dma2 semaphore(%run_scoped3A : memref<!tpu.dma_semaphore, #tpu.memory_space<semaphore_mem>>) src(%dma_wait3A_155 : memref<125x80xi32, #tpu.memory_space<hbm>>) dst(%arg7 : memref<125x80xi32, #tpu.memory_space<vmem>>)
      tpu.yield
    }) : () -> ()
    "tpu.region"() ({
      %run_scoped3A = tpu.sem_alloc : memref<!tpu.dma_semaphore, #tpu.memory_space<semaphore_mem>>
      %dma_start3A_140 = arith.constant 0 : i32
      %dma_start3A_141 = arith.constant 0 : i32
      %dma_start3A_142 = tpu.memref_slice %arg3[%add3A, %dma_start3A_140, %dma_start3A_141] : memref<32x125x80xi32, #tpu.memory_space<hbm>> -> memref<1x125x80xi32, #tpu.memory_space<hbm>>
      %dma_start3A_143 = tpu.memref_squeeze %dma_start3A_142 : memref<1x125x80xi32, #tpu.memory_space<hbm>> -> memref<125x80xi32, #tpu.memory_space<hbm>>
      %dma_start3A_144 = arith.constant 0 : i32
      %dma_start3A_145 = arith.constant 0 : i32
      %dma_start3A_146 = tpu.memref_slice %arg3[%add3A, %dma_start3A_144, %dma_start3A_145] : memref<32x125x80xi32, #tpu.memory_space<hbm>> -> memref<1x125x80xi32, #tpu.memory_space<hbm>>
      %dma_start3A_147 = tpu.memref_squeeze %dma_start3A_146 : memref<1x125x80xi32, #tpu.memory_space<hbm>> -> memref<125x80xi32, #tpu.memory_space<hbm>>
      tpu.enqueue_dma source(%dma_start3A_147 : memref<125x80xi32, #tpu.memory_space<hbm>>) target(%arg8 : memref<125x80xi32, #tpu.memory_space<vmem>>) target_semaphore(%run_scoped3A : memref<!tpu.dma_semaphore, #tpu.memory_space<semaphore_mem>>)
      %dma_wait3A_148 = arith.constant 0 : i32
      %dma_wait3A_149 = arith.constant 0 : i32
      %dma_wait3A_150 = tpu.memref_slice %arg3[%add3A, %dma_wait3A_148, %dma_wait3A_149] : memref<32x125x80xi32, #tpu.memory_space<hbm>> -> memref<1x125x80xi32, #tpu.memory_space<hbm>>
      %dma_wait3A_151 = tpu.memref_squeeze %dma_wait3A_150 : memref<1x125x80xi32, #tpu.memory_space<hbm>> -> memref<125x80xi32, #tpu.memory_space<hbm>>
      %dma_wait3A_152 = arith.constant 0 : i32
      %dma_wait3A_153 = arith.constant 0 : i32
      %dma_wait3A_154 = tpu.memref_slice %arg3[%add3A, %dma_wait3A_152, %dma_wait3A_153] : memref<32x125x80xi32, #tpu.memory_space<hbm>> -> memref<1x125x80xi32, #tpu.memory_space<hbm>>
      %dma_wait3A_155 = tpu.memref_squeeze %dma_wait3A_154 : memref<1x125x80xi32, #tpu.memory_space<hbm>> -> memref<125x80xi32, #tpu.memory_space<hbm>>
      tpu.wait_dma2 semaphore(%run_scoped3A : memref<!tpu.dma_semaphore, #tpu.memory_space<semaphore_mem>>) src(%dma_wait3A_155 : memref<125x80xi32, #tpu.memory_space<hbm>>) dst(%arg8 : memref<125x80xi32, #tpu.memory_space<vmem>>)
      tpu.yield
    }) : () -> ()
    %mul3A_1 = arith.constant 624 : i32
    %mul3A_2 = arith.muli %arg1, %mul3A_1 : i32
    %mul3A_3 = arith.constant 624 : i32
    %mul3A_4 = arith.muli %arg1, %mul3A_3 : i32
    "tpu.region"() ({
      %run_scoped3A = tpu.sem_alloc : memref<!tpu.dma_semaphore, #tpu.memory_space<semaphore_mem>>
      %dma_start3A_140 = arith.constant 0 : i32
      %dma_start3A_141 = tpu.memref_slice %arg10[%mul3A_4, %dma_start3A_140] : memref<10000x32xf32, #tpu.memory_space<vmem_shared>> -> memref<624x32xf32, #tpu.memory_space<vmem_shared>>
      %dma_start3A_142 = arith.constant 0 : i32
      %dma_start3A_143 = tpu.memref_slice %arg5[%mul3A_2, %dma_start3A_142] : memref<10000x32xf32, #tpu.memory_space<hbm>> -> memref<624x32xf32, #tpu.memory_space<hbm>>
      tpu.enqueue_dma source(%dma_start3A_143 : memref<624x32xf32, #tpu.memory_space<hbm>>) target(%dma_start3A_141 : memref<624x32xf32, #tpu.memory_space<vmem_shared>>) target_semaphore(%run_scoped3A : memref<!tpu.dma_semaphore, #tpu.memory_space<semaphore_mem>>)
      %dma_wait3A_144 = arith.constant 0 : i32
      %dma_wait3A_145 = tpu.memref_slice %arg10[%mul3A_4, %dma_wait3A_144] : memref<10000x32xf32, #tpu.memory_space<vmem_shared>> -> memref<624x32xf32, #tpu.memory_space<vmem_shared>>
      %dma_wait3A_146 = arith.constant 0 : i32
      %dma_wait3A_147 = tpu.memref_slice %arg5[%mul3A_2, %dma_wait3A_146] : memref<10000x32xf32, #tpu.memory_space<hbm>> -> memref<624x32xf32, #tpu.memory_space<hbm>>
      tpu.wait_dma2 semaphore(%run_scoped3A : memref<!tpu.dma_semaphore, #tpu.memory_space<semaphore_mem>>) src(%dma_wait3A_147 : memref<624x32xf32, #tpu.memory_space<hbm>>) dst(%dma_wait3A_145 : memref<624x32xf32, #tpu.memory_space<vmem_shared>>)
      tpu.yield
    }) : () -> ()
    %eq3A = arith.constant 15 : i32
    %eq3A_5 = arith.cmpi eq, %arg1, %eq3A : i32
    %convert_element_type3A = arith.extui %eq3A_5 : i1 to i32
    %cond3A = arith.constant 0 : i32
    %cond3A_6 = arith.cmpi ne, %convert_element_type3A, %cond3A : i32
    scf.if %cond3A_6 {
      "tpu.region"() ({
        %run_scoped3A = tpu.sem_alloc : memref<!tpu.dma_semaphore, #tpu.memory_space<semaphore_mem>>
        %dma_start3A_140 = arith.constant 9984 : i32
        %dma_start3A_141 = arith.constant 0 : i32
        %dma_start3A_142 = tpu.memref_slice %arg10[%dma_start3A_140, %dma_start3A_141] : memref<10000x32xf32, #tpu.memory_space<vmem_shared>> -> memref<16x32xf32, #tpu.memory_space<vmem_shared>>
        %dma_start3A_143 = arith.constant 9984 : i32
        %dma_start3A_144 = arith.constant 0 : i32
        %dma_start3A_145 = tpu.memref_slice %arg5[%dma_start3A_143, %dma_start3A_144] : memref<10000x32xf32, #tpu.memory_space<hbm>> -> memref<16x32xf32, #tpu.memory_space<hbm>>
        tpu.enqueue_dma source(%dma_start3A_145 : memref<16x32xf32, #tpu.memory_space<hbm>>) target(%dma_start3A_142 : memref<16x32xf32, #tpu.memory_space<vmem_shared>>) target_semaphore(%run_scoped3A : memref<!tpu.dma_semaphore, #tpu.memory_space<semaphore_mem>>)
        %dma_wait3A_146 = arith.constant 9984 : i32
        %dma_wait3A_147 = arith.constant 0 : i32
        %dma_wait3A_148 = tpu.memref_slice %arg10[%dma_wait3A_146, %dma_wait3A_147] : memref<10000x32xf32, #tpu.memory_space<vmem_shared>> -> memref<16x32xf32, #tpu.memory_space<vmem_shared>>
        %dma_wait3A_149 = arith.constant 9984 : i32
        %dma_wait3A_150 = arith.constant 0 : i32
        %dma_wait3A_151 = tpu.memref_slice %arg5[%dma_wait3A_149, %dma_wait3A_150] : memref<10000x32xf32, #tpu.memory_space<hbm>> -> memref<16x32xf32, #tpu.memory_space<hbm>>
        tpu.wait_dma2 semaphore(%run_scoped3A : memref<!tpu.dma_semaphore, #tpu.memory_space<semaphore_mem>>) src(%dma_wait3A_151 : memref<16x32xf32, #tpu.memory_space<hbm>>) dst(%dma_wait3A_148 : memref<16x32xf32, #tpu.memory_space<vmem_shared>>)
        tpu.yield
      }) : () -> ()
    } else {
    }
    %barrier3A = arith.constant 0 : index
    tpu.barrier barrier_id(%barrier3A)
    %dma_start3A = arith.constant 0 : i32
    %dma_start3A_7 = arith.constant 0 : i32
    %dma_start3A_8 = arith.constant 0 : i32
    %dma_start3A_9 = arith.constant 0 : i32
    %dma_start3A_10 = tpu.memref_slice %arg9[%dma_start3A_7, %dma_start3A_8, %dma_start3A_9] : memref<10x80x32xf32, #tpu.memory_space<vmem>> -> memref<1x80x32xf32, #tpu.memory_space<vmem>>
    %dma_start3A_11 = tpu.memref_squeeze %dma_start3A_10 : memref<1x80x32xf32, #tpu.memory_space<vmem>> -> memref<80x32xf32, #tpu.memory_space<vmem>>
    %dma_start3A_12 = arith.constant 0 : i32
    %dma_start3A_13 = tpu.memref_slice %arg7[%dma_start3A, %dma_start3A_12] : memref<125x80xi32, #tpu.memory_space<vmem>> -> memref<1x80xi32, #tpu.memory_space<vmem>>
    %dma_start3A_14 = tpu.memref_squeeze %dma_start3A_13 : memref<1x80xi32, #tpu.memory_space<vmem>> -> memref<80xi32, #tpu.memory_space<vmem>>
    %dma_start3A_15 = arith.constant 0 : i32
    %dma_start3A_16 = arith.constant 0 : i32
    %dma_start3A_17 = tpu.memref_slice %arg4[%dma_start3A_15, %dma_start3A_16] : memref<10000x32xf32, #tpu.memory_space<hbm>> -> memref<10000x32xf32, #tpu.memory_space<hbm>>
    tpu.enqueue_indirect_dma source(%dma_start3A_17 : memref<10000x32xf32, #tpu.memory_space<hbm>>) target(%dma_start3A_11 : memref<80x32xf32, #tpu.memory_space<vmem>>) offsets(%dma_start3A_14 : memref<80xi32, #tpu.memory_space<vmem>>) semaphore(%arg11 : memref<!tpu.dma_semaphore, #tpu.memory_space<semaphore_mem>>)
    %dma_start3A_18 = arith.constant 1 : i32
    %dma_start3A_19 = arith.constant 1 : i32
    %dma_start3A_20 = arith.constant 0 : i32
    %dma_start3A_21 = arith.constant 0 : i32
    %dma_start3A_22 = tpu.memref_slice %arg9[%dma_start3A_19, %dma_start3A_20, %dma_start3A_21] : memref<10x80x32xf32, #tpu.memory_space<vmem>> -> memref<1x80x32xf32, #tpu.memory_space<vmem>>
    %dma_start3A_23 = tpu.memref_squeeze %dma_start3A_22 : memref<1x80x32xf32, #tpu.memory_space<vmem>> -> memref<80x32xf32, #tpu.memory_space<vmem>>
    %dma_start3A_24 = arith.constant 0 : i32
    %dma_start3A_25 = tpu.memref_slice %arg7[%dma_start3A_18, %dma_start3A_24] : memref<125x80xi32, #tpu.memory_space<vmem>> -> memref<1x80xi32, #tpu.memory_space<vmem>>
    %dma_start3A_26 = tpu.memref_squeeze %dma_start3A_25 : memref<1x80xi32, #tpu.memory_space<vmem>> -> memref<80xi32, #tpu.memory_space<vmem>>
    %dma_start3A_27 = arith.constant 0 : i32
    %dma_start3A_28 = arith.constant 0 : i32
    %dma_start3A_29 = tpu.memref_slice %arg4[%dma_start3A_27, %dma_start3A_28] : memref<10000x32xf32, #tpu.memory_space<hbm>> -> memref<10000x32xf32, #tpu.memory_space<hbm>>
    tpu.enqueue_indirect_dma source(%dma_start3A_29 : memref<10000x32xf32, #tpu.memory_space<hbm>>) target(%dma_start3A_23 : memref<80x32xf32, #tpu.memory_space<vmem>>) offsets(%dma_start3A_26 : memref<80xi32, #tpu.memory_space<vmem>>) semaphore(%arg11 : memref<!tpu.dma_semaphore, #tpu.memory_space<semaphore_mem>>)
    %dma_start3A_30 = arith.constant 2 : i32
    %dma_start3A_31 = arith.constant 2 : i32
    %dma_start3A_32 = arith.constant 0 : i32
    %dma_start3A_33 = arith.constant 0 : i32
    %dma_start3A_34 = tpu.memref_slice %arg9[%dma_start3A_31, %dma_start3A_32, %dma_start3A_33] : memref<10x80x32xf32, #tpu.memory_space<vmem>> -> memref<1x80x32xf32, #tpu.memory_space<vmem>>
    %dma_start3A_35 = tpu.memref_squeeze %dma_start3A_34 : memref<1x80x32xf32, #tpu.memory_space<vmem>> -> memref<80x32xf32, #tpu.memory_space<vmem>>
    %dma_start3A_36 = arith.constant 0 : i32
    %dma_start3A_37 = tpu.memref_slice %arg7[%dma_start3A_30, %dma_start3A_36] : memref<125x80xi32, #tpu.memory_space<vmem>> -> memref<1x80xi32, #tpu.memory_space<vmem>>
    %dma_start3A_38 = tpu.memref_squeeze %dma_start3A_37 : memref<1x80xi32, #tpu.memory_space<vmem>> -> memref<80xi32, #tpu.memory_space<vmem>>
    %dma_start3A_39 = arith.constant 0 : i32
    %dma_start3A_40 = arith.constant 0 : i32
    %dma_start3A_41 = tpu.memref_slice %arg4[%dma_start3A_39, %dma_start3A_40] : memref<10000x32xf32, #tpu.memory_space<hbm>> -> memref<10000x32xf32, #tpu.memory_space<hbm>>
    tpu.enqueue_indirect_dma source(%dma_start3A_41 : memref<10000x32xf32, #tpu.memory_space<hbm>>) target(%dma_start3A_35 : memref<80x32xf32, #tpu.memory_space<vmem>>) offsets(%dma_start3A_38 : memref<80xi32, #tpu.memory_space<vmem>>) semaphore(%arg11 : memref<!tpu.dma_semaphore, #tpu.memory_space<semaphore_mem>>)
    %dma_start3A_42 = arith.constant 3 : i32
    %dma_start3A_43 = arith.constant 3 : i32
    %dma_start3A_44 = arith.constant 0 : i32
    %dma_start3A_45 = arith.constant 0 : i32
    %dma_start3A_46 = tpu.memref_slice %arg9[%dma_start3A_43, %dma_start3A_44, %dma_start3A_45] : memref<10x80x32xf32, #tpu.memory_space<vmem>> -> memref<1x80x32xf32, #tpu.memory_space<vmem>>
    %dma_start3A_47 = tpu.memref_squeeze %dma_start3A_46 : memref<1x80x32xf32, #tpu.memory_space<vmem>> -> memref<80x32xf32, #tpu.memory_space<vmem>>
    %dma_start3A_48 = arith.constant 0 : i32
    %dma_start3A_49 = tpu.memref_slice %arg7[%dma_start3A_42, %dma_start3A_48] : memref<125x80xi32, #tpu.memory_space<vmem>> -> memref<1x80xi32, #tpu.memory_space<vmem>>
    %dma_start3A_50 = tpu.memref_squeeze %dma_start3A_49 : memref<1x80xi32, #tpu.memory_space<vmem>> -> memref<80xi32, #tpu.memory_space<vmem>>
    %dma_start3A_51 = arith.constant 0 : i32
    %dma_start3A_52 = arith.constant 0 : i32
    %dma_start3A_53 = tpu.memref_slice %arg4[%dma_start3A_51, %dma_start3A_52] : memref<10000x32xf32, #tpu.memory_space<hbm>> -> memref<10000x32xf32, #tpu.memory_space<hbm>>
    tpu.enqueue_indirect_dma source(%dma_start3A_53 : memref<10000x32xf32, #tpu.memory_space<hbm>>) target(%dma_start3A_47 : memref<80x32xf32, #tpu.memory_space<vmem>>) offsets(%dma_start3A_50 : memref<80xi32, #tpu.memory_space<vmem>>) semaphore(%arg11 : memref<!tpu.dma_semaphore, #tpu.memory_space<semaphore_mem>>)
    %dma_start3A_54 = arith.constant 4 : i32
    %dma_start3A_55 = arith.constant 4 : i32
    %dma_start3A_56 = arith.constant 0 : i32
    %dma_start3A_57 = arith.constant 0 : i32
    %dma_start3A_58 = tpu.memref_slice %arg9[%dma_start3A_55, %dma_start3A_56, %dma_start3A_57] : memref<10x80x32xf32, #tpu.memory_space<vmem>> -> memref<1x80x32xf32, #tpu.memory_space<vmem>>
    %dma_start3A_59 = tpu.memref_squeeze %dma_start3A_58 : memref<1x80x32xf32, #tpu.memory_space<vmem>> -> memref<80x32xf32, #tpu.memory_space<vmem>>
    %dma_start3A_60 = arith.constant 0 : i32
    %dma_start3A_61 = tpu.memref_slice %arg7[%dma_start3A_54, %dma_start3A_60] : memref<125x80xi32, #tpu.memory_space<vmem>> -> memref<1x80xi32, #tpu.memory_space<vmem>>
    %dma_start3A_62 = tpu.memref_squeeze %dma_start3A_61 : memref<1x80xi32, #tpu.memory_space<vmem>> -> memref<80xi32, #tpu.memory_space<vmem>>
    %dma_start3A_63 = arith.constant 0 : i32
    %dma_start3A_64 = arith.constant 0 : i32
    %dma_start3A_65 = tpu.memref_slice %arg4[%dma_start3A_63, %dma_start3A_64] : memref<10000x32xf32, #tpu.memory_space<hbm>> -> memref<10000x32xf32, #tpu.memory_space<hbm>>
    tpu.enqueue_indirect_dma source(%dma_start3A_65 : memref<10000x32xf32, #tpu.memory_space<hbm>>) target(%dma_start3A_59 : memref<80x32xf32, #tpu.memory_space<vmem>>) offsets(%dma_start3A_62 : memref<80xi32, #tpu.memory_space<vmem>>) semaphore(%arg11 : memref<!tpu.dma_semaphore, #tpu.memory_space<semaphore_mem>>)
    %scan3A = arith.constant 0 : i32
    %scan3A_66 = arith.constant 0 : i32
    %scan3A_67 = arith.constant 125 : i32
    %scan3A_68 = arith.addi %scan3A_66, %scan3A_67 : i32
    %scan3A_69 = arith.constant 1 : i32
    scf.for %scan3A_140 = %scan3A_66 to %scan3A_68 step %scan3A_69  : i32 {
      %rem3A = arith.constant 10 : i32
      %rem3A_141 = arith.remsi %scan3A_140, %rem3A : i32
      %dma_wait3A_142 = arith.constant 0 : i32
      %dma_wait3A_143 = arith.constant 0 : i32
      %dma_wait3A_144 = tpu.memref_slice %arg9[%rem3A_141, %dma_wait3A_142, %dma_wait3A_143] : memref<10x80x32xf32, #tpu.memory_space<vmem>> -> memref<1x80x32xf32, #tpu.memory_space<vmem>>
      %dma_wait3A_145 = tpu.memref_squeeze %dma_wait3A_144 : memref<1x80x32xf32, #tpu.memory_space<vmem>> -> memref<80x32xf32, #tpu.memory_space<vmem>>
      %dma_wait3A_146 = arith.constant 0 : i32
      %dma_wait3A_147 = tpu.memref_slice %arg7[%scan3A_140, %dma_wait3A_146] : memref<125x80xi32, #tpu.memory_space<vmem>> -> memref<1x80xi32, #tpu.memory_space<vmem>>
      %dma_wait3A_148 = tpu.memref_squeeze %dma_wait3A_147 : memref<1x80xi32, #tpu.memory_space<vmem>> -> memref<80xi32, #tpu.memory_space<vmem>>
      %dma_wait3A_149 = arith.constant 0 : i32
      %dma_wait3A_150 = arith.constant 0 : i32
      %dma_wait3A_151 = tpu.memref_slice %arg4[%dma_wait3A_149, %dma_wait3A_150] : memref<10000x32xf32, #tpu.memory_space<hbm>> -> memref<10000x32xf32, #tpu.memory_space<hbm>>
      tpu.wait_indirect_dma semaphore(%arg11 : memref<!tpu.dma_semaphore, #tpu.memory_space<semaphore_mem>>) src(%dma_wait3A_151 : memref<10000x32xf32, #tpu.memory_space<hbm>>) dst(%dma_wait3A_145 : memref<80x32xf32, #tpu.memory_space<vmem>>)
      %dma_start3A_152 = arith.constant 0 : i32
      %dma_start3A_153 = arith.constant 0 : i32
      %dma_start3A_154 = tpu.memref_slice %arg9[%rem3A_141, %dma_start3A_152, %dma_start3A_153] : memref<10x80x32xf32, #tpu.memory_space<vmem>> -> memref<1x80x32xf32, #tpu.memory_space<vmem>>
      %dma_start3A_155 = tpu.memref_squeeze %dma_start3A_154 : memref<1x80x32xf32, #tpu.memory_space<vmem>> -> memref<80x32xf32, #tpu.memory_space<vmem>>
      %dma_start3A_156 = arith.constant 0 : i32
      %dma_start3A_157 = tpu.memref_slice %arg8[%scan3A_140, %dma_start3A_156] : memref<125x80xi32, #tpu.memory_space<vmem>> -> memref<1x80xi32, #tpu.memory_space<vmem>>
      %dma_start3A_158 = tpu.memref_squeeze %dma_start3A_157 : memref<1x80xi32, #tpu.memory_space<vmem>> -> memref<80xi32, #tpu.memory_space<vmem>>
      %dma_start3A_159 = arith.constant 0 : i32
      %dma_start3A_160 = arith.constant 0 : i32
      %dma_start3A_161 = tpu.memref_slice %arg10[%dma_start3A_159, %dma_start3A_160] : memref<10000x32xf32, #tpu.memory_space<vmem_shared>> -> memref<10000x32xf32, #tpu.memory_space<vmem_shared>>
      tpu.enqueue_indirect_dma source(%dma_start3A_155 : memref<80x32xf32, #tpu.memory_space<vmem>>) target(%dma_start3A_161 : memref<10000x32xf32, #tpu.memory_space<vmem_shared>>) offsets(%dma_start3A_158 : memref<80xi32, #tpu.memory_space<vmem>>) semaphore(%arg12 : memref<!tpu.dma_semaphore, #tpu.memory_space<semaphore_mem>>) {add = true}
      %ge3A = arith.constant 5 : i32
      %ge3A_162 = arith.cmpi sge, %scan3A_140, %ge3A : i32
      %convert_element_type3A_163 = arith.extui %ge3A_162 : i1 to i32
      %cond3A_164 = arith.constant 0 : i32
      %cond3A_165 = arith.cmpi ne, %convert_element_type3A_163, %cond3A_164 : i32
      scf.if %cond3A_165 {
        %dma_wait3A_172 = arith.constant 0 : i32
        %dma_wait3A_173 = arith.constant 0 : i32
        %dma_wait3A_174 = tpu.memref_slice %arg9[%rem3A_141, %dma_wait3A_172, %dma_wait3A_173] : memref<10x80x32xf32, #tpu.memory_space<vmem>> -> memref<1x80x32xf32, #tpu.memory_space<vmem>>
        %dma_wait3A_175 = tpu.memref_squeeze %dma_wait3A_174 : memref<1x80x32xf32, #tpu.memory_space<vmem>> -> memref<80x32xf32, #tpu.memory_space<vmem>>
        %dma_wait3A_176 = arith.constant 0 : i32
        %dma_wait3A_177 = tpu.memref_slice %arg8[%scan3A_140, %dma_wait3A_176] : memref<125x80xi32, #tpu.memory_space<vmem>> -> memref<1x80xi32, #tpu.memory_space<vmem>>
        %dma_wait3A_178 = tpu.memref_squeeze %dma_wait3A_177 : memref<1x80xi32, #tpu.memory_space<vmem>> -> memref<80xi32, #tpu.memory_space<vmem>>
        %dma_wait3A_179 = arith.constant 0 : i32
        %dma_wait3A_180 = arith.constant 0 : i32
        %dma_wait3A_181 = tpu.memref_slice %arg10[%dma_wait3A_179, %dma_wait3A_180] : memref<10000x32xf32, #tpu.memory_space<vmem_shared>> -> memref<10000x32xf32, #tpu.memory_space<vmem_shared>>
        tpu.wait_indirect_dma semaphore(%arg12 : memref<!tpu.dma_semaphore, #tpu.memory_space<semaphore_mem>>) src(%dma_wait3A_175 : memref<80x32xf32, #tpu.memory_space<vmem>>) dst(%dma_wait3A_181 : memref<10000x32xf32, #tpu.memory_space<vmem_shared>>)
      } else {
      }
      %add3A_166 = arith.constant 5 : i32
      %add3A_167 = arith.addi %scan3A_140, %add3A_166 : i32
      %lt3A = arith.constant 125 : i32
      %lt3A_168 = arith.cmpi slt, %add3A_167, %lt3A : i32
      %convert_element_type3A_169 = arith.extui %lt3A_168 : i1 to i32
      %cond3A_170 = arith.constant 0 : i32
      %cond3A_171 = arith.cmpi ne, %convert_element_type3A_169, %cond3A_170 : i32
      scf.if %cond3A_171 {
        %add3A_172 = arith.constant 5 : i32
        %add3A_173 = arith.addi %scan3A_140, %add3A_172 : i32
        %add3A_174 = arith.constant 5 : i32
        %add3A_175 = arith.addi %scan3A_140, %add3A_174 : i32
        %rem3A_176 = arith.constant 10 : i32
        %rem3A_177 = arith.remsi %add3A_175, %rem3A_176 : i32
        %dma_start3A_178 = arith.constant 0 : i32
        %dma_start3A_179 = arith.constant 0 : i32
        %dma_start3A_180 = tpu.memref_slice %arg9[%rem3A_177, %dma_start3A_178, %dma_start3A_179] : memref<10x80x32xf32, #tpu.memory_space<vmem>> -> memref<1x80x32xf32, #tpu.memory_space<vmem>>
        %dma_start3A_181 = tpu.memref_squeeze %dma_start3A_180 : memref<1x80x32xf32, #tpu.memory_space<vmem>> -> memref<80x32xf32, #tpu.memory_space<vmem>>
        %dma_start3A_182 = arith.constant 0 : i32
        %dma_start3A_183 = tpu.memref_slice %arg7[%add3A_173, %dma_start3A_182] : memref<125x80xi32, #tpu.memory_space<vmem>> -> memref<1x80xi32, #tpu.memory_space<vmem>>
        %dma_start3A_184 = tpu.memref_squeeze %dma_start3A_183 : memref<1x80xi32, #tpu.memory_space<vmem>> -> memref<80xi32, #tpu.memory_space<vmem>>
        %dma_start3A_185 = arith.constant 0 : i32
        %dma_start3A_186 = arith.constant 0 : i32
        %dma_start3A_187 = tpu.memref_slice %arg4[%dma_start3A_185, %dma_start3A_186] : memref<10000x32xf32, #tpu.memory_space<hbm>> -> memref<10000x32xf32, #tpu.memory_space<hbm>>
        tpu.enqueue_indirect_dma source(%dma_start3A_187 : memref<10000x32xf32, #tpu.memory_space<hbm>>) target(%dma_start3A_181 : memref<80x32xf32, #tpu.memory_space<vmem>>) offsets(%dma_start3A_184 : memref<80xi32, #tpu.memory_space<vmem>>) semaphore(%arg11 : memref<!tpu.dma_semaphore, #tpu.memory_space<semaphore_mem>>)
      } else {
      }
    }
    %scan3A_70 = arith.constant 125 : i32
    %dma_wait3A = arith.constant 0 : i32
    %dma_wait3A_71 = arith.constant 0 : i32
    %dma_wait3A_72 = arith.constant 0 : i32
    %dma_wait3A_73 = arith.constant 0 : i32
    %dma_wait3A_74 = tpu.memref_slice %arg9[%dma_wait3A, %dma_wait3A_72, %dma_wait3A_73] : memref<10x80x32xf32, #tpu.memory_space<vmem>> -> memref<1x80x32xf32, #tpu.memory_space<vmem>>
    %dma_wait3A_75 = tpu.memref_squeeze %dma_wait3A_74 : memref<1x80x32xf32, #tpu.memory_space<vmem>> -> memref<80x32xf32, #tpu.memory_space<vmem>>
    %dma_wait3A_76 = arith.constant 0 : i32
    %dma_wait3A_77 = tpu.memref_slice %arg8[%dma_wait3A_71, %dma_wait3A_76] : memref<125x80xi32, #tpu.memory_space<vmem>> -> memref<1x80xi32, #tpu.memory_space<vmem>>
    %dma_wait3A_78 = tpu.memref_squeeze %dma_wait3A_77 : memref<1x80xi32, #tpu.memory_space<vmem>> -> memref<80xi32, #tpu.memory_space<vmem>>
    %dma_wait3A_79 = arith.constant 0 : i32
    %dma_wait3A_80 = arith.constant 0 : i32
    %dma_wait3A_81 = tpu.memref_slice %arg10[%dma_wait3A_79, %dma_wait3A_80] : memref<10000x32xf32, #tpu.memory_space<vmem_shared>> -> memref<10000x32xf32, #tpu.memory_space<vmem_shared>>
    tpu.wait_indirect_dma semaphore(%arg12 : memref<!tpu.dma_semaphore, #tpu.memory_space<semaphore_mem>>) src(%dma_wait3A_75 : memref<80x32xf32, #tpu.memory_space<vmem>>) dst(%dma_wait3A_81 : memref<10000x32xf32, #tpu.memory_space<vmem_shared>>)
    %dma_wait3A_82 = arith.constant 0 : i32
    %dma_wait3A_83 = arith.constant 0 : i32
    %dma_wait3A_84 = arith.constant 0 : i32
    %dma_wait3A_85 = arith.constant 0 : i32
    %dma_wait3A_86 = tpu.memref_slice %arg9[%dma_wait3A_82, %dma_wait3A_84, %dma_wait3A_85] : memref<10x80x32xf32, #tpu.memory_space<vmem>> -> memref<1x80x32xf32, #tpu.memory_space<vmem>>
    %dma_wait3A_87 = tpu.memref_squeeze %dma_wait3A_86 : memref<1x80x32xf32, #tpu.memory_space<vmem>> -> memref<80x32xf32, #tpu.memory_space<vmem>>
    %dma_wait3A_88 = arith.constant 0 : i32
    %dma_wait3A_89 = tpu.memref_slice %arg8[%dma_wait3A_83, %dma_wait3A_88] : memref<125x80xi32, #tpu.memory_space<vmem>> -> memref<1x80xi32, #tpu.memory_space<vmem>>
    %dma_wait3A_90 = tpu.memref_squeeze %dma_wait3A_89 : memref<1x80xi32, #tpu.memory_space<vmem>> -> memref<80xi32, #tpu.memory_space<vmem>>
    %dma_wait3A_91 = arith.constant 0 : i32
    %dma_wait3A_92 = arith.constant 0 : i32
    %dma_wait3A_93 = tpu.memref_slice %arg10[%dma_wait3A_91, %dma_wait3A_92] : memref<10000x32xf32, #tpu.memory_space<vmem_shared>> -> memref<10000x32xf32, #tpu.memory_space<vmem_shared>>
    tpu.wait_indirect_dma semaphore(%arg12 : memref<!tpu.dma_semaphore, #tpu.memory_space<semaphore_mem>>) src(%dma_wait3A_87 : memref<80x32xf32, #tpu.memory_space<vmem>>) dst(%dma_wait3A_93 : memref<10000x32xf32, #tpu.memory_space<vmem_shared>>)
    %dma_wait3A_94 = arith.constant 0 : i32
    %dma_wait3A_95 = arith.constant 0 : i32
    %dma_wait3A_96 = arith.constant 0 : i32
    %dma_wait3A_97 = arith.constant 0 : i32
    %dma_wait3A_98 = tpu.memref_slice %arg9[%dma_wait3A_94, %dma_wait3A_96, %dma_wait3A_97] : memref<10x80x32xf32, #tpu.memory_space<vmem>> -> memref<1x80x32xf32, #tpu.memory_space<vmem>>
    %dma_wait3A_99 = tpu.memref_squeeze %dma_wait3A_98 : memref<1x80x32xf32, #tpu.memory_space<vmem>> -> memref<80x32xf32, #tpu.memory_space<vmem>>
    %dma_wait3A_100 = arith.constant 0 : i32
    %dma_wait3A_101 = tpu.memref_slice %arg8[%dma_wait3A_95, %dma_wait3A_100] : memref<125x80xi32, #tpu.memory_space<vmem>> -> memref<1x80xi32, #tpu.memory_space<vmem>>
    %dma_wait3A_102 = tpu.memref_squeeze %dma_wait3A_101 : memref<1x80xi32, #tpu.memory_space<vmem>> -> memref<80xi32, #tpu.memory_space<vmem>>
    %dma_wait3A_103 = arith.constant 0 : i32
    %dma_wait3A_104 = arith.constant 0 : i32
    %dma_wait3A_105 = tpu.memref_slice %arg10[%dma_wait3A_103, %dma_wait3A_104] : memref<10000x32xf32, #tpu.memory_space<vmem_shared>> -> memref<10000x32xf32, #tpu.memory_space<vmem_shared>>
    tpu.wait_indirect_dma semaphore(%arg12 : memref<!tpu.dma_semaphore, #tpu.memory_space<semaphore_mem>>) src(%dma_wait3A_99 : memref<80x32xf32, #tpu.memory_space<vmem>>) dst(%dma_wait3A_105 : memref<10000x32xf32, #tpu.memory_space<vmem_shared>>)
    %dma_wait3A_106 = arith.constant 0 : i32
    %dma_wait3A_107 = arith.constant 0 : i32
    %dma_wait3A_108 = arith.constant 0 : i32
    %dma_wait3A_109 = arith.constant 0 : i32
    %dma_wait3A_110 = tpu.memref_slice %arg9[%dma_wait3A_106, %dma_wait3A_108, %dma_wait3A_109] : memref<10x80x32xf32, #tpu.memory_space<vmem>> -> memref<1x80x32xf32, #tpu.memory_space<vmem>>
    %dma_wait3A_111 = tpu.memref_squeeze %dma_wait3A_110 : memref<1x80x32xf32, #tpu.memory_space<vmem>> -> memref<80x32xf32, #tpu.memory_space<vmem>>
    %dma_wait3A_112 = arith.constant 0 : i32
    %dma_wait3A_113 = tpu.memref_slice %arg8[%dma_wait3A_107, %dma_wait3A_112] : memref<125x80xi32, #tpu.memory_space<vmem>> -> memref<1x80xi32, #tpu.memory_space<vmem>>
    %dma_wait3A_114 = tpu.memref_squeeze %dma_wait3A_113 : memref<1x80xi32, #tpu.memory_space<vmem>> -> memref<80xi32, #tpu.memory_space<vmem>>
    %dma_wait3A_115 = arith.constant 0 : i32
    %dma_wait3A_116 = arith.constant 0 : i32
    %dma_wait3A_117 = tpu.memref_slice %arg10[%dma_wait3A_115, %dma_wait3A_116] : memref<10000x32xf32, #tpu.memory_space<vmem_shared>> -> memref<10000x32xf32, #tpu.memory_space<vmem_shared>>
    tpu.wait_indirect_dma semaphore(%arg12 : memref<!tpu.dma_semaphore, #tpu.memory_space<semaphore_mem>>) src(%dma_wait3A_111 : memref<80x32xf32, #tpu.memory_space<vmem>>) dst(%dma_wait3A_117 : memref<10000x32xf32, #tpu.memory_space<vmem_shared>>)
    %dma_wait3A_118 = arith.constant 0 : i32
    %dma_wait3A_119 = arith.constant 0 : i32
    %dma_wait3A_120 = arith.constant 0 : i32
    %dma_wait3A_121 = arith.constant 0 : i32
    %dma_wait3A_122 = tpu.memref_slice %arg9[%dma_wait3A_118, %dma_wait3A_120, %dma_wait3A_121] : memref<10x80x32xf32, #tpu.memory_space<vmem>> -> memref<1x80x32xf32, #tpu.memory_space<vmem>>
    %dma_wait3A_123 = tpu.memref_squeeze %dma_wait3A_122 : memref<1x80x32xf32, #tpu.memory_space<vmem>> -> memref<80x32xf32, #tpu.memory_space<vmem>>
    %dma_wait3A_124 = arith.constant 0 : i32
    %dma_wait3A_125 = tpu.memref_slice %arg8[%dma_wait3A_119, %dma_wait3A_124] : memref<125x80xi32, #tpu.memory_space<vmem>> -> memref<1x80xi32, #tpu.memory_space<vmem>>
    %dma_wait3A_126 = tpu.memref_squeeze %dma_wait3A_125 : memref<1x80xi32, #tpu.memory_space<vmem>> -> memref<80xi32, #tpu.memory_space<vmem>>
    %dma_wait3A_127 = arith.constant 0 : i32
    %dma_wait3A_128 = arith.constant 0 : i32
    %dma_wait3A_129 = tpu.memref_slice %arg10[%dma_wait3A_127, %dma_wait3A_128] : memref<10000x32xf32, #tpu.memory_space<vmem_shared>> -> memref<10000x32xf32, #tpu.memory_space<vmem_shared>>
    tpu.wait_indirect_dma semaphore(%arg12 : memref<!tpu.dma_semaphore, #tpu.memory_space<semaphore_mem>>) src(%dma_wait3A_123 : memref<80x32xf32, #tpu.memory_space<vmem>>) dst(%dma_wait3A_129 : memref<10000x32xf32, #tpu.memory_space<vmem_shared>>)
    %barrier3A_130 = arith.constant 0 : index
    tpu.barrier barrier_id(%barrier3A_130)
    %mul3A_131 = arith.constant 624 : i32
    %mul3A_132 = arith.muli %arg1, %mul3A_131 : i32
    %mul3A_133 = arith.constant 624 : i32
    %mul3A_134 = arith.muli %arg1, %mul3A_133 : i32
    "tpu.region"() ({
      %run_scoped3A = tpu.sem_alloc : memref<!tpu.dma_semaphore, #tpu.memory_space<semaphore_mem>>
      %dma_start3A_140 = arith.constant 0 : i32
      %dma_start3A_141 = tpu.memref_slice %arg6[%arg0, %mul3A_134, %dma_start3A_140] : memref<2x10000x32xf32, #tpu.memory_space<hbm>> -> memref<1x624x32xf32, #tpu.memory_space<hbm>>
      %dma_start3A_142 = tpu.memref_squeeze %dma_start3A_141 : memref<1x624x32xf32, #tpu.memory_space<hbm>> -> memref<624x32xf32, #tpu.memory_space<hbm>>
      %dma_start3A_143 = arith.constant 0 : i32
      %dma_start3A_144 = tpu.memref_slice %arg10[%mul3A_132, %dma_start3A_143] : memref<10000x32xf32, #tpu.memory_space<vmem_shared>> -> memref<624x32xf32, #tpu.memory_space<vmem_shared>>
      tpu.enqueue_dma source(%dma_start3A_144 : memref<624x32xf32, #tpu.memory_space<vmem_shared>>) target(%dma_start3A_142 : memref<624x32xf32, #tpu.memory_space<hbm>>) target_semaphore(%run_scoped3A : memref<!tpu.dma_semaphore, #tpu.memory_space<semaphore_mem>>)
      %dma_wait3A_145 = arith.constant 0 : i32
      %dma_wait3A_146 = tpu.memref_slice %arg6[%arg0, %mul3A_134, %dma_wait3A_145] : memref<2x10000x32xf32, #tpu.memory_space<hbm>> -> memref<1x624x32xf32, #tpu.memory_space<hbm>>
      %dma_wait3A_147 = tpu.memref_squeeze %dma_wait3A_146 : memref<1x624x32xf32, #tpu.memory_space<hbm>> -> memref<624x32xf32, #tpu.memory_space<hbm>>
      %dma_wait3A_148 = arith.constant 0 : i32
      %dma_wait3A_149 = tpu.memref_slice %arg10[%mul3A_132, %dma_wait3A_148] : memref<10000x32xf32, #tpu.memory_space<vmem_shared>> -> memref<624x32xf32, #tpu.memory_space<vmem_shared>>
      tpu.wait_dma2 semaphore(%run_scoped3A : memref<!tpu.dma_semaphore, #tpu.memory_space<semaphore_mem>>) src(%dma_wait3A_149 : memref<624x32xf32, #tpu.memory_space<vmem_shared>>) dst(%dma_wait3A_147 : memref<624x32xf32, #tpu.memory_space<hbm>>)
      tpu.yield
    }) : () -> ()
    %eq3A_135 = arith.constant 15 : i32
    %eq3A_136 = arith.cmpi eq, %arg1, %eq3A_135 : i32
    %convert_element_type3A_137 = arith.extui %eq3A_136 : i1 to i32
    %cond3A_138 = arith.constant 0 : i32
    %cond3A_139 = arith.cmpi ne, %convert_element_type3A_137, %cond3A_138 : i32
    scf.if %cond3A_139 {
      "tpu.region"() ({
        %run_scoped3A = tpu.sem_alloc : memref<!tpu.dma_semaphore, #tpu.memory_space<semaphore_mem>>
        %dma_start3A_140 = arith.constant 9984 : i32
        %dma_start3A_141 = arith.constant 0 : i32
        %dma_start3A_142 = tpu.memref_slice %arg6[%arg0, %dma_start3A_140, %dma_start3A_141] : memref<2x10000x32xf32, #tpu.memory_space<hbm>> -> memref<1x16x32xf32, #tpu.memory_space<hbm>>
        %dma_start3A_143 = tpu.memref_squeeze %dma_start3A_142 : memref<1x16x32xf32, #tpu.memory_space<hbm>> -> memref<16x32xf32, #tpu.memory_space<hbm>>
        %dma_start3A_144 = arith.constant 9984 : i32
        %dma_start3A_145 = arith.constant 0 : i32
        %dma_start3A_146 = tpu.memref_slice %arg10[%dma_start3A_144, %dma_start3A_145] : memref<10000x32xf32, #tpu.memory_space<vmem_shared>> -> memref<16x32xf32, #tpu.memory_space<vmem_shared>>
        tpu.enqueue_dma source(%dma_start3A_146 : memref<16x32xf32, #tpu.memory_space<vmem_shared>>) target(%dma_start3A_143 : memref<16x32xf32, #tpu.memory_space<hbm>>) target_semaphore(%run_scoped3A : memref<!tpu.dma_semaphore, #tpu.memory_space<semaphore_mem>>)
        %dma_wait3A_147 = arith.constant 9984 : i32
        %dma_wait3A_148 = arith.constant 0 : i32
        %dma_wait3A_149 = tpu.memref_slice %arg6[%arg0, %dma_wait3A_147, %dma_wait3A_148] : memref<2x10000x32xf32, #tpu.memory_space<hbm>> -> memref<1x16x32xf32, #tpu.memory_space<hbm>>
        %dma_wait3A_150 = tpu.memref_squeeze %dma_wait3A_149 : memref<1x16x32xf32, #tpu.memory_space<hbm>> -> memref<16x32xf32, #tpu.memory_space<hbm>>
        %dma_wait3A_151 = arith.constant 9984 : i32
        %dma_wait3A_152 = arith.constant 0 : i32
        %dma_wait3A_153 = tpu.memref_slice %arg10[%dma_wait3A_151, %dma_wait3A_152] : memref<10000x32xf32, #tpu.memory_space<vmem_shared>> -> memref<16x32xf32, #tpu.memory_space<vmem_shared>>
        tpu.wait_dma2 semaphore(%run_scoped3A : memref<!tpu.dma_semaphore, #tpu.memory_space<semaphore_mem>>) src(%dma_wait3A_153 : memref<16x32xf32, #tpu.memory_space<vmem_shared>>) dst(%dma_wait3A_150 : memref<16x32xf32, #tpu.memory_space<hbm>>)
        tpu.yield
      }) : () -> ()
    } else {
    }
    return
  }
}

#map = affine_map<(d0, d1) -> (0, 0, 0)>
#map1 = affine_map<(d0, d1) -> (0, 0)>
module attributes {stable_mosaic.version = 14 : i64} {
  func.func @k(%arg0: i32, %arg1: i32, %arg2: memref<32x125x80xi32, #tpu.memory_space<hbm>>, %arg3: memref<32x125x80xi32, #tpu.memory_space<hbm>>, %arg4: memref<10000x64xf32, #tpu.memory_space<hbm>>, %arg5: memref<10000x64xf32, #tpu.memory_space<hbm>>, %arg6: memref<2x10000x64xf32, #tpu.memory_space<hbm>>, %arg7: memref<125x80xi32, #tpu.memory_space<vmem>>, %arg8: memref<125x80xi32, #tpu.memory_space<vmem>>, %arg9: memref<10x80x64xf32, #tpu.memory_space<vmem>>, %arg10: memref<10000x64xf32, #tpu.memory_space<vmem_shared>>, %arg11: memref<!tpu.dma_semaphore, #tpu.memory_space<semaphore_mem>>, %arg12: memref<!tpu.dma_semaphore, #tpu.memory_space<semaphore_mem>>) attributes {dimension_semantics = [#tpu.dimension_semantics<core_parallel>, #tpu.dimension_semantics<subcore_parallel>], iteration_bounds = array<i64: 2, 16>, scalar_prefetch = 0 : i64, scratch_operands = 6 : i64, tpu.core_type = #tpu.core_type<sc_vector_subcore>, window_params = [{transform_indices = #map}, {transform_indices = #map}, {transform_indices = #map1}, {transform_indices = #map1}, {transform_indices = #map}]} {
    %mul3A = arith.constant 2 : i32
    %mul3A_0 = arith.muli %arg1, %mul3A : i32
    %add3A = arith.addi %mul3A_0, %arg0 : i32
    "tpu.region"() ({
      %run_scoped3A = tpu.sem_alloc : memref<!tpu.dma_semaphore, #tpu.memory_space<semaphore_mem>>
      %dma_start3A_140 = arith.constant 0 : i32
      %dma_start3A_141 = arith.constant 0 : i32
      %dma_start3A_142 = tpu.memref_slice %arg2[%add3A, %dma_start3A_140, %dma_start3A_141] : memref<32x125x80xi32, #tpu.memory_space<hbm>> -> memref<1x125x80xi32, #tpu.memory_space<hbm>>
      %dma_start3A_143 = tpu.memref_squeeze %dma_start3A_142 : memref<1x125x80xi32, #tpu.memory_space<hbm>> -> memref<125x80xi32, #tpu.memory_space<hbm>>
      %dma_start3A_144 = arith.constant 0 : i32
      %dma_start3A_145 = arith.constant 0 : i32
      %dma_start3A_146 = tpu.memref_slice %arg2[%add3A, %dma_start3A_144, %dma_start3A_145] : memref<32x125x80xi32, #tpu.memory_space<hbm>> -> memref<1x125x80xi32, #tpu.memory_space<hbm>>
      %dma_start3A_147 = tpu.memref_squeeze %dma_start3A_146 : memref<1x125x80xi32, #tpu.memory_space<hbm>> -> memref<125x80xi32, #tpu.memory_space<hbm>>
      tpu.enqueue_dma source(%dma_start3A_147 : memref<125x80xi32, #tpu.memory_space<hbm>>) target(%arg7 : memref<125x80xi32, #tpu.memory_space<vmem>>) target_semaphore(%run_scoped3A : memref<!tpu.dma_semaphore, #tpu.memory_space<semaphore_mem>>)
      %dma_wait3A_148 = arith.constant 0 : i32
      %dma_wait3A_149 = arith.constant 0 : i32
      %dma_wait3A_150 = tpu.memref_slice %arg2[%add3A, %dma_wait3A_148, %dma_wait3A_149] : memref<32x125x80xi32, #tpu.memory_space<hbm>> -> memref<1x125x80xi32, #tpu.memory_space<hbm>>
      %dma_wait3A_151 = tpu.memref_squeeze %dma_wait3A_150 : memref<1x125x80xi32, #tpu.memory_space<hbm>> -> memref<125x80xi32, #tpu.memory_space<hbm>>
      %dma_wait3A_152 = arith.constant 0 : i32
      %dma_wait3A_153 = arith.constant 0 : i32
      %dma_wait3A_154 = tpu.memref_slice %arg2[%add3A, %dma_wait3A_152, %dma_wait3A_153] : memref<32x125x80xi32, #tpu.memory_space<hbm>> -> memref<1x125x80xi32, #tpu.memory_space<hbm>>
      %dma_wait3A_155 = tpu.memref_squeeze %dma_wait3A_154 : memref<1x125x80xi32, #tpu.memory_space<hbm>> -> memref<125x80xi32, #tpu.memory_space<hbm>>
      tpu.wait_dma2 semaphore(%run_scoped3A : memref<!tpu.dma_semaphore, #tpu.memory_space<semaphore_mem>>) src(%dma_wait3A_155 : memref<125x80xi32, #tpu.memory_space<hbm>>) dst(%arg7 : memref<125x80xi32, #tpu.memory_space<vmem>>)
      tpu.yield
    }) : () -> ()
    "tpu.region"() ({
      %run_scoped3A = tpu.sem_alloc : memref<!tpu.dma_semaphore, #tpu.memory_space<semaphore_mem>>
      %dma_start3A_140 = arith.constant 0 : i32
      %dma_start3A_141 = arith.constant 0 : i32
      %dma_start3A_142 = tpu.memref_slice %arg3[%add3A, %dma_start3A_140, %dma_start3A_141] : memref<32x125x80xi32, #tpu.memory_space<hbm>> -> memref<1x125x80xi32, #tpu.memory_space<hbm>>
      %dma_start3A_143 = tpu.memref_squeeze %dma_start3A_142 : memref<1x125x80xi32, #tpu.memory_space<hbm>> -> memref<125x80xi32, #tpu.memory_space<hbm>>
      %dma_start3A_144 = arith.constant 0 : i32
      %dma_start3A_145 = arith.constant 0 : i32
      %dma_start3A_146 = tpu.memref_slice %arg3[%add3A, %dma_start3A_144, %dma_start3A_145] : memref<32x125x80xi32, #tpu.memory_space<hbm>> -> memref<1x125x80xi32, #tpu.memory_space<hbm>>
      %dma_start3A_147 = tpu.memref_squeeze %dma_start3A_146 : memref<1x125x80xi32, #tpu.memory_space<hbm>> -> memref<125x80xi32, #tpu.memory_space<hbm>>
      tpu.enqueue_dma source(%dma_start3A_147 : memref<125x80xi32, #tpu.memory_space<hbm>>) target(%arg8 : memref<125x80xi32, #tpu.memory_space<vmem>>) target_semaphore(%run_scoped3A : memref<!tpu.dma_semaphore, #tpu.memory_space<semaphore_mem>>)
      %dma_wait3A_148 = arith.constant 0 : i32
      %dma_wait3A_149 = arith.constant 0 : i32
      %dma_wait3A_150 = tpu.memref_slice %arg3[%add3A, %dma_wait3A_148, %dma_wait3A_149] : memref<32x125x80xi32, #tpu.memory_space<hbm>> -> memref<1x125x80xi32, #tpu.memory_space<hbm>>
      %dma_wait3A_151 = tpu.memref_squeeze %dma_wait3A_150 : memref<1x125x80xi32, #tpu.memory_space<hbm>> -> memref<125x80xi32, #tpu.memory_space<hbm>>
      %dma_wait3A_152 = arith.constant 0 : i32
      %dma_wait3A_153 = arith.constant 0 : i32
      %dma_wait3A_154 = tpu.memref_slice %arg3[%add3A, %dma_wait3A_152, %dma_wait3A_153] : memref<32x125x80xi32, #tpu.memory_space<hbm>> -> memref<1x125x80xi32, #tpu.memory_space<hbm>>
      %dma_wait3A_155 = tpu.memref_squeeze %dma_wait3A_154 : memref<1x125x80xi32, #tpu.memory_space<hbm>> -> memref<125x80xi32, #tpu.memory_space<hbm>>
      tpu.wait_dma2 semaphore(%run_scoped3A : memref<!tpu.dma_semaphore, #tpu.memory_space<semaphore_mem>>) src(%dma_wait3A_155 : memref<125x80xi32, #tpu.memory_space<hbm>>) dst(%arg8 : memref<125x80xi32, #tpu.memory_space<vmem>>)
      tpu.yield
    }) : () -> ()
    %mul3A_1 = arith.constant 624 : i32
    %mul3A_2 = arith.muli %arg1, %mul3A_1 : i32
    %mul3A_3 = arith.constant 624 : i32
    %mul3A_4 = arith.muli %arg1, %mul3A_3 : i32
    "tpu.region"() ({
      %run_scoped3A = tpu.sem_alloc : memref<!tpu.dma_semaphore, #tpu.memory_space<semaphore_mem>>
      %dma_start3A_140 = arith.constant 0 : i32
      %dma_start3A_141 = tpu.memref_slice %arg10[%mul3A_4, %dma_start3A_140] : memref<10000x64xf32, #tpu.memory_space<vmem_shared>> -> memref<624x64xf32, #tpu.memory_space<vmem_shared>>
      %dma_start3A_142 = arith.constant 0 : i32
      %dma_start3A_143 = tpu.memref_slice %arg5[%mul3A_2, %dma_start3A_142] : memref<10000x64xf32, #tpu.memory_space<hbm>> -> memref<624x64xf32, #tpu.memory_space<hbm>>
      tpu.enqueue_dma source(%dma_start3A_143 : memref<624x64xf32, #tpu.memory_space<hbm>>) target(%dma_start3A_141 : memref<624x64xf32, #tpu.memory_space<vmem_shared>>) target_semaphore(%run_scoped3A : memref<!tpu.dma_semaphore, #tpu.memory_space<semaphore_mem>>)
      %dma_wait3A_144 = arith.constant 0 : i32
      %dma_wait3A_145 = tpu.memref_slice %arg10[%mul3A_4, %dma_wait3A_144] : memref<10000x64xf32, #tpu.memory_space<vmem_shared>> -> memref<624x64xf32, #tpu.memory_space<vmem_shared>>
      %dma_wait3A_146 = arith.constant 0 : i32
      %dma_wait3A_147 = tpu.memref_slice %arg5[%mul3A_2, %dma_wait3A_146] : memref<10000x64xf32, #tpu.memory_space<hbm>> -> memref<624x64xf32, #tpu.memory_space<hbm>>
      tpu.wait_dma2 semaphore(%run_scoped3A : memref<!tpu.dma_semaphore, #tpu.memory_space<semaphore_mem>>) src(%dma_wait3A_147 : memref<624x64xf32, #tpu.memory_space<hbm>>) dst(%dma_wait3A_145 : memref<624x64xf32, #tpu.memory_space<vmem_shared>>)
      tpu.yield
    }) : () -> ()
    %eq3A = arith.constant 15 : i32
    %eq3A_5 = arith.cmpi eq, %arg1, %eq3A : i32
    %convert_element_type3A = arith.extui %eq3A_5 : i1 to i32
    %cond3A = arith.constant 0 : i32
    %cond3A_6 = arith.cmpi ne, %convert_element_type3A, %cond3A : i32
    scf.if %cond3A_6 {
      "tpu.region"() ({
        %run_scoped3A = tpu.sem_alloc : memref<!tpu.dma_semaphore, #tpu.memory_space<semaphore_mem>>
        %dma_start3A_140 = arith.constant 9984 : i32
        %dma_start3A_141 = arith.constant 0 : i32
        %dma_start3A_142 = tpu.memref_slice %arg10[%dma_start3A_140, %dma_start3A_141] : memref<10000x64xf32, #tpu.memory_space<vmem_shared>> -> memref<16x64xf32, #tpu.memory_space<vmem_shared>>
        %dma_start3A_143 = arith.constant 9984 : i32
        %dma_start3A_144 = arith.constant 0 : i32
        %dma_start3A_145 = tpu.memref_slice %arg5[%dma_start3A_143, %dma_start3A_144] : memref<10000x64xf32, #tpu.memory_space<hbm>> -> memref<16x64xf32, #tpu.memory_space<hbm>>
        tpu.enqueue_dma source(%dma_start3A_145 : memref<16x64xf32, #tpu.memory_space<hbm>>) target(%dma_start3A_142 : memref<16x64xf32, #tpu.memory_space<vmem_shared>>) target_semaphore(%run_scoped3A : memref<!tpu.dma_semaphore, #tpu.memory_space<semaphore_mem>>)
        %dma_wait3A_146 = arith.constant 9984 : i32
        %dma_wait3A_147 = arith.constant 0 : i32
        %dma_wait3A_148 = tpu.memref_slice %arg10[%dma_wait3A_146, %dma_wait3A_147] : memref<10000x64xf32, #tpu.memory_space<vmem_shared>> -> memref<16x64xf32, #tpu.memory_space<vmem_shared>>
        %dma_wait3A_149 = arith.constant 9984 : i32
        %dma_wait3A_150 = arith.constant 0 : i32
        %dma_wait3A_151 = tpu.memref_slice %arg5[%dma_wait3A_149, %dma_wait3A_150] : memref<10000x64xf32, #tpu.memory_space<hbm>> -> memref<16x64xf32, #tpu.memory_space<hbm>>
        tpu.wait_dma2 semaphore(%run_scoped3A : memref<!tpu.dma_semaphore, #tpu.memory_space<semaphore_mem>>) src(%dma_wait3A_151 : memref<16x64xf32, #tpu.memory_space<hbm>>) dst(%dma_wait3A_148 : memref<16x64xf32, #tpu.memory_space<vmem_shared>>)
        tpu.yield
      }) : () -> ()
    } else {
    }
    %barrier3A = arith.constant 0 : index
    tpu.barrier barrier_id(%barrier3A)
    %dma_start3A = arith.constant 0 : i32
    %dma_start3A_7 = arith.constant 0 : i32
    %dma_start3A_8 = arith.constant 0 : i32
    %dma_start3A_9 = arith.constant 0 : i32
    %dma_start3A_10 = tpu.memref_slice %arg9[%dma_start3A_7, %dma_start3A_8, %dma_start3A_9] : memref<10x80x64xf32, #tpu.memory_space<vmem>> -> memref<1x80x64xf32, #tpu.memory_space<vmem>>
    %dma_start3A_11 = tpu.memref_squeeze %dma_start3A_10 : memref<1x80x64xf32, #tpu.memory_space<vmem>> -> memref<80x64xf32, #tpu.memory_space<vmem>>
    %dma_start3A_12 = arith.constant 0 : i32
    %dma_start3A_13 = tpu.memref_slice %arg7[%dma_start3A, %dma_start3A_12] : memref<125x80xi32, #tpu.memory_space<vmem>> -> memref<1x80xi32, #tpu.memory_space<vmem>>
    %dma_start3A_14 = tpu.memref_squeeze %dma_start3A_13 : memref<1x80xi32, #tpu.memory_space<vmem>> -> memref<80xi32, #tpu.memory_space<vmem>>
    %dma_start3A_15 = arith.constant 0 : i32
    %dma_start3A_16 = arith.constant 0 : i32
    %dma_start3A_17 = tpu.memref_slice %arg4[%dma_start3A_15, %dma_start3A_16] : memref<10000x64xf32, #tpu.memory_space<hbm>> -> memref<10000x64xf32, #tpu.memory_space<hbm>>
    tpu.enqueue_indirect_dma source(%dma_start3A_17 : memref<10000x64xf32, #tpu.memory_space<hbm>>) target(%dma_start3A_11 : memref<80x64xf32, #tpu.memory_space<vmem>>) offsets(%dma_start3A_14 : memref<80xi32, #tpu.memory_space<vmem>>) semaphore(%arg11 : memref<!tpu.dma_semaphore, #tpu.memory_space<semaphore_mem>>)
    %dma_start3A_18 = arith.constant 1 : i32
    %dma_start3A_19 = arith.constant 1 : i32
    %dma_start3A_20 = arith.constant 0 : i32
    %dma_start3A_21 = arith.constant 0 : i32
    %dma_start3A_22 = tpu.memref_slice %arg9[%dma_start3A_19, %dma_start3A_20, %dma_start3A_21] : memref<10x80x64xf32, #tpu.memory_space<vmem>> -> memref<1x80x64xf32, #tpu.memory_space<vmem>>
    %dma_start3A_23 = tpu.memref_squeeze %dma_start3A_22 : memref<1x80x64xf32, #tpu.memory_space<vmem>> -> memref<80x64xf32, #tpu.memory_space<vmem>>
    %dma_start3A_24 = arith.constant 0 : i32
    %dma_start3A_25 = tpu.memref_slice %arg7[%dma_start3A_18, %dma_start3A_24] : memref<125x80xi32, #tpu.memory_space<vmem>> -> memref<1x80xi32, #tpu.memory_space<vmem>>
    %dma_start3A_26 = tpu.memref_squeeze %dma_start3A_25 : memref<1x80xi32, #tpu.memory_space<vmem>> -> memref<80xi32, #tpu.memory_space<vmem>>
    %dma_start3A_27 = arith.constant 0 : i32
    %dma_start3A_28 = arith.constant 0 : i32
    %dma_start3A_29 = tpu.memref_slice %arg4[%dma_start3A_27, %dma_start3A_28] : memref<10000x64xf32, #tpu.memory_space<hbm>> -> memref<10000x64xf32, #tpu.memory_space<hbm>>
    tpu.enqueue_indirect_dma source(%dma_start3A_29 : memref<10000x64xf32, #tpu.memory_space<hbm>>) target(%dma_start3A_23 : memref<80x64xf32, #tpu.memory_space<vmem>>) offsets(%dma_start3A_26 : memref<80xi32, #tpu.memory_space<vmem>>) semaphore(%arg11 : memref<!tpu.dma_semaphore, #tpu.memory_space<semaphore_mem>>)
    %dma_start3A_30 = arith.constant 2 : i32
    %dma_start3A_31 = arith.constant 2 : i32
    %dma_start3A_32 = arith.constant 0 : i32
    %dma_start3A_33 = arith.constant 0 : i32
    %dma_start3A_34 = tpu.memref_slice %arg9[%dma_start3A_31, %dma_start3A_32, %dma_start3A_33] : memref<10x80x64xf32, #tpu.memory_space<vmem>> -> memref<1x80x64xf32, #tpu.memory_space<vmem>>
    %dma_start3A_35 = tpu.memref_squeeze %dma_start3A_34 : memref<1x80x64xf32, #tpu.memory_space<vmem>> -> memref<80x64xf32, #tpu.memory_space<vmem>>
    %dma_start3A_36 = arith.constant 0 : i32
    %dma_start3A_37 = tpu.memref_slice %arg7[%dma_start3A_30, %dma_start3A_36] : memref<125x80xi32, #tpu.memory_space<vmem>> -> memref<1x80xi32, #tpu.memory_space<vmem>>
    %dma_start3A_38 = tpu.memref_squeeze %dma_start3A_37 : memref<1x80xi32, #tpu.memory_space<vmem>> -> memref<80xi32, #tpu.memory_space<vmem>>
    %dma_start3A_39 = arith.constant 0 : i32
    %dma_start3A_40 = arith.constant 0 : i32
    %dma_start3A_41 = tpu.memref_slice %arg4[%dma_start3A_39, %dma_start3A_40] : memref<10000x64xf32, #tpu.memory_space<hbm>> -> memref<10000x64xf32, #tpu.memory_space<hbm>>
    tpu.enqueue_indirect_dma source(%dma_start3A_41 : memref<10000x64xf32, #tpu.memory_space<hbm>>) target(%dma_start3A_35 : memref<80x64xf32, #tpu.memory_space<vmem>>) offsets(%dma_start3A_38 : memref<80xi32, #tpu.memory_space<vmem>>) semaphore(%arg11 : memref<!tpu.dma_semaphore, #tpu.memory_space<semaphore_mem>>)
    %dma_start3A_42 = arith.constant 3 : i32
    %dma_start3A_43 = arith.constant 3 : i32
    %dma_start3A_44 = arith.constant 0 : i32
    %dma_start3A_45 = arith.constant 0 : i32
    %dma_start3A_46 = tpu.memref_slice %arg9[%dma_start3A_43, %dma_start3A_44, %dma_start3A_45] : memref<10x80x64xf32, #tpu.memory_space<vmem>> -> memref<1x80x64xf32, #tpu.memory_space<vmem>>
    %dma_start3A_47 = tpu.memref_squeeze %dma_start3A_46 : memref<1x80x64xf32, #tpu.memory_space<vmem>> -> memref<80x64xf32, #tpu.memory_space<vmem>>
    %dma_start3A_48 = arith.constant 0 : i32
    %dma_start3A_49 = tpu.memref_slice %arg7[%dma_start3A_42, %dma_start3A_48] : memref<125x80xi32, #tpu.memory_space<vmem>> -> memref<1x80xi32, #tpu.memory_space<vmem>>
    %dma_start3A_50 = tpu.memref_squeeze %dma_start3A_49 : memref<1x80xi32, #tpu.memory_space<vmem>> -> memref<80xi32, #tpu.memory_space<vmem>>
    %dma_start3A_51 = arith.constant 0 : i32
    %dma_start3A_52 = arith.constant 0 : i32
    %dma_start3A_53 = tpu.memref_slice %arg4[%dma_start3A_51, %dma_start3A_52] : memref<10000x64xf32, #tpu.memory_space<hbm>> -> memref<10000x64xf32, #tpu.memory_space<hbm>>
    tpu.enqueue_indirect_dma source(%dma_start3A_53 : memref<10000x64xf32, #tpu.memory_space<hbm>>) target(%dma_start3A_47 : memref<80x64xf32, #tpu.memory_space<vmem>>) offsets(%dma_start3A_50 : memref<80xi32, #tpu.memory_space<vmem>>) semaphore(%arg11 : memref<!tpu.dma_semaphore, #tpu.memory_space<semaphore_mem>>)
    %dma_start3A_54 = arith.constant 4 : i32
    %dma_start3A_55 = arith.constant 4 : i32
    %dma_start3A_56 = arith.constant 0 : i32
    %dma_start3A_57 = arith.constant 0 : i32
    %dma_start3A_58 = tpu.memref_slice %arg9[%dma_start3A_55, %dma_start3A_56, %dma_start3A_57] : memref<10x80x64xf32, #tpu.memory_space<vmem>> -> memref<1x80x64xf32, #tpu.memory_space<vmem>>
    %dma_start3A_59 = tpu.memref_squeeze %dma_start3A_58 : memref<1x80x64xf32, #tpu.memory_space<vmem>> -> memref<80x64xf32, #tpu.memory_space<vmem>>
    %dma_start3A_60 = arith.constant 0 : i32
    %dma_start3A_61 = tpu.memref_slice %arg7[%dma_start3A_54, %dma_start3A_60] : memref<125x80xi32, #tpu.memory_space<vmem>> -> memref<1x80xi32, #tpu.memory_space<vmem>>
    %dma_start3A_62 = tpu.memref_squeeze %dma_start3A_61 : memref<1x80xi32, #tpu.memory_space<vmem>> -> memref<80xi32, #tpu.memory_space<vmem>>
    %dma_start3A_63 = arith.constant 0 : i32
    %dma_start3A_64 = arith.constant 0 : i32
    %dma_start3A_65 = tpu.memref_slice %arg4[%dma_start3A_63, %dma_start3A_64] : memref<10000x64xf32, #tpu.memory_space<hbm>> -> memref<10000x64xf32, #tpu.memory_space<hbm>>
    tpu.enqueue_indirect_dma source(%dma_start3A_65 : memref<10000x64xf32, #tpu.memory_space<hbm>>) target(%dma_start3A_59 : memref<80x64xf32, #tpu.memory_space<vmem>>) offsets(%dma_start3A_62 : memref<80xi32, #tpu.memory_space<vmem>>) semaphore(%arg11 : memref<!tpu.dma_semaphore, #tpu.memory_space<semaphore_mem>>)
    %scan3A = arith.constant 0 : i32
    %scan3A_66 = arith.constant 0 : i32
    %scan3A_67 = arith.constant 125 : i32
    %scan3A_68 = arith.addi %scan3A_66, %scan3A_67 : i32
    %scan3A_69 = arith.constant 1 : i32
    scf.for %scan3A_140 = %scan3A_66 to %scan3A_68 step %scan3A_69  : i32 {
      %rem3A = arith.constant 10 : i32
      %rem3A_141 = arith.remsi %scan3A_140, %rem3A : i32
      %dma_wait3A_142 = arith.constant 0 : i32
      %dma_wait3A_143 = arith.constant 0 : i32
      %dma_wait3A_144 = tpu.memref_slice %arg9[%rem3A_141, %dma_wait3A_142, %dma_wait3A_143] : memref<10x80x64xf32, #tpu.memory_space<vmem>> -> memref<1x80x64xf32, #tpu.memory_space<vmem>>
      %dma_wait3A_145 = tpu.memref_squeeze %dma_wait3A_144 : memref<1x80x64xf32, #tpu.memory_space<vmem>> -> memref<80x64xf32, #tpu.memory_space<vmem>>
      %dma_wait3A_146 = arith.constant 0 : i32
      %dma_wait3A_147 = tpu.memref_slice %arg7[%scan3A_140, %dma_wait3A_146] : memref<125x80xi32, #tpu.memory_space<vmem>> -> memref<1x80xi32, #tpu.memory_space<vmem>>
      %dma_wait3A_148 = tpu.memref_squeeze %dma_wait3A_147 : memref<1x80xi32, #tpu.memory_space<vmem>> -> memref<80xi32, #tpu.memory_space<vmem>>
      %dma_wait3A_149 = arith.constant 0 : i32
      %dma_wait3A_150 = arith.constant 0 : i32
      %dma_wait3A_151 = tpu.memref_slice %arg4[%dma_wait3A_149, %dma_wait3A_150] : memref<10000x64xf32, #tpu.memory_space<hbm>> -> memref<10000x64xf32, #tpu.memory_space<hbm>>
      tpu.wait_indirect_dma semaphore(%arg11 : memref<!tpu.dma_semaphore, #tpu.memory_space<semaphore_mem>>) src(%dma_wait3A_151 : memref<10000x64xf32, #tpu.memory_space<hbm>>) dst(%dma_wait3A_145 : memref<80x64xf32, #tpu.memory_space<vmem>>)
      %dma_start3A_152 = arith.constant 0 : i32
      %dma_start3A_153 = arith.constant 0 : i32
      %dma_start3A_154 = tpu.memref_slice %arg9[%rem3A_141, %dma_start3A_152, %dma_start3A_153] : memref<10x80x64xf32, #tpu.memory_space<vmem>> -> memref<1x80x64xf32, #tpu.memory_space<vmem>>
      %dma_start3A_155 = tpu.memref_squeeze %dma_start3A_154 : memref<1x80x64xf32, #tpu.memory_space<vmem>> -> memref<80x64xf32, #tpu.memory_space<vmem>>
      %dma_start3A_156 = arith.constant 0 : i32
      %dma_start3A_157 = tpu.memref_slice %arg8[%scan3A_140, %dma_start3A_156] : memref<125x80xi32, #tpu.memory_space<vmem>> -> memref<1x80xi32, #tpu.memory_space<vmem>>
      %dma_start3A_158 = tpu.memref_squeeze %dma_start3A_157 : memref<1x80xi32, #tpu.memory_space<vmem>> -> memref<80xi32, #tpu.memory_space<vmem>>
      %dma_start3A_159 = arith.constant 0 : i32
      %dma_start3A_160 = arith.constant 0 : i32
      %dma_start3A_161 = tpu.memref_slice %arg10[%dma_start3A_159, %dma_start3A_160] : memref<10000x64xf32, #tpu.memory_space<vmem_shared>> -> memref<10000x64xf32, #tpu.memory_space<vmem_shared>>
      tpu.enqueue_indirect_dma source(%dma_start3A_155 : memref<80x64xf32, #tpu.memory_space<vmem>>) target(%dma_start3A_161 : memref<10000x64xf32, #tpu.memory_space<vmem_shared>>) offsets(%dma_start3A_158 : memref<80xi32, #tpu.memory_space<vmem>>) semaphore(%arg12 : memref<!tpu.dma_semaphore, #tpu.memory_space<semaphore_mem>>) {add = true}
      %ge3A = arith.constant 5 : i32
      %ge3A_162 = arith.cmpi sge, %scan3A_140, %ge3A : i32
      %convert_element_type3A_163 = arith.extui %ge3A_162 : i1 to i32
      %cond3A_164 = arith.constant 0 : i32
      %cond3A_165 = arith.cmpi ne, %convert_element_type3A_163, %cond3A_164 : i32
      scf.if %cond3A_165 {
        %dma_wait3A_172 = arith.constant 0 : i32
        %dma_wait3A_173 = arith.constant 0 : i32
        %dma_wait3A_174 = tpu.memref_slice %arg9[%rem3A_141, %dma_wait3A_172, %dma_wait3A_173] : memref<10x80x64xf32, #tpu.memory_space<vmem>> -> memref<1x80x64xf32, #tpu.memory_space<vmem>>
        %dma_wait3A_175 = tpu.memref_squeeze %dma_wait3A_174 : memref<1x80x64xf32, #tpu.memory_space<vmem>> -> memref<80x64xf32, #tpu.memory_space<vmem>>
        %dma_wait3A_176 = arith.constant 0 : i32
        %dma_wait3A_177 = tpu.memref_slice %arg8[%scan3A_140, %dma_wait3A_176] : memref<125x80xi32, #tpu.memory_space<vmem>> -> memref<1x80xi32, #tpu.memory_space<vmem>>
        %dma_wait3A_178 = tpu.memref_squeeze %dma_wait3A_177 : memref<1x80xi32, #tpu.memory_space<vmem>> -> memref<80xi32, #tpu.memory_space<vmem>>
        %dma_wait3A_179 = arith.constant 0 : i32
        %dma_wait3A_180 = arith.constant 0 : i32
        %dma_wait3A_181 = tpu.memref_slice %arg10[%dma_wait3A_179, %dma_wait3A_180] : memref<10000x64xf32, #tpu.memory_space<vmem_shared>> -> memref<10000x64xf32, #tpu.memory_space<vmem_shared>>
        tpu.wait_indirect_dma semaphore(%arg12 : memref<!tpu.dma_semaphore, #tpu.memory_space<semaphore_mem>>) src(%dma_wait3A_175 : memref<80x64xf32, #tpu.memory_space<vmem>>) dst(%dma_wait3A_181 : memref<10000x64xf32, #tpu.memory_space<vmem_shared>>)
      } else {
      }
      %add3A_166 = arith.constant 5 : i32
      %add3A_167 = arith.addi %scan3A_140, %add3A_166 : i32
      %lt3A = arith.constant 125 : i32
      %lt3A_168 = arith.cmpi slt, %add3A_167, %lt3A : i32
      %convert_element_type3A_169 = arith.extui %lt3A_168 : i1 to i32
      %cond3A_170 = arith.constant 0 : i32
      %cond3A_171 = arith.cmpi ne, %convert_element_type3A_169, %cond3A_170 : i32
      scf.if %cond3A_171 {
        %add3A_172 = arith.constant 5 : i32
        %add3A_173 = arith.addi %scan3A_140, %add3A_172 : i32
        %add3A_174 = arith.constant 5 : i32
        %add3A_175 = arith.addi %scan3A_140, %add3A_174 : i32
        %rem3A_176 = arith.constant 10 : i32
        %rem3A_177 = arith.remsi %add3A_175, %rem3A_176 : i32
        %dma_start3A_178 = arith.constant 0 : i32
        %dma_start3A_179 = arith.constant 0 : i32
        %dma_start3A_180 = tpu.memref_slice %arg9[%rem3A_177, %dma_start3A_178, %dma_start3A_179] : memref<10x80x64xf32, #tpu.memory_space<vmem>> -> memref<1x80x64xf32, #tpu.memory_space<vmem>>
        %dma_start3A_181 = tpu.memref_squeeze %dma_start3A_180 : memref<1x80x64xf32, #tpu.memory_space<vmem>> -> memref<80x64xf32, #tpu.memory_space<vmem>>
        %dma_start3A_182 = arith.constant 0 : i32
        %dma_start3A_183 = tpu.memref_slice %arg7[%add3A_173, %dma_start3A_182] : memref<125x80xi32, #tpu.memory_space<vmem>> -> memref<1x80xi32, #tpu.memory_space<vmem>>
        %dma_start3A_184 = tpu.memref_squeeze %dma_start3A_183 : memref<1x80xi32, #tpu.memory_space<vmem>> -> memref<80xi32, #tpu.memory_space<vmem>>
        %dma_start3A_185 = arith.constant 0 : i32
        %dma_start3A_186 = arith.constant 0 : i32
        %dma_start3A_187 = tpu.memref_slice %arg4[%dma_start3A_185, %dma_start3A_186] : memref<10000x64xf32, #tpu.memory_space<hbm>> -> memref<10000x64xf32, #tpu.memory_space<hbm>>
        tpu.enqueue_indirect_dma source(%dma_start3A_187 : memref<10000x64xf32, #tpu.memory_space<hbm>>) target(%dma_start3A_181 : memref<80x64xf32, #tpu.memory_space<vmem>>) offsets(%dma_start3A_184 : memref<80xi32, #tpu.memory_space<vmem>>) semaphore(%arg11 : memref<!tpu.dma_semaphore, #tpu.memory_space<semaphore_mem>>)
      } else {
      }
    }
    %scan3A_70 = arith.constant 125 : i32
    %dma_wait3A = arith.constant 0 : i32
    %dma_wait3A_71 = arith.constant 0 : i32
    %dma_wait3A_72 = arith.constant 0 : i32
    %dma_wait3A_73 = arith.constant 0 : i32
    %dma_wait3A_74 = tpu.memref_slice %arg9[%dma_wait3A, %dma_wait3A_72, %dma_wait3A_73] : memref<10x80x64xf32, #tpu.memory_space<vmem>> -> memref<1x80x64xf32, #tpu.memory_space<vmem>>
    %dma_wait3A_75 = tpu.memref_squeeze %dma_wait3A_74 : memref<1x80x64xf32, #tpu.memory_space<vmem>> -> memref<80x64xf32, #tpu.memory_space<vmem>>
    %dma_wait3A_76 = arith.constant 0 : i32
    %dma_wait3A_77 = tpu.memref_slice %arg8[%dma_wait3A_71, %dma_wait3A_76] : memref<125x80xi32, #tpu.memory_space<vmem>> -> memref<1x80xi32, #tpu.memory_space<vmem>>
    %dma_wait3A_78 = tpu.memref_squeeze %dma_wait3A_77 : memref<1x80xi32, #tpu.memory_space<vmem>> -> memref<80xi32, #tpu.memory_space<vmem>>
    %dma_wait3A_79 = arith.constant 0 : i32
    %dma_wait3A_80 = arith.constant 0 : i32
    %dma_wait3A_81 = tpu.memref_slice %arg10[%dma_wait3A_79, %dma_wait3A_80] : memref<10000x64xf32, #tpu.memory_space<vmem_shared>> -> memref<10000x64xf32, #tpu.memory_space<vmem_shared>>
    tpu.wait_indirect_dma semaphore(%arg12 : memref<!tpu.dma_semaphore, #tpu.memory_space<semaphore_mem>>) src(%dma_wait3A_75 : memref<80x64xf32, #tpu.memory_space<vmem>>) dst(%dma_wait3A_81 : memref<10000x64xf32, #tpu.memory_space<vmem_shared>>)
    %dma_wait3A_82 = arith.constant 0 : i32
    %dma_wait3A_83 = arith.constant 0 : i32
    %dma_wait3A_84 = arith.constant 0 : i32
    %dma_wait3A_85 = arith.constant 0 : i32
    %dma_wait3A_86 = tpu.memref_slice %arg9[%dma_wait3A_82, %dma_wait3A_84, %dma_wait3A_85] : memref<10x80x64xf32, #tpu.memory_space<vmem>> -> memref<1x80x64xf32, #tpu.memory_space<vmem>>
    %dma_wait3A_87 = tpu.memref_squeeze %dma_wait3A_86 : memref<1x80x64xf32, #tpu.memory_space<vmem>> -> memref<80x64xf32, #tpu.memory_space<vmem>>
    %dma_wait3A_88 = arith.constant 0 : i32
    %dma_wait3A_89 = tpu.memref_slice %arg8[%dma_wait3A_83, %dma_wait3A_88] : memref<125x80xi32, #tpu.memory_space<vmem>> -> memref<1x80xi32, #tpu.memory_space<vmem>>
    %dma_wait3A_90 = tpu.memref_squeeze %dma_wait3A_89 : memref<1x80xi32, #tpu.memory_space<vmem>> -> memref<80xi32, #tpu.memory_space<vmem>>
    %dma_wait3A_91 = arith.constant 0 : i32
    %dma_wait3A_92 = arith.constant 0 : i32
    %dma_wait3A_93 = tpu.memref_slice %arg10[%dma_wait3A_91, %dma_wait3A_92] : memref<10000x64xf32, #tpu.memory_space<vmem_shared>> -> memref<10000x64xf32, #tpu.memory_space<vmem_shared>>
    tpu.wait_indirect_dma semaphore(%arg12 : memref<!tpu.dma_semaphore, #tpu.memory_space<semaphore_mem>>) src(%dma_wait3A_87 : memref<80x64xf32, #tpu.memory_space<vmem>>) dst(%dma_wait3A_93 : memref<10000x64xf32, #tpu.memory_space<vmem_shared>>)
    %dma_wait3A_94 = arith.constant 0 : i32
    %dma_wait3A_95 = arith.constant 0 : i32
    %dma_wait3A_96 = arith.constant 0 : i32
    %dma_wait3A_97 = arith.constant 0 : i32
    %dma_wait3A_98 = tpu.memref_slice %arg9[%dma_wait3A_94, %dma_wait3A_96, %dma_wait3A_97] : memref<10x80x64xf32, #tpu.memory_space<vmem>> -> memref<1x80x64xf32, #tpu.memory_space<vmem>>
    %dma_wait3A_99 = tpu.memref_squeeze %dma_wait3A_98 : memref<1x80x64xf32, #tpu.memory_space<vmem>> -> memref<80x64xf32, #tpu.memory_space<vmem>>
    %dma_wait3A_100 = arith.constant 0 : i32
    %dma_wait3A_101 = tpu.memref_slice %arg8[%dma_wait3A_95, %dma_wait3A_100] : memref<125x80xi32, #tpu.memory_space<vmem>> -> memref<1x80xi32, #tpu.memory_space<vmem>>
    %dma_wait3A_102 = tpu.memref_squeeze %dma_wait3A_101 : memref<1x80xi32, #tpu.memory_space<vmem>> -> memref<80xi32, #tpu.memory_space<vmem>>
    %dma_wait3A_103 = arith.constant 0 : i32
    %dma_wait3A_104 = arith.constant 0 : i32
    %dma_wait3A_105 = tpu.memref_slice %arg10[%dma_wait3A_103, %dma_wait3A_104] : memref<10000x64xf32, #tpu.memory_space<vmem_shared>> -> memref<10000x64xf32, #tpu.memory_space<vmem_shared>>
    tpu.wait_indirect_dma semaphore(%arg12 : memref<!tpu.dma_semaphore, #tpu.memory_space<semaphore_mem>>) src(%dma_wait3A_99 : memref<80x64xf32, #tpu.memory_space<vmem>>) dst(%dma_wait3A_105 : memref<10000x64xf32, #tpu.memory_space<vmem_shared>>)
    %dma_wait3A_106 = arith.constant 0 : i32
    %dma_wait3A_107 = arith.constant 0 : i32
    %dma_wait3A_108 = arith.constant 0 : i32
    %dma_wait3A_109 = arith.constant 0 : i32
    %dma_wait3A_110 = tpu.memref_slice %arg9[%dma_wait3A_106, %dma_wait3A_108, %dma_wait3A_109] : memref<10x80x64xf32, #tpu.memory_space<vmem>> -> memref<1x80x64xf32, #tpu.memory_space<vmem>>
    %dma_wait3A_111 = tpu.memref_squeeze %dma_wait3A_110 : memref<1x80x64xf32, #tpu.memory_space<vmem>> -> memref<80x64xf32, #tpu.memory_space<vmem>>
    %dma_wait3A_112 = arith.constant 0 : i32
    %dma_wait3A_113 = tpu.memref_slice %arg8[%dma_wait3A_107, %dma_wait3A_112] : memref<125x80xi32, #tpu.memory_space<vmem>> -> memref<1x80xi32, #tpu.memory_space<vmem>>
    %dma_wait3A_114 = tpu.memref_squeeze %dma_wait3A_113 : memref<1x80xi32, #tpu.memory_space<vmem>> -> memref<80xi32, #tpu.memory_space<vmem>>
    %dma_wait3A_115 = arith.constant 0 : i32
    %dma_wait3A_116 = arith.constant 0 : i32
    %dma_wait3A_117 = tpu.memref_slice %arg10[%dma_wait3A_115, %dma_wait3A_116] : memref<10000x64xf32, #tpu.memory_space<vmem_shared>> -> memref<10000x64xf32, #tpu.memory_space<vmem_shared>>
    tpu.wait_indirect_dma semaphore(%arg12 : memref<!tpu.dma_semaphore, #tpu.memory_space<semaphore_mem>>) src(%dma_wait3A_111 : memref<80x64xf32, #tpu.memory_space<vmem>>) dst(%dma_wait3A_117 : memref<10000x64xf32, #tpu.memory_space<vmem_shared>>)
    %dma_wait3A_118 = arith.constant 0 : i32
    %dma_wait3A_119 = arith.constant 0 : i32
    %dma_wait3A_120 = arith.constant 0 : i32
    %dma_wait3A_121 = arith.constant 0 : i32
    %dma_wait3A_122 = tpu.memref_slice %arg9[%dma_wait3A_118, %dma_wait3A_120, %dma_wait3A_121] : memref<10x80x64xf32, #tpu.memory_space<vmem>> -> memref<1x80x64xf32, #tpu.memory_space<vmem>>
    %dma_wait3A_123 = tpu.memref_squeeze %dma_wait3A_122 : memref<1x80x64xf32, #tpu.memory_space<vmem>> -> memref<80x64xf32, #tpu.memory_space<vmem>>
    %dma_wait3A_124 = arith.constant 0 : i32
    %dma_wait3A_125 = tpu.memref_slice %arg8[%dma_wait3A_119, %dma_wait3A_124] : memref<125x80xi32, #tpu.memory_space<vmem>> -> memref<1x80xi32, #tpu.memory_space<vmem>>
    %dma_wait3A_126 = tpu.memref_squeeze %dma_wait3A_125 : memref<1x80xi32, #tpu.memory_space<vmem>> -> memref<80xi32, #tpu.memory_space<vmem>>
    %dma_wait3A_127 = arith.constant 0 : i32
    %dma_wait3A_128 = arith.constant 0 : i32
    %dma_wait3A_129 = tpu.memref_slice %arg10[%dma_wait3A_127, %dma_wait3A_128] : memref<10000x64xf32, #tpu.memory_space<vmem_shared>> -> memref<10000x64xf32, #tpu.memory_space<vmem_shared>>
    tpu.wait_indirect_dma semaphore(%arg12 : memref<!tpu.dma_semaphore, #tpu.memory_space<semaphore_mem>>) src(%dma_wait3A_123 : memref<80x64xf32, #tpu.memory_space<vmem>>) dst(%dma_wait3A_129 : memref<10000x64xf32, #tpu.memory_space<vmem_shared>>)
    %barrier3A_130 = arith.constant 0 : index
    tpu.barrier barrier_id(%barrier3A_130)
    %mul3A_131 = arith.constant 624 : i32
    %mul3A_132 = arith.muli %arg1, %mul3A_131 : i32
    %mul3A_133 = arith.constant 624 : i32
    %mul3A_134 = arith.muli %arg1, %mul3A_133 : i32
    "tpu.region"() ({
      %run_scoped3A = tpu.sem_alloc : memref<!tpu.dma_semaphore, #tpu.memory_space<semaphore_mem>>
      %dma_start3A_140 = arith.constant 0 : i32
      %dma_start3A_141 = tpu.memref_slice %arg6[%arg0, %mul3A_134, %dma_start3A_140] : memref<2x10000x64xf32, #tpu.memory_space<hbm>> -> memref<1x624x64xf32, #tpu.memory_space<hbm>>
      %dma_start3A_142 = tpu.memref_squeeze %dma_start3A_141 : memref<1x624x64xf32, #tpu.memory_space<hbm>> -> memref<624x64xf32, #tpu.memory_space<hbm>>
      %dma_start3A_143 = arith.constant 0 : i32
      %dma_start3A_144 = tpu.memref_slice %arg10[%mul3A_132, %dma_start3A_143] : memref<10000x64xf32, #tpu.memory_space<vmem_shared>> -> memref<624x64xf32, #tpu.memory_space<vmem_shared>>
      tpu.enqueue_dma source(%dma_start3A_144 : memref<624x64xf32, #tpu.memory_space<vmem_shared>>) target(%dma_start3A_142 : memref<624x64xf32, #tpu.memory_space<hbm>>) target_semaphore(%run_scoped3A : memref<!tpu.dma_semaphore, #tpu.memory_space<semaphore_mem>>)
      %dma_wait3A_145 = arith.constant 0 : i32
      %dma_wait3A_146 = tpu.memref_slice %arg6[%arg0, %mul3A_134, %dma_wait3A_145] : memref<2x10000x64xf32, #tpu.memory_space<hbm>> -> memref<1x624x64xf32, #tpu.memory_space<hbm>>
      %dma_wait3A_147 = tpu.memref_squeeze %dma_wait3A_146 : memref<1x624x64xf32, #tpu.memory_space<hbm>> -> memref<624x64xf32, #tpu.memory_space<hbm>>
      %dma_wait3A_148 = arith.constant 0 : i32
      %dma_wait3A_149 = tpu.memref_slice %arg10[%mul3A_132, %dma_wait3A_148] : memref<10000x64xf32, #tpu.memory_space<vmem_shared>> -> memref<624x64xf32, #tpu.memory_space<vmem_shared>>
      tpu.wait_dma2 semaphore(%run_scoped3A : memref<!tpu.dma_semaphore, #tpu.memory_space<semaphore_mem>>) src(%dma_wait3A_149 : memref<624x64xf32, #tpu.memory_space<vmem_shared>>) dst(%dma_wait3A_147 : memref<624x64xf32, #tpu.memory_space<hbm>>)
      tpu.yield
    }) : () -> ()
    %eq3A_135 = arith.constant 15 : i32
    %eq3A_136 = arith.cmpi eq, %arg1, %eq3A_135 : i32
    %convert_element_type3A_137 = arith.extui %eq3A_136 : i1 to i32
    %cond3A_138 = arith.constant 0 : i32
    %cond3A_139 = arith.cmpi ne, %convert_element_type3A_137, %cond3A_138 : i32
    scf.if %cond3A_139 {
      "tpu.region"() ({
        %run_scoped3A = tpu.sem_alloc : memref<!tpu.dma_semaphore, #tpu.memory_space<semaphore_mem>>
        %dma_start3A_140 = arith.constant 9984 : i32
        %dma_start3A_141 = arith.constant 0 : i32
        %dma_start3A_142 = tpu.memref_slice %arg6[%arg0, %dma_start3A_140, %dma_start3A_141] : memref<2x10000x64xf32, #tpu.memory_space<hbm>> -> memref<1x16x64xf32, #tpu.memory_space<hbm>>
        %dma_start3A_143 = tpu.memref_squeeze %dma_start3A_142 : memref<1x16x64xf32, #tpu.memory_space<hbm>> -> memref<16x64xf32, #tpu.memory_space<hbm>>
        %dma_start3A_144 = arith.constant 9984 : i32
        %dma_start3A_145 = arith.constant 0 : i32
        %dma_start3A_146 = tpu.memref_slice %arg10[%dma_start3A_144, %dma_start3A_145] : memref<10000x64xf32, #tpu.memory_space<vmem_shared>> -> memref<16x64xf32, #tpu.memory_space<vmem_shared>>
        tpu.enqueue_dma source(%dma_start3A_146 : memref<16x64xf32, #tpu.memory_space<vmem_shared>>) target(%dma_start3A_143 : memref<16x64xf32, #tpu.memory_space<hbm>>) target_semaphore(%run_scoped3A : memref<!tpu.dma_semaphore, #tpu.memory_space<semaphore_mem>>)
        %dma_wait3A_147 = arith.constant 9984 : i32
        %dma_wait3A_148 = arith.constant 0 : i32
        %dma_wait3A_149 = tpu.memref_slice %arg6[%arg0, %dma_wait3A_147, %dma_wait3A_148] : memref<2x10000x64xf32, #tpu.memory_space<hbm>> -> memref<1x16x64xf32, #tpu.memory_space<hbm>>
        %dma_wait3A_150 = tpu.memref_squeeze %dma_wait3A_149 : memref<1x16x64xf32, #tpu.memory_space<hbm>> -> memref<16x64xf32, #tpu.memory_space<hbm>>
        %dma_wait3A_151 = arith.constant 9984 : i32
        %dma_wait3A_152 = arith.constant 0 : i32
        %dma_wait3A_153 = tpu.memref_slice %arg10[%dma_wait3A_151, %dma_wait3A_152] : memref<10000x64xf32, #tpu.memory_space<vmem_shared>> -> memref<16x64xf32, #tpu.memory_space<vmem_shared>>
        tpu.wait_dma2 semaphore(%run_scoped3A : memref<!tpu.dma_semaphore, #tpu.memory_space<semaphore_mem>>) src(%dma_wait3A_153 : memref<16x64xf32, #tpu.memory_space<vmem_shared>>) dst(%dma_wait3A_150 : memref<16x64xf32, #tpu.memory_space<hbm>>)
        tpu.yield
      }) : () -> ()
    } else {
    }
    return
  }
}

#map = affine_map<(d0, d1) -> (0, 0, 0)>
#map1 = affine_map<(d0, d1) -> (0, 0)>
module attributes {stable_mosaic.version = 14 : i64} {
  func.func @k(%arg0: i32, %arg1: i32, %arg2: memref<32x125x80xi32, #tpu.memory_space<hbm>>, %arg3: memref<32x125x80xi32, #tpu.memory_space<hbm>>, %arg4: memref<10000x32xf32, #tpu.memory_space<hbm>>, %arg5: memref<10000x32xf32, #tpu.memory_space<hbm>>, %arg6: memref<2x10000x32xf32, #tpu.memory_space<hbm>>, %arg7: memref<125x80xi32, #tpu.memory_space<vmem>>, %arg8: memref<125x80xi32, #tpu.memory_space<vmem>>, %arg9: memref<10x80x32xf32, #tpu.memory_space<vmem>>, %arg10: memref<10000x32xf32, #tpu.memory_space<vmem_shared>>, %arg11: memref<!tpu.dma_semaphore, #tpu.memory_space<semaphore_mem>>, %arg12: memref<!tpu.dma_semaphore, #tpu.memory_space<semaphore_mem>>) attributes {dimension_semantics = [#tpu.dimension_semantics<core_parallel>, #tpu.dimension_semantics<subcore_parallel>], iteration_bounds = array<i64: 2, 16>, scalar_prefetch = 0 : i64, scratch_operands = 6 : i64, tpu.core_type = #tpu.core_type<sc_vector_subcore>, window_params = [{transform_indices = #map}, {transform_indices = #map}, {transform_indices = #map1}, {transform_indices = #map1}, {transform_indices = #map}]} {
    %mul3A = arith.constant 2 : i32
    %mul3A_0 = arith.muli %arg1, %mul3A : i32
    %add3A = arith.addi %mul3A_0, %arg0 : i32
    "tpu.region"() ({
      %run_scoped3A = tpu.sem_alloc : memref<!tpu.dma_semaphore, #tpu.memory_space<semaphore_mem>>
      %dma_start3A_140 = arith.constant 0 : i32
      %dma_start3A_141 = arith.constant 0 : i32
      %dma_start3A_142 = tpu.memref_slice %arg2[%add3A, %dma_start3A_140, %dma_start3A_141] : memref<32x125x80xi32, #tpu.memory_space<hbm>> -> memref<1x125x80xi32, #tpu.memory_space<hbm>>
      %dma_start3A_143 = tpu.memref_squeeze %dma_start3A_142 : memref<1x125x80xi32, #tpu.memory_space<hbm>> -> memref<125x80xi32, #tpu.memory_space<hbm>>
      %dma_start3A_144 = arith.constant 0 : i32
      %dma_start3A_145 = arith.constant 0 : i32
      %dma_start3A_146 = tpu.memref_slice %arg2[%add3A, %dma_start3A_144, %dma_start3A_145] : memref<32x125x80xi32, #tpu.memory_space<hbm>> -> memref<1x125x80xi32, #tpu.memory_space<hbm>>
      %dma_start3A_147 = tpu.memref_squeeze %dma_start3A_146 : memref<1x125x80xi32, #tpu.memory_space<hbm>> -> memref<125x80xi32, #tpu.memory_space<hbm>>
      tpu.enqueue_dma source(%dma_start3A_147 : memref<125x80xi32, #tpu.memory_space<hbm>>) target(%arg7 : memref<125x80xi32, #tpu.memory_space<vmem>>) target_semaphore(%run_scoped3A : memref<!tpu.dma_semaphore, #tpu.memory_space<semaphore_mem>>)
      %dma_wait3A_148 = arith.constant 0 : i32
      %dma_wait3A_149 = arith.constant 0 : i32
      %dma_wait3A_150 = tpu.memref_slice %arg2[%add3A, %dma_wait3A_148, %dma_wait3A_149] : memref<32x125x80xi32, #tpu.memory_space<hbm>> -> memref<1x125x80xi32, #tpu.memory_space<hbm>>
      %dma_wait3A_151 = tpu.memref_squeeze %dma_wait3A_150 : memref<1x125x80xi32, #tpu.memory_space<hbm>> -> memref<125x80xi32, #tpu.memory_space<hbm>>
      %dma_wait3A_152 = arith.constant 0 : i32
      %dma_wait3A_153 = arith.constant 0 : i32
      %dma_wait3A_154 = tpu.memref_slice %arg2[%add3A, %dma_wait3A_152, %dma_wait3A_153] : memref<32x125x80xi32, #tpu.memory_space<hbm>> -> memref<1x125x80xi32, #tpu.memory_space<hbm>>
      %dma_wait3A_155 = tpu.memref_squeeze %dma_wait3A_154 : memref<1x125x80xi32, #tpu.memory_space<hbm>> -> memref<125x80xi32, #tpu.memory_space<hbm>>
      tpu.wait_dma2 semaphore(%run_scoped3A : memref<!tpu.dma_semaphore, #tpu.memory_space<semaphore_mem>>) src(%dma_wait3A_155 : memref<125x80xi32, #tpu.memory_space<hbm>>) dst(%arg7 : memref<125x80xi32, #tpu.memory_space<vmem>>)
      tpu.yield
    }) : () -> ()
    "tpu.region"() ({
      %run_scoped3A = tpu.sem_alloc : memref<!tpu.dma_semaphore, #tpu.memory_space<semaphore_mem>>
      %dma_start3A_140 = arith.constant 0 : i32
      %dma_start3A_141 = arith.constant 0 : i32
      %dma_start3A_142 = tpu.memref_slice %arg3[%add3A, %dma_start3A_140, %dma_start3A_141] : memref<32x125x80xi32, #tpu.memory_space<hbm>> -> memref<1x125x80xi32, #tpu.memory_space<hbm>>
      %dma_start3A_143 = tpu.memref_squeeze %dma_start3A_142 : memref<1x125x80xi32, #tpu.memory_space<hbm>> -> memref<125x80xi32, #tpu.memory_space<hbm>>
      %dma_start3A_144 = arith.constant 0 : i32
      %dma_start3A_145 = arith.constant 0 : i32
      %dma_start3A_146 = tpu.memref_slice %arg3[%add3A, %dma_start3A_144, %dma_start3A_145] : memref<32x125x80xi32, #tpu.memory_space<hbm>> -> memref<1x125x80xi32, #tpu.memory_space<hbm>>
      %dma_start3A_147 = tpu.memref_squeeze %dma_start3A_146 : memref<1x125x80xi32, #tpu.memory_space<hbm>> -> memref<125x80xi32, #tpu.memory_space<hbm>>
      tpu.enqueue_dma source(%dma_start3A_147 : memref<125x80xi32, #tpu.memory_space<hbm>>) target(%arg8 : memref<125x80xi32, #tpu.memory_space<vmem>>) target_semaphore(%run_scoped3A : memref<!tpu.dma_semaphore, #tpu.memory_space<semaphore_mem>>)
      %dma_wait3A_148 = arith.constant 0 : i32
      %dma_wait3A_149 = arith.constant 0 : i32
      %dma_wait3A_150 = tpu.memref_slice %arg3[%add3A, %dma_wait3A_148, %dma_wait3A_149] : memref<32x125x80xi32, #tpu.memory_space<hbm>> -> memref<1x125x80xi32, #tpu.memory_space<hbm>>
      %dma_wait3A_151 = tpu.memref_squeeze %dma_wait3A_150 : memref<1x125x80xi32, #tpu.memory_space<hbm>> -> memref<125x80xi32, #tpu.memory_space<hbm>>
      %dma_wait3A_152 = arith.constant 0 : i32
      %dma_wait3A_153 = arith.constant 0 : i32
      %dma_wait3A_154 = tpu.memref_slice %arg3[%add3A, %dma_wait3A_152, %dma_wait3A_153] : memref<32x125x80xi32, #tpu.memory_space<hbm>> -> memref<1x125x80xi32, #tpu.memory_space<hbm>>
      %dma_wait3A_155 = tpu.memref_squeeze %dma_wait3A_154 : memref<1x125x80xi32, #tpu.memory_space<hbm>> -> memref<125x80xi32, #tpu.memory_space<hbm>>
      tpu.wait_dma2 semaphore(%run_scoped3A : memref<!tpu.dma_semaphore, #tpu.memory_space<semaphore_mem>>) src(%dma_wait3A_155 : memref<125x80xi32, #tpu.memory_space<hbm>>) dst(%arg8 : memref<125x80xi32, #tpu.memory_space<vmem>>)
      tpu.yield
    }) : () -> ()
    %mul3A_1 = arith.constant 624 : i32
    %mul3A_2 = arith.muli %arg1, %mul3A_1 : i32
    %mul3A_3 = arith.constant 624 : i32
    %mul3A_4 = arith.muli %arg1, %mul3A_3 : i32
    "tpu.region"() ({
      %run_scoped3A = tpu.sem_alloc : memref<!tpu.dma_semaphore, #tpu.memory_space<semaphore_mem>>
      %dma_start3A_140 = arith.constant 0 : i32
      %dma_start3A_141 = tpu.memref_slice %arg10[%mul3A_4, %dma_start3A_140] : memref<10000x32xf32, #tpu.memory_space<vmem_shared>> -> memref<624x32xf32, #tpu.memory_space<vmem_shared>>
      %dma_start3A_142 = arith.constant 0 : i32
      %dma_start3A_143 = tpu.memref_slice %arg5[%mul3A_2, %dma_start3A_142] : memref<10000x32xf32, #tpu.memory_space<hbm>> -> memref<624x32xf32, #tpu.memory_space<hbm>>
      tpu.enqueue_dma source(%dma_start3A_143 : memref<624x32xf32, #tpu.memory_space<hbm>>) target(%dma_start3A_141 : memref<624x32xf32, #tpu.memory_space<vmem_shared>>) target_semaphore(%run_scoped3A : memref<!tpu.dma_semaphore, #tpu.memory_space<semaphore_mem>>)
      %dma_wait3A_144 = arith.constant 0 : i32
      %dma_wait3A_145 = tpu.memref_slice %arg10[%mul3A_4, %dma_wait3A_144] : memref<10000x32xf32, #tpu.memory_space<vmem_shared>> -> memref<624x32xf32, #tpu.memory_space<vmem_shared>>
      %dma_wait3A_146 = arith.constant 0 : i32
      %dma_wait3A_147 = tpu.memref_slice %arg5[%mul3A_2, %dma_wait3A_146] : memref<10000x32xf32, #tpu.memory_space<hbm>> -> memref<624x32xf32, #tpu.memory_space<hbm>>
      tpu.wait_dma2 semaphore(%run_scoped3A : memref<!tpu.dma_semaphore, #tpu.memory_space<semaphore_mem>>) src(%dma_wait3A_147 : memref<624x32xf32, #tpu.memory_space<hbm>>) dst(%dma_wait3A_145 : memref<624x32xf32, #tpu.memory_space<vmem_shared>>)
      tpu.yield
    }) : () -> ()
    %eq3A = arith.constant 15 : i32
    %eq3A_5 = arith.cmpi eq, %arg1, %eq3A : i32
    %convert_element_type3A = arith.extui %eq3A_5 : i1 to i32
    %cond3A = arith.constant 0 : i32
    %cond3A_6 = arith.cmpi ne, %convert_element_type3A, %cond3A : i32
    scf.if %cond3A_6 {
      "tpu.region"() ({
        %run_scoped3A = tpu.sem_alloc : memref<!tpu.dma_semaphore, #tpu.memory_space<semaphore_mem>>
        %dma_start3A_140 = arith.constant 9984 : i32
        %dma_start3A_141 = arith.constant 0 : i32
        %dma_start3A_142 = tpu.memref_slice %arg10[%dma_start3A_140, %dma_start3A_141] : memref<10000x32xf32, #tpu.memory_space<vmem_shared>> -> memref<16x32xf32, #tpu.memory_space<vmem_shared>>
        %dma_start3A_143 = arith.constant 9984 : i32
        %dma_start3A_144 = arith.constant 0 : i32
        %dma_start3A_145 = tpu.memref_slice %arg5[%dma_start3A_143, %dma_start3A_144] : memref<10000x32xf32, #tpu.memory_space<hbm>> -> memref<16x32xf32, #tpu.memory_space<hbm>>
        tpu.enqueue_dma source(%dma_start3A_145 : memref<16x32xf32, #tpu.memory_space<hbm>>) target(%dma_start3A_142 : memref<16x32xf32, #tpu.memory_space<vmem_shared>>) target_semaphore(%run_scoped3A : memref<!tpu.dma_semaphore, #tpu.memory_space<semaphore_mem>>)
        %dma_wait3A_146 = arith.constant 9984 : i32
        %dma_wait3A_147 = arith.constant 0 : i32
        %dma_wait3A_148 = tpu.memref_slice %arg10[%dma_wait3A_146, %dma_wait3A_147] : memref<10000x32xf32, #tpu.memory_space<vmem_shared>> -> memref<16x32xf32, #tpu.memory_space<vmem_shared>>
        %dma_wait3A_149 = arith.constant 9984 : i32
        %dma_wait3A_150 = arith.constant 0 : i32
        %dma_wait3A_151 = tpu.memref_slice %arg5[%dma_wait3A_149, %dma_wait3A_150] : memref<10000x32xf32, #tpu.memory_space<hbm>> -> memref<16x32xf32, #tpu.memory_space<hbm>>
        tpu.wait_dma2 semaphore(%run_scoped3A : memref<!tpu.dma_semaphore, #tpu.memory_space<semaphore_mem>>) src(%dma_wait3A_151 : memref<16x32xf32, #tpu.memory_space<hbm>>) dst(%dma_wait3A_148 : memref<16x32xf32, #tpu.memory_space<vmem_shared>>)
        tpu.yield
      }) : () -> ()
    } else {
    }
    %barrier3A = arith.constant 0 : index
    tpu.barrier barrier_id(%barrier3A)
    %dma_start3A = arith.constant 0 : i32
    %dma_start3A_7 = arith.constant 0 : i32
    %dma_start3A_8 = arith.constant 0 : i32
    %dma_start3A_9 = arith.constant 0 : i32
    %dma_start3A_10 = tpu.memref_slice %arg9[%dma_start3A_7, %dma_start3A_8, %dma_start3A_9] : memref<10x80x32xf32, #tpu.memory_space<vmem>> -> memref<1x80x32xf32, #tpu.memory_space<vmem>>
    %dma_start3A_11 = tpu.memref_squeeze %dma_start3A_10 : memref<1x80x32xf32, #tpu.memory_space<vmem>> -> memref<80x32xf32, #tpu.memory_space<vmem>>
    %dma_start3A_12 = arith.constant 0 : i32
    %dma_start3A_13 = tpu.memref_slice %arg7[%dma_start3A, %dma_start3A_12] : memref<125x80xi32, #tpu.memory_space<vmem>> -> memref<1x80xi32, #tpu.memory_space<vmem>>
    %dma_start3A_14 = tpu.memref_squeeze %dma_start3A_13 : memref<1x80xi32, #tpu.memory_space<vmem>> -> memref<80xi32, #tpu.memory_space<vmem>>
    %dma_start3A_15 = arith.constant 0 : i32
    %dma_start3A_16 = arith.constant 0 : i32
    %dma_start3A_17 = tpu.memref_slice %arg4[%dma_start3A_15, %dma_start3A_16] : memref<10000x32xf32, #tpu.memory_space<hbm>> -> memref<10000x32xf32, #tpu.memory_space<hbm>>
    tpu.enqueue_indirect_dma source(%dma_start3A_17 : memref<10000x32xf32, #tpu.memory_space<hbm>>) target(%dma_start3A_11 : memref<80x32xf32, #tpu.memory_space<vmem>>) offsets(%dma_start3A_14 : memref<80xi32, #tpu.memory_space<vmem>>) semaphore(%arg11 : memref<!tpu.dma_semaphore, #tpu.memory_space<semaphore_mem>>)
    %dma_start3A_18 = arith.constant 1 : i32
    %dma_start3A_19 = arith.constant 1 : i32
    %dma_start3A_20 = arith.constant 0 : i32
    %dma_start3A_21 = arith.constant 0 : i32
    %dma_start3A_22 = tpu.memref_slice %arg9[%dma_start3A_19, %dma_start3A_20, %dma_start3A_21] : memref<10x80x32xf32, #tpu.memory_space<vmem>> -> memref<1x80x32xf32, #tpu.memory_space<vmem>>
    %dma_start3A_23 = tpu.memref_squeeze %dma_start3A_22 : memref<1x80x32xf32, #tpu.memory_space<vmem>> -> memref<80x32xf32, #tpu.memory_space<vmem>>
    %dma_start3A_24 = arith.constant 0 : i32
    %dma_start3A_25 = tpu.memref_slice %arg7[%dma_start3A_18, %dma_start3A_24] : memref<125x80xi32, #tpu.memory_space<vmem>> -> memref<1x80xi32, #tpu.memory_space<vmem>>
    %dma_start3A_26 = tpu.memref_squeeze %dma_start3A_25 : memref<1x80xi32, #tpu.memory_space<vmem>> -> memref<80xi32, #tpu.memory_space<vmem>>
    %dma_start3A_27 = arith.constant 0 : i32
    %dma_start3A_28 = arith.constant 0 : i32
    %dma_start3A_29 = tpu.memref_slice %arg4[%dma_start3A_27, %dma_start3A_28] : memref<10000x32xf32, #tpu.memory_space<hbm>> -> memref<10000x32xf32, #tpu.memory_space<hbm>>
    tpu.enqueue_indirect_dma source(%dma_start3A_29 : memref<10000x32xf32, #tpu.memory_space<hbm>>) target(%dma_start3A_23 : memref<80x32xf32, #tpu.memory_space<vmem>>) offsets(%dma_start3A_26 : memref<80xi32, #tpu.memory_space<vmem>>) semaphore(%arg11 : memref<!tpu.dma_semaphore, #tpu.memory_space<semaphore_mem>>)
    %dma_start3A_30 = arith.constant 2 : i32
    %dma_start3A_31 = arith.constant 2 : i32
    %dma_start3A_32 = arith.constant 0 : i32
    %dma_start3A_33 = arith.constant 0 : i32
    %dma_start3A_34 = tpu.memref_slice %arg9[%dma_start3A_31, %dma_start3A_32, %dma_start3A_33] : memref<10x80x32xf32, #tpu.memory_space<vmem>> -> memref<1x80x32xf32, #tpu.memory_space<vmem>>
    %dma_start3A_35 = tpu.memref_squeeze %dma_start3A_34 : memref<1x80x32xf32, #tpu.memory_space<vmem>> -> memref<80x32xf32, #tpu.memory_space<vmem>>
    %dma_start3A_36 = arith.constant 0 : i32
    %dma_start3A_37 = tpu.memref_slice %arg7[%dma_start3A_30, %dma_start3A_36] : memref<125x80xi32, #tpu.memory_space<vmem>> -> memref<1x80xi32, #tpu.memory_space<vmem>>
    %dma_start3A_38 = tpu.memref_squeeze %dma_start3A_37 : memref<1x80xi32, #tpu.memory_space<vmem>> -> memref<80xi32, #tpu.memory_space<vmem>>
    %dma_start3A_39 = arith.constant 0 : i32
    %dma_start3A_40 = arith.constant 0 : i32
    %dma_start3A_41 = tpu.memref_slice %arg4[%dma_start3A_39, %dma_start3A_40] : memref<10000x32xf32, #tpu.memory_space<hbm>> -> memref<10000x32xf32, #tpu.memory_space<hbm>>
    tpu.enqueue_indirect_dma source(%dma_start3A_41 : memref<10000x32xf32, #tpu.memory_space<hbm>>) target(%dma_start3A_35 : memref<80x32xf32, #tpu.memory_space<vmem>>) offsets(%dma_start3A_38 : memref<80xi32, #tpu.memory_space<vmem>>) semaphore(%arg11 : memref<!tpu.dma_semaphore, #tpu.memory_space<semaphore_mem>>)
    %dma_start3A_42 = arith.constant 3 : i32
    %dma_start3A_43 = arith.constant 3 : i32
    %dma_start3A_44 = arith.constant 0 : i32
    %dma_start3A_45 = arith.constant 0 : i32
    %dma_start3A_46 = tpu.memref_slice %arg9[%dma_start3A_43, %dma_start3A_44, %dma_start3A_45] : memref<10x80x32xf32, #tpu.memory_space<vmem>> -> memref<1x80x32xf32, #tpu.memory_space<vmem>>
    %dma_start3A_47 = tpu.memref_squeeze %dma_start3A_46 : memref<1x80x32xf32, #tpu.memory_space<vmem>> -> memref<80x32xf32, #tpu.memory_space<vmem>>
    %dma_start3A_48 = arith.constant 0 : i32
    %dma_start3A_49 = tpu.memref_slice %arg7[%dma_start3A_42, %dma_start3A_48] : memref<125x80xi32, #tpu.memory_space<vmem>> -> memref<1x80xi32, #tpu.memory_space<vmem>>
    %dma_start3A_50 = tpu.memref_squeeze %dma_start3A_49 : memref<1x80xi32, #tpu.memory_space<vmem>> -> memref<80xi32, #tpu.memory_space<vmem>>
    %dma_start3A_51 = arith.constant 0 : i32
    %dma_start3A_52 = arith.constant 0 : i32
    %dma_start3A_53 = tpu.memref_slice %arg4[%dma_start3A_51, %dma_start3A_52] : memref<10000x32xf32, #tpu.memory_space<hbm>> -> memref<10000x32xf32, #tpu.memory_space<hbm>>
    tpu.enqueue_indirect_dma source(%dma_start3A_53 : memref<10000x32xf32, #tpu.memory_space<hbm>>) target(%dma_start3A_47 : memref<80x32xf32, #tpu.memory_space<vmem>>) offsets(%dma_start3A_50 : memref<80xi32, #tpu.memory_space<vmem>>) semaphore(%arg11 : memref<!tpu.dma_semaphore, #tpu.memory_space<semaphore_mem>>)
    %dma_start3A_54 = arith.constant 4 : i32
    %dma_start3A_55 = arith.constant 4 : i32
    %dma_start3A_56 = arith.constant 0 : i32
    %dma_start3A_57 = arith.constant 0 : i32
    %dma_start3A_58 = tpu.memref_slice %arg9[%dma_start3A_55, %dma_start3A_56, %dma_start3A_57] : memref<10x80x32xf32, #tpu.memory_space<vmem>> -> memref<1x80x32xf32, #tpu.memory_space<vmem>>
    %dma_start3A_59 = tpu.memref_squeeze %dma_start3A_58 : memref<1x80x32xf32, #tpu.memory_space<vmem>> -> memref<80x32xf32, #tpu.memory_space<vmem>>
    %dma_start3A_60 = arith.constant 0 : i32
    %dma_start3A_61 = tpu.memref_slice %arg7[%dma_start3A_54, %dma_start3A_60] : memref<125x80xi32, #tpu.memory_space<vmem>> -> memref<1x80xi32, #tpu.memory_space<vmem>>
    %dma_start3A_62 = tpu.memref_squeeze %dma_start3A_61 : memref<1x80xi32, #tpu.memory_space<vmem>> -> memref<80xi32, #tpu.memory_space<vmem>>
    %dma_start3A_63 = arith.constant 0 : i32
    %dma_start3A_64 = arith.constant 0 : i32
    %dma_start3A_65 = tpu.memref_slice %arg4[%dma_start3A_63, %dma_start3A_64] : memref<10000x32xf32, #tpu.memory_space<hbm>> -> memref<10000x32xf32, #tpu.memory_space<hbm>>
    tpu.enqueue_indirect_dma source(%dma_start3A_65 : memref<10000x32xf32, #tpu.memory_space<hbm>>) target(%dma_start3A_59 : memref<80x32xf32, #tpu.memory_space<vmem>>) offsets(%dma_start3A_62 : memref<80xi32, #tpu.memory_space<vmem>>) semaphore(%arg11 : memref<!tpu.dma_semaphore, #tpu.memory_space<semaphore_mem>>)
    %scan3A = arith.constant 0 : i32
    %scan3A_66 = arith.constant 0 : i32
    %scan3A_67 = arith.constant 125 : i32
    %scan3A_68 = arith.addi %scan3A_66, %scan3A_67 : i32
    %scan3A_69 = arith.constant 1 : i32
    scf.for %scan3A_140 = %scan3A_66 to %scan3A_68 step %scan3A_69  : i32 {
      %rem3A = arith.constant 10 : i32
      %rem3A_141 = arith.remsi %scan3A_140, %rem3A : i32
      %dma_wait3A_142 = arith.constant 0 : i32
      %dma_wait3A_143 = arith.constant 0 : i32
      %dma_wait3A_144 = tpu.memref_slice %arg9[%rem3A_141, %dma_wait3A_142, %dma_wait3A_143] : memref<10x80x32xf32, #tpu.memory_space<vmem>> -> memref<1x80x32xf32, #tpu.memory_space<vmem>>
      %dma_wait3A_145 = tpu.memref_squeeze %dma_wait3A_144 : memref<1x80x32xf32, #tpu.memory_space<vmem>> -> memref<80x32xf32, #tpu.memory_space<vmem>>
      %dma_wait3A_146 = arith.constant 0 : i32
      %dma_wait3A_147 = tpu.memref_slice %arg7[%scan3A_140, %dma_wait3A_146] : memref<125x80xi32, #tpu.memory_space<vmem>> -> memref<1x80xi32, #tpu.memory_space<vmem>>
      %dma_wait3A_148 = tpu.memref_squeeze %dma_wait3A_147 : memref<1x80xi32, #tpu.memory_space<vmem>> -> memref<80xi32, #tpu.memory_space<vmem>>
      %dma_wait3A_149 = arith.constant 0 : i32
      %dma_wait3A_150 = arith.constant 0 : i32
      %dma_wait3A_151 = tpu.memref_slice %arg4[%dma_wait3A_149, %dma_wait3A_150] : memref<10000x32xf32, #tpu.memory_space<hbm>> -> memref<10000x32xf32, #tpu.memory_space<hbm>>
      tpu.wait_indirect_dma semaphore(%arg11 : memref<!tpu.dma_semaphore, #tpu.memory_space<semaphore_mem>>) src(%dma_wait3A_151 : memref<10000x32xf32, #tpu.memory_space<hbm>>) dst(%dma_wait3A_145 : memref<80x32xf32, #tpu.memory_space<vmem>>)
      %dma_start3A_152 = arith.constant 0 : i32
      %dma_start3A_153 = arith.constant 0 : i32
      %dma_start3A_154 = tpu.memref_slice %arg9[%rem3A_141, %dma_start3A_152, %dma_start3A_153] : memref<10x80x32xf32, #tpu.memory_space<vmem>> -> memref<1x80x32xf32, #tpu.memory_space<vmem>>
      %dma_start3A_155 = tpu.memref_squeeze %dma_start3A_154 : memref<1x80x32xf32, #tpu.memory_space<vmem>> -> memref<80x32xf32, #tpu.memory_space<vmem>>
      %dma_start3A_156 = arith.constant 0 : i32
      %dma_start3A_157 = tpu.memref_slice %arg8[%scan3A_140, %dma_start3A_156] : memref<125x80xi32, #tpu.memory_space<vmem>> -> memref<1x80xi32, #tpu.memory_space<vmem>>
      %dma_start3A_158 = tpu.memref_squeeze %dma_start3A_157 : memref<1x80xi32, #tpu.memory_space<vmem>> -> memref<80xi32, #tpu.memory_space<vmem>>
      %dma_start3A_159 = arith.constant 0 : i32
      %dma_start3A_160 = arith.constant 0 : i32
      %dma_start3A_161 = tpu.memref_slice %arg10[%dma_start3A_159, %dma_start3A_160] : memref<10000x32xf32, #tpu.memory_space<vmem_shared>> -> memref<10000x32xf32, #tpu.memory_space<vmem_shared>>
      tpu.enqueue_indirect_dma source(%dma_start3A_155 : memref<80x32xf32, #tpu.memory_space<vmem>>) target(%dma_start3A_161 : memref<10000x32xf32, #tpu.memory_space<vmem_shared>>) offsets(%dma_start3A_158 : memref<80xi32, #tpu.memory_space<vmem>>) semaphore(%arg12 : memref<!tpu.dma_semaphore, #tpu.memory_space<semaphore_mem>>) {add = true}
      %ge3A = arith.constant 5 : i32
      %ge3A_162 = arith.cmpi sge, %scan3A_140, %ge3A : i32
      %convert_element_type3A_163 = arith.extui %ge3A_162 : i1 to i32
      %cond3A_164 = arith.constant 0 : i32
      %cond3A_165 = arith.cmpi ne, %convert_element_type3A_163, %cond3A_164 : i32
      scf.if %cond3A_165 {
        %dma_wait3A_172 = arith.constant 0 : i32
        %dma_wait3A_173 = arith.constant 0 : i32
        %dma_wait3A_174 = tpu.memref_slice %arg9[%rem3A_141, %dma_wait3A_172, %dma_wait3A_173] : memref<10x80x32xf32, #tpu.memory_space<vmem>> -> memref<1x80x32xf32, #tpu.memory_space<vmem>>
        %dma_wait3A_175 = tpu.memref_squeeze %dma_wait3A_174 : memref<1x80x32xf32, #tpu.memory_space<vmem>> -> memref<80x32xf32, #tpu.memory_space<vmem>>
        %dma_wait3A_176 = arith.constant 0 : i32
        %dma_wait3A_177 = tpu.memref_slice %arg8[%scan3A_140, %dma_wait3A_176] : memref<125x80xi32, #tpu.memory_space<vmem>> -> memref<1x80xi32, #tpu.memory_space<vmem>>
        %dma_wait3A_178 = tpu.memref_squeeze %dma_wait3A_177 : memref<1x80xi32, #tpu.memory_space<vmem>> -> memref<80xi32, #tpu.memory_space<vmem>>
        %dma_wait3A_179 = arith.constant 0 : i32
        %dma_wait3A_180 = arith.constant 0 : i32
        %dma_wait3A_181 = tpu.memref_slice %arg10[%dma_wait3A_179, %dma_wait3A_180] : memref<10000x32xf32, #tpu.memory_space<vmem_shared>> -> memref<10000x32xf32, #tpu.memory_space<vmem_shared>>
        tpu.wait_indirect_dma semaphore(%arg12 : memref<!tpu.dma_semaphore, #tpu.memory_space<semaphore_mem>>) src(%dma_wait3A_175 : memref<80x32xf32, #tpu.memory_space<vmem>>) dst(%dma_wait3A_181 : memref<10000x32xf32, #tpu.memory_space<vmem_shared>>)
      } else {
      }
      %add3A_166 = arith.constant 5 : i32
      %add3A_167 = arith.addi %scan3A_140, %add3A_166 : i32
      %lt3A = arith.constant 125 : i32
      %lt3A_168 = arith.cmpi slt, %add3A_167, %lt3A : i32
      %convert_element_type3A_169 = arith.extui %lt3A_168 : i1 to i32
      %cond3A_170 = arith.constant 0 : i32
      %cond3A_171 = arith.cmpi ne, %convert_element_type3A_169, %cond3A_170 : i32
      scf.if %cond3A_171 {
        %add3A_172 = arith.constant 5 : i32
        %add3A_173 = arith.addi %scan3A_140, %add3A_172 : i32
        %add3A_174 = arith.constant 5 : i32
        %add3A_175 = arith.addi %scan3A_140, %add3A_174 : i32
        %rem3A_176 = arith.constant 10 : i32
        %rem3A_177 = arith.remsi %add3A_175, %rem3A_176 : i32
        %dma_start3A_178 = arith.constant 0 : i32
        %dma_start3A_179 = arith.constant 0 : i32
        %dma_start3A_180 = tpu.memref_slice %arg9[%rem3A_177, %dma_start3A_178, %dma_start3A_179] : memref<10x80x32xf32, #tpu.memory_space<vmem>> -> memref<1x80x32xf32, #tpu.memory_space<vmem>>
        %dma_start3A_181 = tpu.memref_squeeze %dma_start3A_180 : memref<1x80x32xf32, #tpu.memory_space<vmem>> -> memref<80x32xf32, #tpu.memory_space<vmem>>
        %dma_start3A_182 = arith.constant 0 : i32
        %dma_start3A_183 = tpu.memref_slice %arg7[%add3A_173, %dma_start3A_182] : memref<125x80xi32, #tpu.memory_space<vmem>> -> memref<1x80xi32, #tpu.memory_space<vmem>>
        %dma_start3A_184 = tpu.memref_squeeze %dma_start3A_183 : memref<1x80xi32, #tpu.memory_space<vmem>> -> memref<80xi32, #tpu.memory_space<vmem>>
        %dma_start3A_185 = arith.constant 0 : i32
        %dma_start3A_186 = arith.constant 0 : i32
        %dma_start3A_187 = tpu.memref_slice %arg4[%dma_start3A_185, %dma_start3A_186] : memref<10000x32xf32, #tpu.memory_space<hbm>> -> memref<10000x32xf32, #tpu.memory_space<hbm>>
        tpu.enqueue_indirect_dma source(%dma_start3A_187 : memref<10000x32xf32, #tpu.memory_space<hbm>>) target(%dma_start3A_181 : memref<80x32xf32, #tpu.memory_space<vmem>>) offsets(%dma_start3A_184 : memref<80xi32, #tpu.memory_space<vmem>>) semaphore(%arg11 : memref<!tpu.dma_semaphore, #tpu.memory_space<semaphore_mem>>)
      } else {
      }
    }
    %scan3A_70 = arith.constant 125 : i32
    %dma_wait3A = arith.constant 0 : i32
    %dma_wait3A_71 = arith.constant 0 : i32
    %dma_wait3A_72 = arith.constant 0 : i32
    %dma_wait3A_73 = arith.constant 0 : i32
    %dma_wait3A_74 = tpu.memref_slice %arg9[%dma_wait3A, %dma_wait3A_72, %dma_wait3A_73] : memref<10x80x32xf32, #tpu.memory_space<vmem>> -> memref<1x80x32xf32, #tpu.memory_space<vmem>>
    %dma_wait3A_75 = tpu.memref_squeeze %dma_wait3A_74 : memref<1x80x32xf32, #tpu.memory_space<vmem>> -> memref<80x32xf32, #tpu.memory_space<vmem>>
    %dma_wait3A_76 = arith.constant 0 : i32
    %dma_wait3A_77 = tpu.memref_slice %arg8[%dma_wait3A_71, %dma_wait3A_76] : memref<125x80xi32, #tpu.memory_space<vmem>> -> memref<1x80xi32, #tpu.memory_space<vmem>>
    %dma_wait3A_78 = tpu.memref_squeeze %dma_wait3A_77 : memref<1x80xi32, #tpu.memory_space<vmem>> -> memref<80xi32, #tpu.memory_space<vmem>>
    %dma_wait3A_79 = arith.constant 0 : i32
    %dma_wait3A_80 = arith.constant 0 : i32
    %dma_wait3A_81 = tpu.memref_slice %arg10[%dma_wait3A_79, %dma_wait3A_80] : memref<10000x32xf32, #tpu.memory_space<vmem_shared>> -> memref<10000x32xf32, #tpu.memory_space<vmem_shared>>
    tpu.wait_indirect_dma semaphore(%arg12 : memref<!tpu.dma_semaphore, #tpu.memory_space<semaphore_mem>>) src(%dma_wait3A_75 : memref<80x32xf32, #tpu.memory_space<vmem>>) dst(%dma_wait3A_81 : memref<10000x32xf32, #tpu.memory_space<vmem_shared>>)
    %dma_wait3A_82 = arith.constant 0 : i32
    %dma_wait3A_83 = arith.constant 0 : i32
    %dma_wait3A_84 = arith.constant 0 : i32
    %dma_wait3A_85 = arith.constant 0 : i32
    %dma_wait3A_86 = tpu.memref_slice %arg9[%dma_wait3A_82, %dma_wait3A_84, %dma_wait3A_85] : memref<10x80x32xf32, #tpu.memory_space<vmem>> -> memref<1x80x32xf32, #tpu.memory_space<vmem>>
    %dma_wait3A_87 = tpu.memref_squeeze %dma_wait3A_86 : memref<1x80x32xf32, #tpu.memory_space<vmem>> -> memref<80x32xf32, #tpu.memory_space<vmem>>
    %dma_wait3A_88 = arith.constant 0 : i32
    %dma_wait3A_89 = tpu.memref_slice %arg8[%dma_wait3A_83, %dma_wait3A_88] : memref<125x80xi32, #tpu.memory_space<vmem>> -> memref<1x80xi32, #tpu.memory_space<vmem>>
    %dma_wait3A_90 = tpu.memref_squeeze %dma_wait3A_89 : memref<1x80xi32, #tpu.memory_space<vmem>> -> memref<80xi32, #tpu.memory_space<vmem>>
    %dma_wait3A_91 = arith.constant 0 : i32
    %dma_wait3A_92 = arith.constant 0 : i32
    %dma_wait3A_93 = tpu.memref_slice %arg10[%dma_wait3A_91, %dma_wait3A_92] : memref<10000x32xf32, #tpu.memory_space<vmem_shared>> -> memref<10000x32xf32, #tpu.memory_space<vmem_shared>>
    tpu.wait_indirect_dma semaphore(%arg12 : memref<!tpu.dma_semaphore, #tpu.memory_space<semaphore_mem>>) src(%dma_wait3A_87 : memref<80x32xf32, #tpu.memory_space<vmem>>) dst(%dma_wait3A_93 : memref<10000x32xf32, #tpu.memory_space<vmem_shared>>)
    %dma_wait3A_94 = arith.constant 0 : i32
    %dma_wait3A_95 = arith.constant 0 : i32
    %dma_wait3A_96 = arith.constant 0 : i32
    %dma_wait3A_97 = arith.constant 0 : i32
    %dma_wait3A_98 = tpu.memref_slice %arg9[%dma_wait3A_94, %dma_wait3A_96, %dma_wait3A_97] : memref<10x80x32xf32, #tpu.memory_space<vmem>> -> memref<1x80x32xf32, #tpu.memory_space<vmem>>
    %dma_wait3A_99 = tpu.memref_squeeze %dma_wait3A_98 : memref<1x80x32xf32, #tpu.memory_space<vmem>> -> memref<80x32xf32, #tpu.memory_space<vmem>>
    %dma_wait3A_100 = arith.constant 0 : i32
    %dma_wait3A_101 = tpu.memref_slice %arg8[%dma_wait3A_95, %dma_wait3A_100] : memref<125x80xi32, #tpu.memory_space<vmem>> -> memref<1x80xi32, #tpu.memory_space<vmem>>
    %dma_wait3A_102 = tpu.memref_squeeze %dma_wait3A_101 : memref<1x80xi32, #tpu.memory_space<vmem>> -> memref<80xi32, #tpu.memory_space<vmem>>
    %dma_wait3A_103 = arith.constant 0 : i32
    %dma_wait3A_104 = arith.constant 0 : i32
    %dma_wait3A_105 = tpu.memref_slice %arg10[%dma_wait3A_103, %dma_wait3A_104] : memref<10000x32xf32, #tpu.memory_space<vmem_shared>> -> memref<10000x32xf32, #tpu.memory_space<vmem_shared>>
    tpu.wait_indirect_dma semaphore(%arg12 : memref<!tpu.dma_semaphore, #tpu.memory_space<semaphore_mem>>) src(%dma_wait3A_99 : memref<80x32xf32, #tpu.memory_space<vmem>>) dst(%dma_wait3A_105 : memref<10000x32xf32, #tpu.memory_space<vmem_shared>>)
    %dma_wait3A_106 = arith.constant 0 : i32
    %dma_wait3A_107 = arith.constant 0 : i32
    %dma_wait3A_108 = arith.constant 0 : i32
    %dma_wait3A_109 = arith.constant 0 : i32
    %dma_wait3A_110 = tpu.memref_slice %arg9[%dma_wait3A_106, %dma_wait3A_108, %dma_wait3A_109] : memref<10x80x32xf32, #tpu.memory_space<vmem>> -> memref<1x80x32xf32, #tpu.memory_space<vmem>>
    %dma_wait3A_111 = tpu.memref_squeeze %dma_wait3A_110 : memref<1x80x32xf32, #tpu.memory_space<vmem>> -> memref<80x32xf32, #tpu.memory_space<vmem>>
    %dma_wait3A_112 = arith.constant 0 : i32
    %dma_wait3A_113 = tpu.memref_slice %arg8[%dma_wait3A_107, %dma_wait3A_112] : memref<125x80xi32, #tpu.memory_space<vmem>> -> memref<1x80xi32, #tpu.memory_space<vmem>>
    %dma_wait3A_114 = tpu.memref_squeeze %dma_wait3A_113 : memref<1x80xi32, #tpu.memory_space<vmem>> -> memref<80xi32, #tpu.memory_space<vmem>>
    %dma_wait3A_115 = arith.constant 0 : i32
    %dma_wait3A_116 = arith.constant 0 : i32
    %dma_wait3A_117 = tpu.memref_slice %arg10[%dma_wait3A_115, %dma_wait3A_116] : memref<10000x32xf32, #tpu.memory_space<vmem_shared>> -> memref<10000x32xf32, #tpu.memory_space<vmem_shared>>
    tpu.wait_indirect_dma semaphore(%arg12 : memref<!tpu.dma_semaphore, #tpu.memory_space<semaphore_mem>>) src(%dma_wait3A_111 : memref<80x32xf32, #tpu.memory_space<vmem>>) dst(%dma_wait3A_117 : memref<10000x32xf32, #tpu.memory_space<vmem_shared>>)
    %dma_wait3A_118 = arith.constant 0 : i32
    %dma_wait3A_119 = arith.constant 0 : i32
    %dma_wait3A_120 = arith.constant 0 : i32
    %dma_wait3A_121 = arith.constant 0 : i32
    %dma_wait3A_122 = tpu.memref_slice %arg9[%dma_wait3A_118, %dma_wait3A_120, %dma_wait3A_121] : memref<10x80x32xf32, #tpu.memory_space<vmem>> -> memref<1x80x32xf32, #tpu.memory_space<vmem>>
    %dma_wait3A_123 = tpu.memref_squeeze %dma_wait3A_122 : memref<1x80x32xf32, #tpu.memory_space<vmem>> -> memref<80x32xf32, #tpu.memory_space<vmem>>
    %dma_wait3A_124 = arith.constant 0 : i32
    %dma_wait3A_125 = tpu.memref_slice %arg8[%dma_wait3A_119, %dma_wait3A_124] : memref<125x80xi32, #tpu.memory_space<vmem>> -> memref<1x80xi32, #tpu.memory_space<vmem>>
    %dma_wait3A_126 = tpu.memref_squeeze %dma_wait3A_125 : memref<1x80xi32, #tpu.memory_space<vmem>> -> memref<80xi32, #tpu.memory_space<vmem>>
    %dma_wait3A_127 = arith.constant 0 : i32
    %dma_wait3A_128 = arith.constant 0 : i32
    %dma_wait3A_129 = tpu.memref_slice %arg10[%dma_wait3A_127, %dma_wait3A_128] : memref<10000x32xf32, #tpu.memory_space<vmem_shared>> -> memref<10000x32xf32, #tpu.memory_space<vmem_shared>>
    tpu.wait_indirect_dma semaphore(%arg12 : memref<!tpu.dma_semaphore, #tpu.memory_space<semaphore_mem>>) src(%dma_wait3A_123 : memref<80x32xf32, #tpu.memory_space<vmem>>) dst(%dma_wait3A_129 : memref<10000x32xf32, #tpu.memory_space<vmem_shared>>)
    %barrier3A_130 = arith.constant 0 : index
    tpu.barrier barrier_id(%barrier3A_130)
    %mul3A_131 = arith.constant 624 : i32
    %mul3A_132 = arith.muli %arg1, %mul3A_131 : i32
    %mul3A_133 = arith.constant 624 : i32
    %mul3A_134 = arith.muli %arg1, %mul3A_133 : i32
    "tpu.region"() ({
      %run_scoped3A = tpu.sem_alloc : memref<!tpu.dma_semaphore, #tpu.memory_space<semaphore_mem>>
      %dma_start3A_140 = arith.constant 0 : i32
      %dma_start3A_141 = tpu.memref_slice %arg6[%arg0, %mul3A_134, %dma_start3A_140] : memref<2x10000x32xf32, #tpu.memory_space<hbm>> -> memref<1x624x32xf32, #tpu.memory_space<hbm>>
      %dma_start3A_142 = tpu.memref_squeeze %dma_start3A_141 : memref<1x624x32xf32, #tpu.memory_space<hbm>> -> memref<624x32xf32, #tpu.memory_space<hbm>>
      %dma_start3A_143 = arith.constant 0 : i32
      %dma_start3A_144 = tpu.memref_slice %arg10[%mul3A_132, %dma_start3A_143] : memref<10000x32xf32, #tpu.memory_space<vmem_shared>> -> memref<624x32xf32, #tpu.memory_space<vmem_shared>>
      tpu.enqueue_dma source(%dma_start3A_144 : memref<624x32xf32, #tpu.memory_space<vmem_shared>>) target(%dma_start3A_142 : memref<624x32xf32, #tpu.memory_space<hbm>>) target_semaphore(%run_scoped3A : memref<!tpu.dma_semaphore, #tpu.memory_space<semaphore_mem>>)
      %dma_wait3A_145 = arith.constant 0 : i32
      %dma_wait3A_146 = tpu.memref_slice %arg6[%arg0, %mul3A_134, %dma_wait3A_145] : memref<2x10000x32xf32, #tpu.memory_space<hbm>> -> memref<1x624x32xf32, #tpu.memory_space<hbm>>
      %dma_wait3A_147 = tpu.memref_squeeze %dma_wait3A_146 : memref<1x624x32xf32, #tpu.memory_space<hbm>> -> memref<624x32xf32, #tpu.memory_space<hbm>>
      %dma_wait3A_148 = arith.constant 0 : i32
      %dma_wait3A_149 = tpu.memref_slice %arg10[%mul3A_132, %dma_wait3A_148] : memref<10000x32xf32, #tpu.memory_space<vmem_shared>> -> memref<624x32xf32, #tpu.memory_space<vmem_shared>>
      tpu.wait_dma2 semaphore(%run_scoped3A : memref<!tpu.dma_semaphore, #tpu.memory_space<semaphore_mem>>) src(%dma_wait3A_149 : memref<624x32xf32, #tpu.memory_space<vmem_shared>>) dst(%dma_wait3A_147 : memref<624x32xf32, #tpu.memory_space<hbm>>)
      tpu.yield
    }) : () -> ()
    %eq3A_135 = arith.constant 15 : i32
    %eq3A_136 = arith.cmpi eq, %arg1, %eq3A_135 : i32
    %convert_element_type3A_137 = arith.extui %eq3A_136 : i1 to i32
    %cond3A_138 = arith.constant 0 : i32
    %cond3A_139 = arith.cmpi ne, %convert_element_type3A_137, %cond3A_138 : i32
    scf.if %cond3A_139 {
      "tpu.region"() ({
        %run_scoped3A = tpu.sem_alloc : memref<!tpu.dma_semaphore, #tpu.memory_space<semaphore_mem>>
        %dma_start3A_140 = arith.constant 9984 : i32
        %dma_start3A_141 = arith.constant 0 : i32
        %dma_start3A_142 = tpu.memref_slice %arg6[%arg0, %dma_start3A_140, %dma_start3A_141] : memref<2x10000x32xf32, #tpu.memory_space<hbm>> -> memref<1x16x32xf32, #tpu.memory_space<hbm>>
        %dma_start3A_143 = tpu.memref_squeeze %dma_start3A_142 : memref<1x16x32xf32, #tpu.memory_space<hbm>> -> memref<16x32xf32, #tpu.memory_space<hbm>>
        %dma_start3A_144 = arith.constant 9984 : i32
        %dma_start3A_145 = arith.constant 0 : i32
        %dma_start3A_146 = tpu.memref_slice %arg10[%dma_start3A_144, %dma_start3A_145] : memref<10000x32xf32, #tpu.memory_space<vmem_shared>> -> memref<16x32xf32, #tpu.memory_space<vmem_shared>>
        tpu.enqueue_dma source(%dma_start3A_146 : memref<16x32xf32, #tpu.memory_space<vmem_shared>>) target(%dma_start3A_143 : memref<16x32xf32, #tpu.memory_space<hbm>>) target_semaphore(%run_scoped3A : memref<!tpu.dma_semaphore, #tpu.memory_space<semaphore_mem>>)
        %dma_wait3A_147 = arith.constant 9984 : i32
        %dma_wait3A_148 = arith.constant 0 : i32
        %dma_wait3A_149 = tpu.memref_slice %arg6[%arg0, %dma_wait3A_147, %dma_wait3A_148] : memref<2x10000x32xf32, #tpu.memory_space<hbm>> -> memref<1x16x32xf32, #tpu.memory_space<hbm>>
        %dma_wait3A_150 = tpu.memref_squeeze %dma_wait3A_149 : memref<1x16x32xf32, #tpu.memory_space<hbm>> -> memref<16x32xf32, #tpu.memory_space<hbm>>
        %dma_wait3A_151 = arith.constant 9984 : i32
        %dma_wait3A_152 = arith.constant 0 : i32
        %dma_wait3A_153 = tpu.memref_slice %arg10[%dma_wait3A_151, %dma_wait3A_152] : memref<10000x32xf32, #tpu.memory_space<vmem_shared>> -> memref<16x32xf32, #tpu.memory_space<vmem_shared>>
        tpu.wait_dma2 semaphore(%run_scoped3A : memref<!tpu.dma_semaphore, #tpu.memory_space<semaphore_mem>>) src(%dma_wait3A_153 : memref<16x32xf32, #tpu.memory_space<vmem_shared>>) dst(%dma_wait3A_150 : memref<16x32xf32, #tpu.memory_space<hbm>>)
        tpu.yield
      }) : () -> ()
    } else {
    }
    return
  }
}

module attributes {stable_mosaic.version = 14 : i64} {
  func.func @_k_matmul1(%arg0: memref<1280000xf32, #tpu.memory_space<vmem>>, %arg1: memref<256x128xf32, #tpu.memory_space<vmem>>, %arg2: memref<640000xf32, #tpu.memory_space<vmem>>) attributes {dimension_semantics = [], scalar_prefetch = 0 : i64, scratch_operands = 0 : i64, tpu.core_type = #tpu.core_type<tc>} {
    %get3A = arith.constant 0 : index
    %get3A_0 = vector.load %arg0[%get3A] : memref<1280000xf32, #tpu.memory_space<vmem>>, vector<1280000xf32>
    %reshape3A = vector.shape_cast %get3A_0 : vector<1280000xf32> to vector<5000x256xf32>
    %get3A_1 = arith.constant 0 : index
    %get3A_2 = arith.constant 0 : index
    %get3A_3 = vector.load %arg1[%get3A_1, %get3A_2] : memref<256x128xf32, #tpu.memory_space<vmem>>, vector<256x128xf32>
    %dot_general3A = arith.constant dense<0.000000e+00> : vector<5000x128xf32>
    %dot_general3A_4 = tpu.matmul %reshape3A, %get3A_3, %dot_general3A {dimension_numbers = #tpu.dot_dimension_numbers<[1], [0], [0], [1], [0, 0, 1, 1], [], []>, transpose_lhs_hint = false} : vector<5000x256xf32>, vector<256x128xf32>, vector<5000x128xf32> -> vector<5000x128xf32>
    %reshape3A_5 = vector.shape_cast %dot_general3A_4 : vector<5000x128xf32> to vector<640000xf32>
    %swap3A = arith.constant 0 : index
    %swap3A_6 = vector.load %arg2[%swap3A] : memref<640000xf32, #tpu.memory_space<vmem>>, vector<640000xf32>
    tpu.vector_store %arg2[%swap3A], %reshape3A_5 {strides = array<i32>} : memref<640000xf32, #tpu.memory_space<vmem>>, vector<640000xf32>,
    return
  }
}

module attributes {stable_mosaic.version = 14 : i64} {
  func.func @_k_scale(%arg0: memref<320000xf32, #tpu.memory_space<vmem>>, %arg1: memref<640000xf32, #tpu.memory_space<vmem>>, %arg2: memref<128x512xf32, #tpu.memory_space<vmem>>, %arg3: memref<128x256xf32, #tpu.memory_space<vmem>>, %arg4: memref<640000xf32, #tpu.memory_space<vmem>>, %arg5: memref<320000xf32, #tpu.memory_space<vmem>>, %arg6: memref<640000xf32, #tpu.memory_space<vmem>>) attributes {dimension_semantics = [], scalar_prefetch = 0 : i64, scratch_operands = 0 : i64, tpu.core_type = #tpu.core_type<tc>} {
    %get3A = arith.constant 0 : index
    %get3A_0 = vector.load %arg0[%get3A] : memref<320000xf32, #tpu.memory_space<vmem>>, vector<320000xf32>
    %reshape3A = vector.shape_cast %get3A_0 : vector<320000xf32> to vector<2500x128xf32>
    %slice3A = vector.extract_strided_slice %reshape3A {offsets = [0, 0], sizes = [1250, 128], strides = [1, 1]} : vector<2500x128xf32> to vector<1250x128xf32>
    %slice3A_1 = vector.extract_strided_slice %reshape3A {offsets = [1250, 0], sizes = [1250, 128], strides = [1, 1]} : vector<2500x128xf32> to vector<1250x128xf32>
    %add3A = arith.addf %slice3A, %slice3A_1 : vector<1250x128xf32>
    %add3A_2 = arith.constant 1.000000e+00 : f32
    %add3A_3 = vector.broadcast %add3A_2 : f32 to vector<1250x128xf32>
    %add3A_4 = arith.addf %add3A_3, %add3A : vector<1250x128xf32>
    %rsqrt3A = math.rsqrt %add3A_4 : vector<1250x128xf32>
    %get3A_5 = arith.constant 0 : index
    %get3A_6 = arith.constant 0 : index
    %get3A_7 = vector.load %arg2[%get3A_5, %get3A_6] : memref<128x512xf32, #tpu.memory_space<vmem>>, vector<128x512xf32>
    %dot_general3A = arith.constant dense<0.000000e+00> : vector<1250x512xf32>
    %dot_general3A_8 = tpu.matmul %rsqrt3A, %get3A_7, %dot_general3A {dimension_numbers = #tpu.dot_dimension_numbers<[1], [0], [0], [1], [0, 0, 1, 1], [], []>, transpose_lhs_hint = false} : vector<1250x128xf32>, vector<128x512xf32>, vector<1250x512xf32> -> vector<1250x512xf32>
    %reshape3A_9 = vector.shape_cast %dot_general3A_8 : vector<1250x512xf32> to vector<640000xf32>
    %get3A_10 = arith.constant 0 : index
    %get3A_11 = arith.constant 0 : index
    %get3A_12 = vector.load %arg3[%get3A_10, %get3A_11] : memref<128x256xf32, #tpu.memory_space<vmem>>, vector<128x256xf32>
    %dot_general3A_13 = arith.constant dense<0.000000e+00> : vector<1250x256xf32>
    %dot_general3A_14 = tpu.matmul %rsqrt3A, %get3A_12, %dot_general3A_13 {dimension_numbers = #tpu.dot_dimension_numbers<[1], [0], [0], [1], [0, 0, 1, 1], [], []>, transpose_lhs_hint = false} : vector<1250x128xf32>, vector<128x256xf32>, vector<1250x256xf32> -> vector<1250x256xf32>
    %reshape3A_15 = vector.shape_cast %dot_general3A_14 : vector<1250x256xf32> to vector<320000xf32>
    %swap3A = arith.constant 0 : index
    %swap3A_16 = vector.load %arg4[%swap3A] : memref<640000xf32, #tpu.memory_space<vmem>>, vector<640000xf32>
    tpu.vector_store %arg4[%swap3A], %reshape3A_9 {strides = array<i32>} : memref<640000xf32, #tpu.memory_space<vmem>>, vector<640000xf32>,
    %swap3A_17 = arith.constant 0 : index
    %swap3A_18 = vector.load %arg5[%swap3A_17] : memref<320000xf32, #tpu.memory_space<vmem>>, vector<320000xf32>
    tpu.vector_store %arg5[%swap3A_17], %reshape3A_15 {strides = array<i32>} : memref<320000xf32, #tpu.memory_space<vmem>>, vector<320000xf32>,
    %get3A_19 = arith.constant 0 : index
    %get3A_20 = vector.load %arg1[%get3A_19] : memref<640000xf32, #tpu.memory_space<vmem>>, vector<640000xf32>
    %mul3A = arith.mulf %reshape3A_9, %get3A_20 : vector<640000xf32>
    %swap3A_21 = arith.constant 0 : index
    %swap3A_22 = vector.load %arg6[%swap3A_21] : memref<640000xf32, #tpu.memory_space<vmem>>, vector<640000xf32>
    tpu.vector_store %arg6[%swap3A_21], %mul3A {strides = array<i32>} : memref<640000xf32, #tpu.memory_space<vmem>>, vector<640000xf32>,
    return
  }
}

module attributes {stable_mosaic.version = 14 : i64} {
  func.func @_k_mid(%arg0: memref<1280000xf32, #tpu.memory_space<vmem>>, %arg1: memref<640000xf32, #tpu.memory_space<vmem>>, %arg2: memref<128xf32, #tpu.memory_space<vmem>>, %arg3: memref<640000xf32, #tpu.memory_space<vmem>>, %arg4: memref<640000xf32, #tpu.memory_space<vmem>>, %arg5: memref<128x128xf32, #tpu.memory_space<vmem>>, %arg6: memref<640000xf32, #tpu.memory_space<vmem>>) attributes {dimension_semantics = [], scalar_prefetch = 0 : i64, scratch_operands = 0 : i64, tpu.core_type = #tpu.core_type<tc>} {
    %get3A = arith.constant 0 : index
    %get3A_0 = vector.load %arg2[%get3A] : memref<128xf32, #tpu.memory_space<vmem>>, vector<128xf32>
    %get3A_1 = arith.constant 0 : index
    %get3A_2 = vector.load %arg0[%get3A_1] : memref<1280000xf32, #tpu.memory_space<vmem>>, vector<640000xf32>
    %reshape3A = vector.shape_cast %get3A_2 : vector<640000xf32> to vector<5000x128xf32>
    %get3A_3 = arith.constant 640000 : index
    %get3A_4 = vector.load %arg0[%get3A_3] : memref<1280000xf32, #tpu.memory_space<vmem>>, vector<640000xf32>
    %reshape3A_5 = vector.shape_cast %get3A_4 : vector<640000xf32> to vector<5000x128xf32>
    %get3A_6 = arith.constant 0 : index
    %get3A_7 = vector.load %arg1[%get3A_6] : memref<640000xf32, #tpu.memory_space<vmem>>, vector<640000xf32>
    %reshape3A_8 = vector.shape_cast %get3A_7 : vector<640000xf32> to vector<5000x128xf32>
    %get3A_9 = arith.constant 0 : index
    %get3A_10 = vector.load %arg3[%get3A_9] : memref<640000xf32, #tpu.memory_space<vmem>>, vector<640000xf32>
    %reshape3A_11 = vector.shape_cast %get3A_10 : vector<640000xf32> to vector<5000x128xf32>
    %add3A = arith.addf %reshape3A, %reshape3A_5 : vector<5000x128xf32>
    %add3A_12 = arith.addf %add3A, %reshape3A_8 : vector<5000x128xf32>
    %mul3A = arith.mulf %reshape3A_11, %add3A_12 : vector<5000x128xf32>
    %broadcast_in_dim3A = vector.shape_cast %get3A_0 : vector<128xf32> to vector<1x128xf32>
    %add3A_13 = vector.broadcast %broadcast_in_dim3A : vector<1x128xf32> to vector<5000x128xf32>
    %add3A_14 = arith.addf %mul3A, %add3A_13 : vector<5000x128xf32>
    %max3A = arith.constant 0.000000e+00 : f32
    %max3A_15 = vector.broadcast %max3A : f32 to vector<5000x128xf32>
    %max3A_16 = arith.maximumf %add3A_14, %max3A_15 : vector<5000x128xf32>
    %get3A_17 = arith.constant 0 : index
    %get3A_18 = arith.constant 0 : index
    %get3A_19 = vector.load %arg5[%get3A_17, %get3A_18] : memref<128x128xf32, #tpu.memory_space<vmem>>, vector<128x128xf32>
    %dot_general3A = arith.constant dense<0.000000e+00> : vector<5000x128xf32>
    %dot_general3A_20 = tpu.matmul %max3A_16, %get3A_19, %dot_general3A {dimension_numbers = #tpu.dot_dimension_numbers<[1], [0], [0], [1], [0, 0, 1, 1], [], []>, transpose_lhs_hint = false} : vector<5000x128xf32>, vector<128x128xf32>, vector<5000x128xf32> -> vector<5000x128xf32>
    %get3A_21 = arith.constant 0 : index
    %get3A_22 = vector.load %arg4[%get3A_21] : memref<640000xf32, #tpu.memory_space<vmem>>, vector<640000xf32>
    %reshape3A_23 = vector.shape_cast %dot_general3A_20 : vector<5000x128xf32> to vector<640000xf32>
    %mul3A_24 = arith.mulf %get3A_22, %reshape3A_23 : vector<640000xf32>
    %swap3A = arith.constant 0 : index
    %swap3A_25 = vector.load %arg6[%swap3A] : memref<640000xf32, #tpu.memory_space<vmem>>, vector<640000xf32>
    tpu.vector_store %arg6[%swap3A], %mul3A_24 {strides = array<i32>} : memref<640000xf32, #tpu.memory_space<vmem>>, vector<640000xf32>,
    return
  }
}

module attributes {stable_mosaic.version = 14 : i64} {
  func.func @_k_mid(%arg0: memref<1280000xf32, #tpu.memory_space<vmem>>, %arg1: memref<640000xf32, #tpu.memory_space<vmem>>, %arg2: memref<128xf32, #tpu.memory_space<vmem>>, %arg3: memref<640000xf32, #tpu.memory_space<vmem>>, %arg4: memref<320000xf32, #tpu.memory_space<vmem>>, %arg5: memref<256x128xf32, #tpu.memory_space<vmem>>, %arg6: memref<320000xf32, #tpu.memory_space<vmem>>) attributes {dimension_semantics = [], scalar_prefetch = 0 : i64, scratch_operands = 0 : i64, tpu.core_type = #tpu.core_type<tc>} {
    %get3A = arith.constant 0 : index
    %get3A_0 = vector.load %arg2[%get3A] : memref<128xf32, #tpu.memory_space<vmem>>, vector<128xf32>
    %get3A_1 = arith.constant 0 : index
    %get3A_2 = vector.load %arg0[%get3A_1] : memref<1280000xf32, #tpu.memory_space<vmem>>, vector<640000xf32>
    %reshape3A = vector.shape_cast %get3A_2 : vector<640000xf32> to vector<5000x128xf32>
    %get3A_3 = arith.constant 640000 : index
    %get3A_4 = vector.load %arg0[%get3A_3] : memref<1280000xf32, #tpu.memory_space<vmem>>, vector<640000xf32>
    %reshape3A_5 = vector.shape_cast %get3A_4 : vector<640000xf32> to vector<5000x128xf32>
    %get3A_6 = arith.constant 0 : index
    %get3A_7 = vector.load %arg1[%get3A_6] : memref<640000xf32, #tpu.memory_space<vmem>>, vector<640000xf32>
    %reshape3A_8 = vector.shape_cast %get3A_7 : vector<640000xf32> to vector<5000x128xf32>
    %get3A_9 = arith.constant 0 : index
    %get3A_10 = vector.load %arg3[%get3A_9] : memref<640000xf32, #tpu.memory_space<vmem>>, vector<640000xf32>
    %reshape3A_11 = vector.shape_cast %get3A_10 : vector<640000xf32> to vector<5000x128xf32>
    %add3A = arith.addf %reshape3A, %reshape3A_5 : vector<5000x128xf32>
    %add3A_12 = arith.addf %add3A, %reshape3A_8 : vector<5000x128xf32>
    %mul3A = arith.mulf %reshape3A_11, %add3A_12 : vector<5000x128xf32>
    %broadcast_in_dim3A = vector.shape_cast %get3A_0 : vector<128xf32> to vector<1x128xf32>
    %add3A_13 = vector.broadcast %broadcast_in_dim3A : vector<1x128xf32> to vector<5000x128xf32>
    %add3A_14 = arith.addf %mul3A, %add3A_13 : vector<5000x128xf32>
    %max3A = arith.constant 0.000000e+00 : f32
    %max3A_15 = vector.broadcast %max3A : f32 to vector<5000x128xf32>
    %max3A_16 = arith.maximumf %add3A_14, %max3A_15 : vector<5000x128xf32>
    %reshape3A_17 = vector.shape_cast %max3A_16 : vector<5000x128xf32> to vector<640000xf32>
    %reshape3A_18 = vector.shape_cast %reshape3A_17 : vector<640000xf32> to vector<2500x256xf32>
    %get3A_19 = arith.constant 0 : index
    %get3A_20 = arith.constant 0 : index
    %get3A_21 = vector.load %arg5[%get3A_19, %get3A_20] : memref<256x128xf32, #tpu.memory_space<vmem>>, vector<256x128xf32>
    %dot_general3A = arith.constant dense<0.000000e+00> : vector<2500x128xf32>
    %dot_general3A_22 = tpu.matmul %reshape3A_18, %get3A_21, %dot_general3A {dimension_numbers = #tpu.dot_dimension_numbers<[1], [0], [0], [1], [0, 0, 1, 1], [], []>, transpose_lhs_hint = false} : vector<2500x256xf32>, vector<256x128xf32>, vector<2500x128xf32> -> vector<2500x128xf32>
    %get3A_23 = arith.constant 0 : index
    %get3A_24 = vector.load %arg4[%get3A_23] : memref<320000xf32, #tpu.memory_space<vmem>>, vector<320000xf32>
    %reshape3A_25 = vector.shape_cast %dot_general3A_22 : vector<2500x128xf32> to vector<320000xf32>
    %mul3A_26 = arith.mulf %get3A_24, %reshape3A_25 : vector<320000xf32>
    %swap3A = arith.constant 0 : index
    %swap3A_27 = vector.load %arg6[%swap3A] : memref<320000xf32, #tpu.memory_space<vmem>>, vector<320000xf32>
    tpu.vector_store %arg6[%swap3A], %mul3A_26 {strides = array<i32>} : memref<320000xf32, #tpu.memory_space<vmem>>, vector<320000xf32>,
    return
  }
}

module attributes {stable_mosaic.version = 14 : i64} {
  func.func @_k_mid(%arg0: memref<640000xf32, #tpu.memory_space<vmem>>, %arg1: memref<320000xf32, #tpu.memory_space<vmem>>, %arg2: memref<128xf32, #tpu.memory_space<vmem>>, %arg3: memref<320000xf32, #tpu.memory_space<vmem>>, %arg4: memref<320000xf32, #tpu.memory_space<vmem>>, %arg5: memref<128x128xf32, #tpu.memory_space<vmem>>, %arg6: memref<320000xf32, #tpu.memory_space<vmem>>) attributes {dimension_semantics = [], scalar_prefetch = 0 : i64, scratch_operands = 0 : i64, tpu.core_type = #tpu.core_type<tc>} {
    %get3A = arith.constant 0 : index
    %get3A_0 = vector.load %arg2[%get3A] : memref<128xf32, #tpu.memory_space<vmem>>, vector<128xf32>
    %get3A_1 = arith.constant 0 : index
    %get3A_2 = vector.load %arg0[%get3A_1] : memref<640000xf32, #tpu.memory_space<vmem>>, vector<320000xf32>
    %reshape3A = vector.shape_cast %get3A_2 : vector<320000xf32> to vector<2500x128xf32>
    %get3A_3 = arith.constant 320000 : index
    %get3A_4 = vector.load %arg0[%get3A_3] : memref<640000xf32, #tpu.memory_space<vmem>>, vector<320000xf32>
    %reshape3A_5 = vector.shape_cast %get3A_4 : vector<320000xf32> to vector<2500x128xf32>
    %get3A_6 = arith.constant 0 : index
    %get3A_7 = vector.load %arg1[%get3A_6] : memref<320000xf32, #tpu.memory_space<vmem>>, vector<320000xf32>
    %reshape3A_8 = vector.shape_cast %get3A_7 : vector<320000xf32> to vector<2500x128xf32>
    %get3A_9 = arith.constant 0 : index
    %get3A_10 = vector.load %arg3[%get3A_9] : memref<320000xf32, #tpu.memory_space<vmem>>, vector<320000xf32>
    %reshape3A_11 = vector.shape_cast %get3A_10 : vector<320000xf32> to vector<2500x128xf32>
    %add3A = arith.addf %reshape3A, %reshape3A_5 : vector<2500x128xf32>
    %add3A_12 = arith.addf %add3A, %reshape3A_8 : vector<2500x128xf32>
    %mul3A = arith.mulf %reshape3A_11, %add3A_12 : vector<2500x128xf32>
    %broadcast_in_dim3A = vector.shape_cast %get3A_0 : vector<128xf32> to vector<1x128xf32>
    %add3A_13 = vector.broadcast %broadcast_in_dim3A : vector<1x128xf32> to vector<2500x128xf32>
    %add3A_14 = arith.addf %mul3A, %add3A_13 : vector<2500x128xf32>
    %max3A = arith.constant 0.000000e+00 : f32
    %max3A_15 = vector.broadcast %max3A : f32 to vector<2500x128xf32>
    %max3A_16 = arith.maximumf %add3A_14, %max3A_15 : vector<2500x128xf32>
    %get3A_17 = arith.constant 0 : index
    %get3A_18 = arith.constant 0 : index
    %get3A_19 = vector.load %arg5[%get3A_17, %get3A_18] : memref<128x128xf32, #tpu.memory_space<vmem>>, vector<128x128xf32>
    %dot_general3A = arith.constant dense<0.000000e+00> : vector<2500x128xf32>
    %dot_general3A_20 = tpu.matmul %max3A_16, %get3A_19, %dot_general3A {dimension_numbers = #tpu.dot_dimension_numbers<[1], [0], [0], [1], [0, 0, 1, 1], [], []>, transpose_lhs_hint = false} : vector<2500x128xf32>, vector<128x128xf32>, vector<2500x128xf32> -> vector<2500x128xf32>
    %get3A_21 = arith.constant 0 : index
    %get3A_22 = vector.load %arg4[%get3A_21] : memref<320000xf32, #tpu.memory_space<vmem>>, vector<320000xf32>
    %reshape3A_23 = vector.shape_cast %dot_general3A_20 : vector<2500x128xf32> to vector<320000xf32>
    %mul3A_24 = arith.mulf %get3A_22, %reshape3A_23 : vector<320000xf32>
    %swap3A = arith.constant 0 : index
    %swap3A_25 = vector.load %arg6[%swap3A] : memref<320000xf32, #tpu.memory_space<vmem>>, vector<320000xf32>
    tpu.vector_store %arg6[%swap3A], %mul3A_24 {strides = array<i32>} : memref<320000xf32, #tpu.memory_space<vmem>>, vector<320000xf32>,
    return
  }
}

module attributes {stable_mosaic.version = 14 : i64} {
  func.func @_k_last(%arg0: memref<640000xf32, #tpu.memory_space<vmem>>, %arg1: memref<320000xf32, #tpu.memory_space<vmem>>, %arg2: memref<128xf32, #tpu.memory_space<vmem>>, %arg3: memref<320000xf32, #tpu.memory_space<vmem>>, %arg4: memref<128x128xf32, #tpu.memory_space<vmem>>, %arg5: memref<128x4xf32, #tpu.memory_space<vmem>>, %arg6: memref<4x128xf32, #tpu.memory_space<vmem>>, %arg7: memref<128x32xf32, #tpu.memory_space<vmem>>, %arg8: memref<32x128xf32, #tpu.memory_space<vmem>>, %arg9: memref<32x16xf32, #tpu.memory_space<vmem>>, %arg10: memref<16xf32, #tpu.memory_space<vmem>>, %arg11: memref<16x10xf32, #tpu.memory_space<vmem>>, %arg12: memref<10xf32, #tpu.memory_space<vmem>>, %arg13: memref<1x10xf32, #tpu.memory_space<vmem>>) attributes {dimension_semantics = [], scalar_prefetch = 0 : i64, scratch_operands = 0 : i64, tpu.core_type = #tpu.core_type<tc>} {
    %get3A = arith.constant 0 : index
    %get3A_0 = vector.load %arg2[%get3A] : memref<128xf32, #tpu.memory_space<vmem>>, vector<128xf32>
    %get3A_1 = arith.constant 0 : index
    %get3A_2 = vector.load %arg0[%get3A_1] : memref<640000xf32, #tpu.memory_space<vmem>>, vector<320000xf32>
    %reshape3A = vector.shape_cast %get3A_2 : vector<320000xf32> to vector<2500x128xf32>
    %get3A_3 = arith.constant 320000 : index
    %get3A_4 = vector.load %arg0[%get3A_3] : memref<640000xf32, #tpu.memory_space<vmem>>, vector<320000xf32>
    %reshape3A_5 = vector.shape_cast %get3A_4 : vector<320000xf32> to vector<2500x128xf32>
    %get3A_6 = arith.constant 0 : index
    %get3A_7 = vector.load %arg1[%get3A_6] : memref<320000xf32, #tpu.memory_space<vmem>>, vector<320000xf32>
    %reshape3A_8 = vector.shape_cast %get3A_7 : vector<320000xf32> to vector<2500x128xf32>
    %get3A_9 = arith.constant 0 : index
    %get3A_10 = vector.load %arg3[%get3A_9] : memref<320000xf32, #tpu.memory_space<vmem>>, vector<320000xf32>
    %reshape3A_11 = vector.shape_cast %get3A_10 : vector<320000xf32> to vector<2500x128xf32>
    %add3A = arith.addf %reshape3A, %reshape3A_5 : vector<2500x128xf32>
    %add3A_12 = arith.addf %add3A, %reshape3A_8 : vector<2500x128xf32>
    %mul3A = arith.mulf %reshape3A_11, %add3A_12 : vector<2500x128xf32>
    %broadcast_in_dim3A = vector.shape_cast %get3A_0 : vector<128xf32> to vector<1x128xf32>
    %add3A_13 = vector.broadcast %broadcast_in_dim3A : vector<1x128xf32> to vector<2500x128xf32>
    %add3A_14 = arith.addf %mul3A, %add3A_13 : vector<2500x128xf32>
    %max3A = arith.constant 0.000000e+00 : f32
    %max3A_15 = vector.broadcast %max3A : f32 to vector<2500x128xf32>
    %max3A_16 = arith.maximumf %add3A_14, %max3A_15 : vector<2500x128xf32>
    %get3A_17 = arith.constant 0 : index
    %get3A_18 = arith.constant 0 : index
    %get3A_19 = vector.load %arg4[%get3A_17, %get3A_18] : memref<128x128xf32, #tpu.memory_space<vmem>>, vector<128x128xf32>
    %dot_general3A = arith.constant dense<0.000000e+00> : vector<2500x128xf32>
    %dot_general3A_20 = tpu.matmul %max3A_16, %get3A_19, %dot_general3A {dimension_numbers = #tpu.dot_dimension_numbers<[1], [0], [0], [1], [0, 0, 1, 1], [], []>, transpose_lhs_hint = false} : vector<2500x128xf32>, vector<128x128xf32>, vector<2500x128xf32> -> vector<2500x128xf32>
    %reduce_sum3A = arith.constant dense<0.000000e+00> : vector<128xf32>
    %reduce_sum3A_21 = vector.multi_reduction <add>, %dot_general3A_20, %reduce_sum3A [0] : vector<2500x128xf32> to vector<128xf32>
    %broadcast_in_dim3A_22 = vector.shape_cast %reduce_sum3A_21 : vector<128xf32> to vector<1x128xf32>
    %get3A_23 = arith.constant 0 : index
    %get3A_24 = arith.constant 0 : index
    %get3A_25 = vector.load %arg7[%get3A_23, %get3A_24] : memref<128x32xf32, #tpu.memory_space<vmem>>, vector<128x32xf32>
    %dot_general3A_26 = arith.constant dense<0.000000e+00> : vector<1x32xf32>
    %dot_general3A_27 = tpu.matmul %broadcast_in_dim3A_22, %get3A_25, %dot_general3A_26 {dimension_numbers = #tpu.dot_dimension_numbers<[1], [0], [0], [1], [0, 0, 1, 1], [], []>, transpose_lhs_hint = false} : vector<1x128xf32>, vector<128x32xf32>, vector<1x32xf32> -> vector<1x32xf32>
    %mul3A_28 = arith.constant 9.99999974E-5 : f32
    %mul3A_29 = vector.broadcast %mul3A_28 : f32 to vector<1x32xf32>
    %mul3A_30 = arith.mulf %dot_general3A_27, %mul3A_29 : vector<1x32xf32>
    %tanh3A = math.tanh %mul3A_30 : vector<1x32xf32>
    %get3A_31 = arith.constant 0 : index
    %get3A_32 = arith.constant 0 : index
    %get3A_33 = vector.load %arg8[%get3A_31, %get3A_32] : memref<32x128xf32, #tpu.memory_space<vmem>>, vector<32x128xf32>
    %dot_general3A_34 = arith.constant dense<0.000000e+00> : vector<1x128xf32>
    %dot_general3A_35 = tpu.matmul %tanh3A, %get3A_33, %dot_general3A_34 {dimension_numbers = #tpu.dot_dimension_numbers<[1], [0], [0], [1], [0, 0, 1, 1], [], []>, transpose_lhs_hint = false} : vector<1x32xf32>, vector<32x128xf32>, vector<1x128xf32> -> vector<1x128xf32>
    %mul3A_36 = vector.broadcast %dot_general3A_35 : vector<1x128xf32> to vector<2500x128xf32>
    %mul3A_37 = arith.mulf %max3A_16, %mul3A_36 : vector<2500x128xf32>
    %get3A_38 = arith.constant 0 : index
    %get3A_39 = arith.constant 0 : index
    %get3A_40 = vector.load %arg5[%get3A_38, %get3A_39] : memref<128x4xf32, #tpu.memory_space<vmem>>, vector<128x4xf32>
    %dot_general3A_41 = arith.constant dense<0.000000e+00> : vector<2500x4xf32>
    %dot_general3A_42 = tpu.matmul %mul3A_37, %get3A_40, %dot_general3A_41 {dimension_numbers = #tpu.dot_dimension_numbers<[1], [0], [0], [1], [0, 0, 1, 1], [], []>, transpose_lhs_hint = false} : vector<2500x128xf32>, vector<128x4xf32>, vector<2500x4xf32> -> vector<2500x4xf32>
    %logistic3A = arith.negf %dot_general3A_42 : vector<2500x4xf32>
    %logistic3A_43 = math.exp %logistic3A : vector<2500x4xf32>
    %logistic3A_44 = arith.constant 1.000000e+00 : f32
    %logistic3A_45 = vector.broadcast %logistic3A_44 : f32 to vector<2500x4xf32>
    %logistic3A_46 = arith.addf %logistic3A_45, %logistic3A_43 : vector<2500x4xf32>
    %logistic3A_47 = arith.divf %logistic3A_45, %logistic3A_46 : vector<2500x4xf32>
    %get3A_48 = arith.constant 0 : index
    %get3A_49 = arith.constant 0 : index
    %get3A_50 = vector.load %arg6[%get3A_48, %get3A_49] : memref<4x128xf32, #tpu.memory_space<vmem>>, vector<4x128xf32>
    %dot_general3A_51 = arith.constant dense<0.000000e+00> : vector<2500x128xf32>
    %dot_general3A_52 = tpu.matmul %logistic3A_47, %get3A_50, %dot_general3A_51 {dimension_numbers = #tpu.dot_dimension_numbers<[1], [0], [0], [1], [0, 0, 1, 1], [], []>, transpose_lhs_hint = false} : vector<2500x4xf32>, vector<4x128xf32>, vector<2500x128xf32> -> vector<2500x128xf32>
    %mul3A_53 = arith.mulf %max3A_16, %dot_general3A_52 : vector<2500x128xf32>
    %reduce_sum3A_54 = arith.constant dense<0.000000e+00> : vector<128xf32>
    %reduce_sum3A_55 = vector.multi_reduction <add>, %mul3A_53, %reduce_sum3A_54 [0] : vector<2500x128xf32> to vector<128xf32>
    %broadcast_in_dim3A_56 = vector.shape_cast %reduce_sum3A_55 : vector<128xf32> to vector<1x128xf32>
    %get3A_57 = arith.constant 0 : index
    %get3A_58 = arith.constant 0 : index
    %get3A_59 = vector.load %arg7[%get3A_57, %get3A_58] : memref<128x32xf32, #tpu.memory_space<vmem>>, vector<128x32xf32>
    %dot_general3A_60 = arith.constant dense<0.000000e+00> : vector<1x32xf32>
    %dot_general3A_61 = tpu.matmul %broadcast_in_dim3A_56, %get3A_59, %dot_general3A_60 {dimension_numbers = #tpu.dot_dimension_numbers<[1], [0], [0], [1], [0, 0, 1, 1], [], []>, transpose_lhs_hint = false} : vector<1x128xf32>, vector<128x32xf32>, vector<1x32xf32> -> vector<1x32xf32>
    %get3A_62 = arith.constant 0 : index
    %get3A_63 = arith.constant 0 : index
    %get3A_64 = vector.load %arg9[%get3A_62, %get3A_63] : memref<32x16xf32, #tpu.memory_space<vmem>>, vector<32x16xf32>
    %dot_general3A_65 = arith.constant dense<0.000000e+00> : vector<1x16xf32>
    %dot_general3A_66 = tpu.matmul %dot_general3A_61, %get3A_64, %dot_general3A_65 {dimension_numbers = #tpu.dot_dimension_numbers<[1], [0], [0], [1], [0, 0, 1, 1], [], []>, transpose_lhs_hint = false} : vector<1x32xf32>, vector<32x16xf32>, vector<1x16xf32> -> vector<1x16xf32>
    %get3A_67 = arith.constant 0 : index
    %get3A_68 = vector.load %arg10[%get3A_67] : memref<16xf32, #tpu.memory_space<vmem>>, vector<16xf32>
    %broadcast_in_dim3A_69 = vector.shape_cast %get3A_68 : vector<16xf32> to vector<1x16xf32>
    %add3A_70 = arith.addf %dot_general3A_66, %broadcast_in_dim3A_69 : vector<1x16xf32>
    %max3A_71 = arith.constant 0.000000e+00 : f32
    %max3A_72 = vector.broadcast %max3A_71 : f32 to vector<1x16xf32>
    %max3A_73 = arith.maximumf %add3A_70, %max3A_72 : vector<1x16xf32>
    %get3A_74 = arith.constant 0 : index
    %get3A_75 = arith.constant 0 : index
    %get3A_76 = vector.load %arg11[%get3A_74, %get3A_75] : memref<16x10xf32, #tpu.memory_space<vmem>>, vector<16x10xf32>
    %dot_general3A_77 = arith.constant dense<0.000000e+00> : vector<1x10xf32>
    %dot_general3A_78 = tpu.matmul %max3A_73, %get3A_76, %dot_general3A_77 {dimension_numbers = #tpu.dot_dimension_numbers<[1], [0], [0], [1], [0, 0, 1, 1], [], []>, transpose_lhs_hint = false} : vector<1x16xf32>, vector<16x10xf32>, vector<1x10xf32> -> vector<1x10xf32>
    %get3A_79 = arith.constant 0 : index
    %get3A_80 = vector.load %arg12[%get3A_79] : memref<10xf32, #tpu.memory_space<vmem>>, vector<10xf32>
    %broadcast_in_dim3A_81 = vector.shape_cast %get3A_80 : vector<10xf32> to vector<1x10xf32>
    %add3A_82 = arith.addf %dot_general3A_78, %broadcast_in_dim3A_81 : vector<1x10xf32>
    %reduce_max3A = arith.constant dense<0xFF800000> : vector<1xf32>
    %reduce_max3A_83 = vector.multi_reduction <maximumf>, %add3A_82, %reduce_max3A [1] : vector<1x10xf32> to vector<1xf32>
    %broadcast_in_dim3A_84 = vector.shape_cast %reduce_max3A_83 : vector<1xf32> to vector<1x1xf32>
    %sub3A = vector.broadcast %broadcast_in_dim3A_84 : vector<1x1xf32> to vector<1x10xf32>
    %sub3A_85 = arith.subf %add3A_82, %sub3A : vector<1x10xf32>
    %sub3A_86 = vector.broadcast %broadcast_in_dim3A_84 : vector<1x1xf32> to vector<1x10xf32>
    %sub3A_87 = arith.subf %add3A_82, %sub3A_86 : vector<1x10xf32>
    %exp3A = math.exp %sub3A_87 : vector<1x10xf32>
    %reduce_sum3A_88 = arith.constant dense<0.000000e+00> : vector<1xf32>
    %reduce_sum3A_89 = vector.multi_reduction <add>, %exp3A, %reduce_sum3A_88 [1] : vector<1x10xf32> to vector<1xf32>
    %broadcast_in_dim3A_90 = vector.shape_cast %reduce_sum3A_89 : vector<1xf32> to vector<1x1xf32>
    %log3A = math.log %broadcast_in_dim3A_90 : vector<1x1xf32>
    %sub3A_91 = vector.broadcast %log3A : vector<1x1xf32> to vector<1x10xf32>
    %sub3A_92 = arith.subf %sub3A_85, %sub3A_91 : vector<1x10xf32>
    %swap3A = arith.constant 0 : index
    %swap3A_93 = arith.constant 0 : index
    %swap3A_94 = vector.load %arg13[%swap3A, %swap3A_93] : memref<1x10xf32, #tpu.memory_space<vmem>>, vector<1x10xf32>
    tpu.vector_store %arg13[%swap3A, %swap3A_93], %sub3A_92 {strides = array<i32>} : memref<1x10xf32, #tpu.memory_space<vmem>>, vector<1x10xf32>,
    return
  }
}

</mosaic_0001>

<sc_bundles>
// kernel: kernel.13.cloned.1.call-start
scs
__scs_entry_jumppad:
0x0: {  	(pc) =	sbr.rel $0x88, $3  }
0x1: {  	(tag) =	ssettag $0x0;
	lr =	simm.s32 $0x1  }
0x2: {  	[smem:$0x3F92] =	sst lr;
	_ =	strace $0xD0000000  }
0x3: {  	_ = 	snop  }
0x4: {  	_ = 	snop  }
0x5: {  	_ = 	snop  }
0x6: {  	_ = 	snop  }
0x7: {  	_ = 	snop  }
__scs_overlays_trampoline_lowered:
0x8: {  	[smem:$0x3FA1] =	sst s0  }
0x9: {  	[smem:$0x3FA2] =	sst s1  }
0xa: {  	[smem:$0x3FA3] =	sst s2  }
0xb: {  	[smem:$0x3FA4] =	sst s3  }
0xc: {  	[smem:$0x3FA5] =	sst s4  }
0xd: {  	[smem:$0x3FA6] =	sst s5  }
0xe: {  	[smem:$0x3FA7] =	sst s6  }
0xf: {  	[smem:$0x3FA8] =	sst s7  }
0x10: {  	[smem:$0x3FA9] =	sst s8  }
0x11: {  	[smem:$0x3FAA] =	sst s9;
	s0 =	simm.s32 @!p0 $0x0  }
0x12: {  	s1 =	sld [smem:$0x3F90];
	s0 =	simm.s32 @p0 $0x1  }
0x13: {  	[smem:$0x3FAB] =	sst s0;
	s0 =	simm.s32 @!p1 $0x0  }
0x14: {  	s2 =	sld [smem:$0x3F8F];
	s0 =	simm.s32 @p1 $0x1  }
0x15: {  	[smem:$0x3FAC] =	sst s0;
	s0 =	simm.s32 @!p2 $0x0  }
0x16: {  	s3 =	sld [smem:$0x3FDB];
	s0 =	simm.s32 @p2 $0x1  }
0x17: {  	s4 =	simm.s32 $0x1BF5;
	[smem:$0x3FAE] =	sst s0  }
0x18: {  	s0 =	sld [smem:$0x3F91];
	_ =	swait.ge [sflag:s4], $0x0  }
0x19: {  	s7 =	sld [smem:$0x3F92]  }
0x1a: {  	s8 =	sadd.s32 $0xFFFFE003, lr  }
0x1b: {  	s9 =	sadd.s32 $0xFFFFFEF7, lr;
	s5 =	simm.s32 $0xFFFFFFFF;
	p2 =	slt.u32 s8, $0xFFFFF086  }
0x1c: {  	p1 =	slt.u32 s9, $0xF7A;
	s5 =	simm.s32 @!p2 $0x0  }
0x1d: {  	s5 =	simm.s32 @p1 $0x1;
	p0 =	seq.s32 s7, s2  }
0x1e: {  	s7 =	smul.u32 @!p0 $0xF7A, s2;
	p2 =	seq.s32 @!p0 s5, $0x0  }
0x1f: {  	s9 =	smul.u32 $0xF7A, s1;
	s8 =	simm.s32 @!p0 $0x1BF5;
	p2 =	por !p2, p0  }
0x20: {  	[sflag:s8] =	ssyncset.s32 @!p0 $0xFFFFF086;
	s6 =	sadd.s32 @!p0 s3, s7;
	s7 =	simm.s32 @!p0 $0x108  }
0x21: {  	s3 =	sadd.s32 s3, s9;
	s6 =	sadd.s32 @!p0 $0x88, s6;
	s7 =	simm.s32 @p2 $0x1082  }
0x22: {  	[simem:s7], [sflag:s8] =	dma.local @!p0 [hbm:s6], $0xF7A  }
0x23: {  	s9 =	sor.u32 $0xD0000000, s2;
	s6 =	simm.s32 $0x108;
	_ =	swait.ge @!p0 [sflag:s8], $0x0  }
0x24: {  	s3 =	sadd.s32 $0x88, s3;
	s6 =	simm.s32 @!p1 $0x1082;
	[sflag:s4] =	ssyncset.s32 $0xFFFFF086  }
0x25: {  	[simem:s6], [sflag:s4] =	dma.local [hbm:s3], $0xF7A  }
0x26: {  	[smem:$0x3F92] =	sst s1;
	(tag) =	ssettag s2;
	_ =	strace s9  }
0x27: {  	s1 =	sld [smem:$0x3FA2]  }
0x28: {  	s2 =	sld [smem:$0x3FA3]  }
0x29: {  	s4 =	sld [smem:$0x3FA5]  }
0x2a: {  	p0 =	seq.s32 s5, $0x0;
	s5 =	sld [smem:$0x3FA6]  }
0x2b: {  	s6 =	sld [smem:$0x3FA7]  }
0x2c: {  	s7 =	sld [smem:$0x3FA8]  }
0x2d: {  	s3 =	simm.s32 $0x108;
	s8 =	sld [smem:$0x3FA9]  }
0x2e: {  	s3 =	simm.s32 @!p0 $0x1082;
	s9 =	sld [smem:$0x3FAA]  }
0x2f: {  	lr =	sadd.s32 s0, s3;
	s0 =	sld [smem:$0x3FA1]  }
0x30: {  	s3 =	sld [smem:$0x3FA4]  }
0x31: {  	[smem:$0x3FAD] =	sst s10  }
0x32: {  	s10 =	sld [smem:$0x3FAB];
	_ =	sdelay $0x3  }
0x33: {  	p0 =	seq.s32 s10, $0x1;
	s10 =	sld [smem:$0x3FAD];
	_ =	sdelay $0x3  }
0x34: {  	[smem:$0x3FAD] =	sst s10  }
0x35: {  	s10 =	sld [smem:$0x3FAC];
	_ =	sdelay $0x3  }
0x36: {  	p1 =	seq.s32 s10, $0x1;
	s10 =	sld [smem:$0x3FAD];
	_ =	sdelay $0x3  }
0x37: {  	[smem:$0x3FAD] =	sst s10  }
0x38: {  	s10 =	sld [smem:$0x3FAE]  }
0x39: {  	_ = 	snop;
	(pc) =	sbr.ind lr, $3  }
0x3a: {  	_ = 	snop  }
0x3b: {  	_ = 	snop  }
0x3c: {  	p2 =	seq.s32 s10, $0x1;
	s10 =	sld [smem:$0x3FAD]  }
0x3d: {  	_ =	shalt  }
0x3e: {  	_ =	shalt  }
0x3f: {  	_ =	shalt  }
0x40: {  	_ =	shalt  }
0x41: {  	_ =	shalt  }
0x42: {  	_ =	shalt  }
0x43: {  	_ =	shalt  }
0x44: {  	_ =	shalt  }
0x45: {  	_ =	shalt  }
0x46: {  	_ =	shalt  }
0x47: {  	_ =	shalt  }
0x48: {  	_ =	shalt  }
0x49: {  	_ =	shalt  }
0x4a: {  	_ =	shalt  }
0x4b: {  	_ =	shalt  }
0x4c: {  	_ =	shalt  }
0x4d: {  	_ =	shalt  }
0x4e: {  	_ =	shalt  }
0x4f: {  	_ =	shalt  }
0x50: {  	_ =	shalt  }
0x51: {  	_ =	shalt  }
0x52: {  	_ =	shalt  }
0x53: {  	_ =	shalt  }
0x54: {  	_ =	shalt  }
0x55: {  	_ =	shalt  }
0x56: {  	_ =	shalt  }
0x57: {  	_ =	shalt  }
0x58: {  	_ =	shalt  }
0x59: {  	_ =	shalt  }
0x5a: {  	_ =	shalt  }
0x5b: {  	_ =	shalt  }
0x5c: {  	_ =	shalt  }
0x5d: {  	_ =	shalt  }
0x5e: {  	_ =	shalt  }
0x5f: {  	_ =	shalt  }
0x60: {  	_ =	shalt  }
0x61: {  	_ =	shalt  }
0x62: {  	_ =	shalt  }
0x63: {  	_ =	shalt  }
0x64: {  	_ =	shalt  }
0x65: {  	_ =	shalt  }
0x66: {  	_ =	shalt  }
0x67: {  	_ =	shalt  }
0x68: {  	_ =	shalt  }
0x69: {  	_ =	shalt  }
0x6a: {  	_ =	shalt  }
0x6b: {  	_ =	shalt  }
0x6c: {  	_ =	shalt  }
0x6d: {  	_ =	shalt  }
0x6e: {  	_ =	shalt  }
0x6f: {  	_ =	shalt  }
0x70: {  	_ =	shalt  }
0x71: {  	_ =	shalt  }
0x72: {  	_ =	shalt  }
0x73: {  	_ =	shalt  }
0x74: {  	_ =	shalt  }
0x75: {  	_ =	shalt  }
0x76: {  	_ =	shalt  }
0x77: {  	_ =	shalt  }
0x78: {  	_ =	shalt  }
0x79: {  	_ =	shalt  }
0x7a: {  	_ =	shalt  }
0x7b: {  	_ =	shalt  }
0x7c: {  	_ =	shalt  }
0x7d: {  	_ =	shalt  }
0x7e: {  	_ =	shalt  }
0x7f: {  	_ =	shalt  }
0x80: {  	_ =	shalt  }
0x81: {  	_ =	shalt  }
0x82: {  	_ =	shalt  }
0x83: {  	_ =	shalt  }
0x84: {  	_ =	shalt  }
0x85: {  	_ =	shalt  }
0x86: {  	_ =	shalt  }
0x87: {  	_ =	shalt  }
.Lfunc_end0:
.L_simem_size_0:
called_computation_lowered:
.L_overlay_start_0:
0x88: {  	s2 =	sld [smem:$0x3FD9]  }
0x89: {  	s3 =	sld [smem:$0x3FFE];
	_ =	sdelay $0x1  }
0x8a: {  	s1 =	srdreg.scid  }
0x8b: {  	s0 =	sand.u32 $0x1, s1  }
0x8c: {  	s16 =	sshll.u32 s0, $0xA;
	s2 =	sadd.s32 s3, s2  }
0x8d: {  	s2 =	sadd.s32 s2, s16  }
0x8e: {  	[smem:$0x3FB9] =	sst s2  }
0x8f: {  	_ = 	snop  }
0x90: {  	(tm) =	ssettm $0x1  }
0x91: {  	s17 =	sld [smem:$0x3FFB];
	_ =	sdelay $0x3  }
0x92: {  	_ =	strace s17  }
0x93: {  	s2 =	sld [smem:$0x3FFC];
	_ =	sdelay $0x3  }
0x94: {  	_ =	strace s2  }
0x95: {  	s2 =	sld [smem:$0x3FFD];
	_ =	sdelay $0x3  }
0x96: {  	_ =	strace s2  }
0x97: {  	_ =	strace $0x8FFFFFFF  }
0x98: {  	s18 =	sld [smem:$0x3FDB];
	_ =	sdelay $0x1  }
0x99: {  	s19 =	simm.s32 $_scs_section_size  }
0x9a: {  	s4 =	simm.s32 $_size__tile_overlayer_lowered;
	s5 =	simm.s32 $_tile_overlayer_lowered  }
0x9b: {  	s22 =	simm.s32 $0x1BFF;
	s21 =	sshll.u32 s5, $0x1;
	s2 =	sadd.s32 s19, s18  }
0x9c: {  	s6 =	simm.s32 $0x0;
	s20 =	sshll.u32 s4, $0x1;
	s4 =	sadd.s32 s21, s2  }
0x9d: {  	[timem:s6], [sflag:s22] =	dma.local [hbm:s4], s20  }
0x9e: {  	_ =	swait.ge [sflag:s22], s20  }
0x9f: {  	s3 =	ssub.s32 $0x0, s20;
	[sflag:s22] =	ssyncset.done $0x0  }
0xa0: {  	[sflag:s22] =	ssyncadd.s32 s3;
	_ =	sdelay $0x1  }
0xa1: {  	s23 =	simm.s32 $0x1B8B  }
0xa2: {  	_ =	swait.ge [sflag:s23], $0x1  }
0xa3: {  	[sflag:s23] =	ssyncset.done $0x0  }
0xa4: {  	s25 =	simm.s32 $0x1B8E;
	s24 =	sld [smem:$0x3FFE];
	[sflag:s23] =	ssyncadd.s32 $0xFFFFFFFF  }
0xa5: {  	s26 =	simm.s32 $execute0_lowered;
	[smem:$0x3FD2] =	sst s25  }
0xa6: {  	s4 =	sshll.u32 s26, $0x1;
	_ =	strace $0x80000046;
	[dreg:$0x1] =	wrdreg $0xFFFFFFFF  }
0xa7: {  	s28 =	simm.s32 $_size_execute0_lowered;
	s2 =	sadd.s32 s2, s4;
	[dreg:$0x0] =	wrdreg $0x0  }
0xa8: {  	s4 =	sshll.u32 s28, $0x1;
	[dreg:$0x2] =	wrdreg s2  }
0xa9: {  	[dreg:$0x3] =	wrdreg s4  }
0xaa: {  	[dreg:$0x4] =	wrdreg $0xC0  }
0xab: {  	_ =	task [dreg:s6], $0x5FFFF  }
0xac: {  	[dreg:$0x1] =	wrdreg $0xFFFFFFFF  }
0xad: {  	[dreg:$0x0] =	wrdreg $0x60  }
0xae: {  	[dreg:$0x2] =	wrdreg s24  }
0xaf: {  	[dreg:$0x3] =	wrdreg $0x2C100  }
0xb0: {  	[dreg:$0x4] =	wrdreg $0x9  }
0xb1: {  	_ =	task.clear_ibuf [dreg:s6], $0x5FFFF;
	_ =	strace $0x90000046  }
0xb2: {  	s29 =	simm.s32 $0x9;
	_ =	strace $0x80000048  }
0xb3: {  	_ =	swait.ge [sflag:s29], $0x1  }
0xb4: {  	[sflag:s29] =	ssyncadd.s32 $0xFFFFFFFF  }
0xb5: {  	_ =	strace $0x90000048  }
0xb6: {  	_ =	sfence  }
0xb7: {  	s30 =	sld [smem:$0x0];
	_ =	sdelay $0x2  }
0xb8: {  	s31 =	sshll.u32 s1, $0xD;
	s1 =	sshrl.u32 s1, $0x2  }
0xb9: {  	s3 =	sand.u32 $0x4000, s31;
	s1 =	sadd.s32 s1, s30  }
0xba: {  	s0 =	sor.u32 s3, s0;
	s1 =	sshll.u32 s1, $0x11  }
0xbb: {  	s0 =	sor.u32 s1, s0  }
0xbc: {  	s0 =	sadd.s32 $0x8F2B, s0  }
0xbd: {  	[sflag:s0] =	ssyncadd.remote.s32 $0x1  }
0xbe: {  	_ =	sfence.sel $0xFFFF  }
0xbf: {  	[dreg:$0x0] =	wrdreg $0xFFFFFFFF;
	(pc) =	sbr.abs _section_cstart, $3  }
0xc0: {  	[dreg:$0x1] =	wrdreg $0xFFFFFFFF  }
0xc1: {  	_ =	task.clear_ibuf [dreg:s6], $0x2FFFF;
	_ =	strace $0x9FFFFFFF  }
0xc2: {  	(tm) =	ssettm $0x7FFFFFFF  }
0xc3: {  	_ =	shalt  }
tec
execute0_lowered:
.L_overlay_start_1:
0x0: {  	(tag) =	ssettag $0x1  }
0x1: {  	s1 =	srdreg.scid;
	s7 =	rddreg [dreg:$0x0]  }
0x2: {  	s0 =	stileid.u32;
	s2 =	rddreg [dreg:$0x1];
	s3 =	simm.s32 $0x0  }
0x3: {  	s16 =	simm.s32 $0x50;
	s17 =	simm.s32 $0x1;
	s18 =	simm.s32 $0x0  }
0x4: {  	s5 =	sand.u32 $0x1, s1;
	s29 =	sshll.u32 s0, $0x1;
	s1 =	rddreg [dreg:$0x2]  }
0x5: {  	[smem:$0x7FF] =	sst s3;
	s8 =	smul.u32 $0x2700, s0;
	s13 =	sadd.s32 $0x1DA00, s7  }
0x6: {  	s15 =	sadd.s32 $0x27000, s2;
	p0 =	sne.s32 s0, $0xF;
	s31 =	sshll.u32 s0, $0x6  }
0x7: {  	s4 =	sor.u32 s5, s29;
	_ =	strace $0x80000047;
	s12 =	smul.u32 $0x27100, s5  }
0x8: {  	s10 =	ssub.s32 $0x2, s5;
	s15 =	sshrl.u32 @!p0 s15, $0x3;
	s4 =	smul.u32 $0x4E2, s4  }
0x9: {  	s9 =	sshrl.u32 s8, $0x3;
	s11 =	sshrl.u32 s10, $0x1;
	s14 =	sadd.s32 s8, s2  }
0xa: {  	s9 =	sadd.s32 s9, s7;
	s10 =	ssub.s32 s10, s11;
	s8 =	sadd.s32 s8, s12  }
0xb: {  	s30 =	sshrl.u32 s12, $0x3;
	s11 =	simm.s32 $0x2;
	s12 =	simm.s32 $0x2710  }
0xc: {  	s14 =	sshrl.u32 s14, $0x3;
	s6 =	sadd.s32 s4, s7;
	s4 =	sadd.s32 $0x1D800, s7  }
0xd: {  	s8 =	sshrl.u32 s8, $0x3;
	s7 =	sadd.s32 $0x1D600, s7;
	s10 =	smax.u32 s10, $0x1  }
0xe: {  	s5 =	sadd.s32 $0x4C00, s6;
	s6 =	sadd.s32 $0x18800, s9;
	s9 =	sadd.s32 s13, s30  }
0xf: {  	s8 =	sadd.s32 s13, s8;
	s13 =	sor.u32 $0x1C02, s31;
	s9 =	sadd.s32 $0x4E00, s9  }
.LBB2_1:
0x10: {  	[tilespmem:s3], [sflag:$0x2] =	stream.linear.gather [hbm4b:s5+s3], $0x2710, $0x38;
	[tilespmem:$0x5320] =	vst v63  }
0x11: {  	_ =	swait.ge [sflag:s11], $0x2710  }
0x12: {  	[sflag:s11] =	ssyncset.done $0x0  }
0x13: {  	[sflag:s11] =	ssyncadd.s32 $0xFFFFD8F0  }
0x14: {  	[tilespmem:s12], [sflag:$0x2] =	stream.linear.gather [hbm4b:s4+s3], $0x500, $0x38;
	[tilespmem:$0x5320] =	vst v63  }
0x15: {  	_ =	swait.ge [sflag:s11], $0x500  }
0x16: {  	[sflag:s11] =	ssyncset.done $0x0  }
0x17: {  	[sflag:s11] =	ssyncadd.s32 $0xFFFFFB00  }
0x18: {  	[spmem:s14], [sflag:s13] =	dma.local [hbm:s6], $0x4E0  }
0x19: {  	_ =	swait.ge [sflag:s11], $0x4E0  }
0x1a: {  	[sflag:s11] =	ssyncset.done $0x0  }
0x1b: {  	s19 =	simm.s32 @!p0 $0x2;
	[sflag:s11] =	ssyncadd.s32 $0xFFFFFB20  }
0x1c: {  	[spmem:s15], [sflag:s13] =	dma.local @!p0 [hbm:s7], $0x20  }
0x1d: {  	_ =	swait.ge @!p0 [sflag:s19], $0x20  }
0x1e: {  	[sflag:s19] =	ssyncset.done @!p0 $0x0  }
0x1f: {  	p1 =	por $0x1, $0x1;
	[sflag:s19] =	ssyncadd.s32 @!p0 $0xFFFFFFE0  }
0x20: {  	s21 =	simm.s32 @!p1 $0x1;
	[bflag:$0x0] =	sbarrier.arrive $0xFFFF  }
0x21: {  	[spmem:s2] =	stream.indirect.scatter.add.f32 [tilespmem:s12], [sflag:$0x1], $0x10, s3, s16, $0xb8;
	[tilespmem:$0x5320] =	vst v63  }
0x22: {  	_ =	swait.ge @!p1 [sflag:s21], $0x500  }
0x23: {  	s20 =	simm.s32 $0x0;
	s19 =	simm.s32 $0x1;
	[sflag:s21] =	ssyncset.done @!p1 $0x0  }
.LBB2_2:
0x24: {  	[sflag:s21] =	ssyncadd.s32 @!p1 $0xFFFFFB00  }
0x25: {  	s20 =	sadd.s32 $0x50, s20;
	s21 =	smov.u32 s19;
	s19 =	sadd.s32 $0x1, s19  }
0x26: {  	p2 =	sne.s32 s19, $0x7D  }
0x27: {  	[spmem:s2] =	stream.indirect.scatter.add.f32 [tilespmem:s12], [sflag:$0x1], $0x10, s20, s16, $0xb8;
	[tilespmem:$0x5320] =	vst v63  }
.Ltmp0:
0x28: {  	_ = 	snop;
	(pc) =	sbr.rel @p2 .LBB2_2-.Ltmp0, $4  }
0x29: {  	p1 =	slt.u32 s21, $0x8  }
0x2a: {  	s21 =	simm.s32 @!p1 $0x1  }
0x2b: {  	_ =	swait.ge @!p1 [sflag:s21], $0x500  }
0x2c: {  	[sflag:s21] =	ssyncset.done @!p1 $0x0  }
0x2d: {  	[sflag:s21] =	ssyncadd.s32 @!p1 $0xFFFFFB00  }
0x2e: {  	_ =	swait.ge [sflag:s17], $0x500  }
0x2f: {  	[sflag:s17] =	ssyncset.done $0x0  }
0x30: {  	[sflag:s17] =	ssyncadd.s32 $0xFFFFFB00  }
0x31: {  	_ =	swait.ge [sflag:s17], $0x500  }
0x32: {  	[sflag:s17] =	ssyncset.done $0x0  }
0x33: {  	[sflag:s17] =	ssyncadd.s32 $0xFFFFFB00  }
0x34: {  	_ =	swait.ge [sflag:s17], $0x500  }
0x35: {  	[sflag:s17] =	ssyncset.done $0x0  }
0x36: {  	[sflag:s17] =	ssyncadd.s32 $0xFFFFFB00  }
0x37: {  	_ =	swait.ge [sflag:s17], $0x500  }
0x38: {  	[sflag:s17] =	ssyncset.done $0x0  }
0x39: {  	[sflag:s17] =	ssyncadd.s32 $0xFFFFFB00  }
0x3a: {  	_ =	swait.ge [sflag:s17], $0x500  }
0x3b: {  	[sflag:s17] =	ssyncset.done $0x0  }
0x3c: {  	[sflag:s17] =	ssyncadd.s32 $0xFFFFFB00  }
0x3d: {  	_ =	swait.ge [sflag:s17], $0x500  }
0x3e: {  	[sflag:s17] =	ssyncset.done $0x0  }
0x3f: {  	[sflag:s17] =	ssyncadd.s32 $0xFFFFFB00  }
0x40: {  	_ =	swait.ge [sflag:s17], $0x500  }
0x41: {  	[sflag:s17] =	ssyncset.done $0x0  }
0x42: {  	[sflag:s17] =	ssyncadd.s32 $0xFFFFFB00  }
0x43: {  	_ =	swait.ge [sflag:s17], $0x500  }
0x44: {  	[sflag:s17] =	ssyncset.done $0x0  }
0x45: {  	[sflag:s17] =	ssyncadd.s32 $0xFFFFFB00  }
0x46: {  	[bflag:$0x0] =	sbarrier.arrive $0xFFFF  }
0x47: {  	[hbm:s8], [sflag:s13] =	dma.local [spmem:s14], $0x4E0  }
0x48: {  	s18 =	sadd.s32 $0x1, s18;
	_ =	swait.ge [sflag:s11], $0x4E0  }
0x49: {  	p1 =	sne.s32 s18, s10;
	[sflag:s11] =	ssyncset.done $0x0  }
.Ltmp1:
0x4a: {  	s19 =	simm.s32 @!p0 $0x2;
	[sflag:s11] =	ssyncadd.s32 $0xFFFFFB20;
	(pc) =	sbr.rel @p1 .LBB2_1-.Ltmp1, $4  }
0x4b: {  	[hbm:s9], [sflag:s13] =	dma.local @!p0 [spmem:s15], $0x20  }
0x4c: {  	_ =	swait.ge @!p0 [sflag:s19], $0x20  }
0x4d: {  	[sflag:s19] =	ssyncset.done @!p0 $0x0  }
0x4e: {  	[sflag:s19] =	ssyncadd.s32 @!p0 $0xFFFFFFE0  }
0x4f: {  	_ =	sfence.sel $0x180000  }
0x50: {  	[bflag:$0x0] =	sbarrier.arrive $0xFFFF  }
0x51: {  	p0 =	sne.s32 s0, $0x0;
	_ =	strace $0x90000047  }
0x52: {  	s0 =	sadd.s32 @!p0 $0x100000, s1;
	[bflag:$0x2] =	sbarrier.arrive $0xFFFF  }
0x53: {  	[sflag:s0] =	ssyncadd.tile.s32 @!p0 $0x1;
	_ =	shalt  }
.Lfunc_end2:
_tile_overlayer_lowered:
.L_overlay_start_2:
0x54: {  	(tag) =	ssettag $0x2  }
0x55: {  	s0 =	rddreg [dreg:$0x0];
	s2 =	stileid.u32  }
0x56: {  	s1 =	rddreg [dreg:$0x1];
	p0 =	sne.s32 s2, $0x0  }
0x57: {  	s3 =	rddreg [dreg:$0x2];
	[bflag:$0x3] =	sbarrier.arrive $0xFFFF;
	s2 =	simm.s32 @!p0 $0x1C02  }
0x58: {  	[timem:s3], [sflag:s2] =	dma.local @!p0 [hbm:s0], s1  }
0x59: {  	s0 =	simm.s32 @!p0 $0x2  }
0x5a: {  	_ =	swait.ge @!p0 [sflag:s0], s1  }
0x5b: {  	s1 =	ssub.s32 @!p0 $0x0, s1;
	[sflag:s0] =	ssyncset.done @!p0 $0x0  }
0x5c: {  	[sflag:s0] =	ssyncadd.s32 @!p0 s1  }
0x5d: {  	[bflag:$0x3] =	sbarrier.arrive $0xFFFF  }
0x5e: {  	_ =	shalt  }

// kernel: kernel.16.cloned.1.call-start
scs
__scs_entry_jumppad:
0x0: {  	(pc) =	sbr.rel $0x88, $3  }
0x1: {  	(tag) =	ssettag $0x0;
	lr =	simm.s32 $0x1  }
0x2: {  	[smem:$0x3F92] =	sst lr;
	_ =	strace $0xD0000000  }
0x3: {  	_ = 	snop  }
0x4: {  	_ = 	snop  }
0x5: {  	_ = 	snop  }
0x6: {  	_ = 	snop  }
0x7: {  	_ = 	snop  }
__scs_overlays_trampoline_lowered:
0x8: {  	[smem:$0x3FA1] =	sst s0  }
0x9: {  	[smem:$0x3FA2] =	sst s1  }
0xa: {  	[smem:$0x3FA3] =	sst s2  }
0xb: {  	[smem:$0x3FA4] =	sst s3  }
0xc: {  	[smem:$0x3FA5] =	sst s4  }
0xd: {  	[smem:$0x3FA6] =	sst s5  }
0xe: {  	[smem:$0x3FA7] =	sst s6  }
0xf: {  	[smem:$0x3FA8] =	sst s7  }
0x10: {  	[smem:$0x3FA9] =	sst s8  }
0x11: {  	[smem:$0x3FAA] =	sst s9;
	s0 =	simm.s32 @!p0 $0x0  }
0x12: {  	s1 =	sld [smem:$0x3F90];
	s0 =	simm.s32 @p0 $0x1  }
0x13: {  	[smem:$0x3FAB] =	sst s0;
	s0 =	simm.s32 @!p1 $0x0  }
0x14: {  	s2 =	sld [smem:$0x3F8F];
	s0 =	simm.s32 @p1 $0x1  }
0x15: {  	[smem:$0x3FAC] =	sst s0;
	s0 =	simm.s32 @!p2 $0x0  }
0x16: {  	s3 =	sld [smem:$0x3FDB];
	s0 =	simm.s32 @p2 $0x1  }
0x17: {  	s4 =	simm.s32 $0x1BF5;
	[smem:$0x3FAE] =	sst s0  }
0x18: {  	s0 =	sld [smem:$0x3F91];
	_ =	swait.ge [sflag:s4], $0x0  }
0x19: {  	s7 =	sld [smem:$0x3F92]  }
0x1a: {  	s8 =	sadd.s32 $0xFFFFE003, lr  }
0x1b: {  	s9 =	sadd.s32 $0xFFFFFEF7, lr;
	s5 =	simm.s32 $0xFFFFFFFF;
	p2 =	slt.u32 s8, $0xFFFFF086  }
0x1c: {  	p1 =	slt.u32 s9, $0xF7A;
	s5 =	simm.s32 @!p2 $0x0  }
0x1d: {  	s5 =	simm.s32 @p1 $0x1;
	p0 =	seq.s32 s7, s2  }
0x1e: {  	s7 =	smul.u32 @!p0 $0xF7A, s2;
	p2 =	seq.s32 @!p0 s5, $0x0  }
0x1f: {  	s9 =	smul.u32 $0xF7A, s1;
	s8 =	simm.s32 @!p0 $0x1BF5;
	p2 =	por !p2, p0  }
0x20: {  	[sflag:s8] =	ssyncset.s32 @!p0 $0xFFFFF086;
	s6 =	sadd.s32 @!p0 s3, s7;
	s7 =	simm.s32 @!p0 $0x108  }
0x21: {  	s3 =	sadd.s32 s3, s9;
	s6 =	sadd.s32 @!p0 $0x88, s6;
	s7 =	simm.s32 @p2 $0x1082  }
0x22: {  	[simem:s7], [sflag:s8] =	dma.local @!p0 [hbm:s6], $0xF7A  }
0x23: {  	s9 =	sor.u32 $0xD0000000, s2;
	s6 =	simm.s32 $0x108;
	_ =	swait.ge @!p0 [sflag:s8], $0x0  }
0x24: {  	s3 =	sadd.s32 $0x88, s3;
	s6 =	simm.s32 @!p1 $0x1082;
	[sflag:s4] =	ssyncset.s32 $0xFFFFF086  }
0x25: {  	[simem:s6], [sflag:s4] =	dma.local [hbm:s3], $0xF7A  }
0x26: {  	[smem:$0x3F92] =	sst s1;
	(tag) =	ssettag s2;
	_ =	strace s9  }
0x27: {  	s1 =	sld [smem:$0x3FA2]  }
0x28: {  	s2 =	sld [smem:$0x3FA3]  }
0x29: {  	s4 =	sld [smem:$0x3FA5]  }
0x2a: {  	p0 =	seq.s32 s5, $0x0;
	s5 =	sld [smem:$0x3FA6]  }
0x2b: {  	s6 =	sld [smem:$0x3FA7]  }
0x2c: {  	s7 =	sld [smem:$0x3FA8]  }
0x2d: {  	s3 =	simm.s32 $0x108;
	s8 =	sld [smem:$0x3FA9]  }
0x2e: {  	s3 =	simm.s32 @!p0 $0x1082;
	s9 =	sld [smem:$0x3FAA]  }
0x2f: {  	lr =	sadd.s32 s0, s3;
	s0 =	sld [smem:$0x3FA1]  }
0x30: {  	s3 =	sld [smem:$0x3FA4]  }
0x31: {  	[smem:$0x3FAD] =	sst s10  }
0x32: {  	s10 =	sld [smem:$0x3FAB];
	_ =	sdelay $0x3  }
0x33: {  	p0 =	seq.s32 s10, $0x1;
	s10 =	sld [smem:$0x3FAD];
	_ =	sdelay $0x3  }
0x34: {  	[smem:$0x3FAD] =	sst s10  }
0x35: {  	s10 =	sld [smem:$0x3FAC];
	_ =	sdelay $0x3  }
0x36: {  	p1 =	seq.s32 s10, $0x1;
	s10 =	sld [smem:$0x3FAD];
	_ =	sdelay $0x3  }
0x37: {  	[smem:$0x3FAD] =	sst s10  }
0x38: {  	s10 =	sld [smem:$0x3FAE]  }
0x39: {  	_ = 	snop;
	(pc) =	sbr.ind lr, $3  }
0x3a: {  	_ = 	snop  }
0x3b: {  	_ = 	snop  }
0x3c: {  	p2 =	seq.s32 s10, $0x1;
	s10 =	sld [smem:$0x3FAD]  }
0x3d: {  	_ =	shalt  }
0x3e: {  	_ =	shalt  }
0x3f: {  	_ =	shalt  }
0x40: {  	_ =	shalt  }
0x41: {  	_ =	shalt  }
0x42: {  	_ =	shalt  }
0x43: {  	_ =	shalt  }
0x44: {  	_ =	shalt  }
0x45: {  	_ =	shalt  }
0x46: {  	_ =	shalt  }
0x47: {  	_ =	shalt  }
0x48: {  	_ =	shalt  }
0x49: {  	_ =	shalt  }
0x4a: {  	_ =	shalt  }
0x4b: {  	_ =	shalt  }
0x4c: {  	_ =	shalt  }
0x4d: {  	_ =	shalt  }
0x4e: {  	_ =	shalt  }
0x4f: {  	_ =	shalt  }
0x50: {  	_ =	shalt  }
0x51: {  	_ =	shalt  }
0x52: {  	_ =	shalt  }
0x53: {  	_ =	shalt  }
0x54: {  	_ =	shalt  }
0x55: {  	_ =	shalt  }
0x56: {  	_ =	shalt  }
0x57: {  	_ =	shalt  }
0x58: {  	_ =	shalt  }
0x59: {  	_ =	shalt  }
0x5a: {  	_ =	shalt  }
0x5b: {  	_ =	shalt  }
0x5c: {  	_ =	shalt  }
0x5d: {  	_ =	shalt  }
0x5e: {  	_ =	shalt  }
0x5f: {  	_ =	shalt  }
0x60: {  	_ =	shalt  }
0x61: {  	_ =	shalt  }
0x62: {  	_ =	shalt  }
0x63: {  	_ =	shalt  }
0x64: {  	_ =	shalt  }
0x65: {  	_ =	shalt  }
0x66: {  	_ =	shalt  }
0x67: {  	_ =	shalt  }
0x68: {  	_ =	shalt  }
0x69: {  	_ =	shalt  }
0x6a: {  	_ =	shalt  }
0x6b: {  	_ =	shalt  }
0x6c: {  	_ =	shalt  }
0x6d: {  	_ =	shalt  }
0x6e: {  	_ =	shalt  }
0x6f: {  	_ =	shalt  }
0x70: {  	_ =	shalt  }
0x71: {  	_ =	shalt  }
0x72: {  	_ =	shalt  }
0x73: {  	_ =	shalt  }
0x74: {  	_ =	shalt  }
0x75: {  	_ =	shalt  }
0x76: {  	_ =	shalt  }
0x77: {  	_ =	shalt  }
0x78: {  	_ =	shalt  }
0x79: {  	_ =	shalt  }
0x7a: {  	_ =	shalt  }
0x7b: {  	_ =	shalt  }
0x7c: {  	_ =	shalt  }
0x7d: {  	_ =	shalt  }
0x7e: {  	_ =	shalt  }
0x7f: {  	_ =	shalt  }
0x80: {  	_ =	shalt  }
0x81: {  	_ =	shalt  }
0x82: {  	_ =	shalt  }
0x83: {  	_ =	shalt  }
0x84: {  	_ =	shalt  }
0x85: {  	_ =	shalt  }
0x86: {  	_ =	shalt  }
0x87: {  	_ =	shalt  }
.Lfunc_end0:
.L_simem_size_0:
called_computation.1_lowered:
.L_overlay_start_0:
0x88: {  	s2 =	sld [smem:$0x3FD9]  }
0x89: {  	s3 =	sld [smem:$0x3FFE];
	_ =	sdelay $0x1  }
0x8a: {  	s1 =	srdreg.scid  }
0x8b: {  	s0 =	sand.u32 $0x1, s1  }
0x8c: {  	s16 =	sshll.u32 s0, $0xA;
	s2 =	sadd.s32 s3, s2  }
0x8d: {  	s2 =	sadd.s32 s2, s16  }
0x8e: {  	[smem:$0x3FB9] =	sst s2  }
0x8f: {  	_ = 	snop  }
0x90: {  	(tm) =	ssettm $0x1  }
0x91: {  	s17 =	sld [smem:$0x3FFB];
	_ =	sdelay $0x3  }
0x92: {  	_ =	strace s17  }
0x93: {  	s2 =	sld [smem:$0x3FFC];
	_ =	sdelay $0x3  }
0x94: {  	_ =	strace s2  }
0x95: {  	s2 =	sld [smem:$0x3FFD];
	_ =	sdelay $0x3  }
0x96: {  	_ =	strace s2  }
0x97: {  	_ =	strace $0x8FFFFFFF  }
0x98: {  	s18 =	sld [smem:$0x3FDB];
	_ =	sdelay $0x1  }
0x99: {  	s19 =	simm.s32 $_scs_section_size  }
0x9a: {  	s4 =	simm.s32 $_size__tile_overlayer_lowered;
	s5 =	simm.s32 $_tile_overlayer_lowered  }
0x9b: {  	s22 =	simm.s32 $0x1BFF;
	s21 =	sshll.u32 s5, $0x1;
	s2 =	sadd.s32 s19, s18  }
0x9c: {  	s6 =	simm.s32 $0x0;
	s20 =	sshll.u32 s4, $0x1;
	s4 =	sadd.s32 s21, s2  }
0x9d: {  	[timem:s6], [sflag:s22] =	dma.local [hbm:s4], s20  }
0x9e: {  	_ =	swait.ge [sflag:s22], s20  }
0x9f: {  	s3 =	ssub.s32 $0x0, s20;
	[sflag:s22] =	ssyncset.done $0x0  }
0xa0: {  	[sflag:s22] =	ssyncadd.s32 s3;
	_ =	sdelay $0x1  }
0xa1: {  	s23 =	simm.s32 $0x1B8B  }
0xa2: {  	_ =	swait.ge [sflag:s23], $0x1  }
0xa3: {  	[sflag:s23] =	ssyncset.done $0x0  }
0xa4: {  	s25 =	simm.s32 $0x1B8E;
	s24 =	sld [smem:$0x3FFE];
	[sflag:s23] =	ssyncadd.s32 $0xFFFFFFFF  }
0xa5: {  	s26 =	simm.s32 $execute0_lowered;
	[smem:$0x3FD2] =	sst s25  }
0xa6: {  	s4 =	sshll.u32 s26, $0x1;
	_ =	strace $0x80000049;
	[dreg:$0x1] =	wrdreg $0xFFFFFFFF  }
0xa7: {  	s28 =	simm.s32 $_size_execute0_lowered;
	s2 =	sadd.s32 s2, s4;
	[dreg:$0x0] =	wrdreg $0x0  }
0xa8: {  	s4 =	sshll.u32 s28, $0x1;
	[dreg:$0x2] =	wrdreg s2  }
0xa9: {  	[dreg:$0x3] =	wrdreg s4  }
0xaa: {  	[dreg:$0x4] =	wrdreg $0xC0  }
0xab: {  	_ =	task [dreg:s6], $0x5FFFF  }
0xac: {  	[dreg:$0x1] =	wrdreg $0xFFFFFFFF  }
0xad: {  	[dreg:$0x0] =	wrdreg $0x60  }
0xae: {  	[dreg:$0x2] =	wrdreg s24  }
0xaf: {  	[dreg:$0x3] =	wrdreg $0x116200  }
0xb0: {  	[dreg:$0x4] =	wrdreg $0x9  }
0xb1: {  	_ =	task.clear_ibuf [dreg:s6], $0x5FFFF;
	_ =	strace $0x90000049  }
0xb2: {  	s29 =	simm.s32 $0x9;
	_ =	strace $0x8000004B  }
0xb3: {  	_ =	swait.ge [sflag:s29], $0x1  }
0xb4: {  	[sflag:s29] =	ssyncadd.s32 $0xFFFFFFFF  }
0xb5: {  	_ =	strace $0x9000004B  }
0xb6: {  	_ =	sfence  }
0xb7: {  	s30 =	sld [smem:$0x0];
	_ =	sdelay $0x2  }
0xb8: {  	s31 =	sshll.u32 s1, $0xD;
	s1 =	sshrl.u32 s1, $0x2  }
0xb9: {  	s3 =	sand.u32 $0x4000, s31;
	s1 =	sadd.s32 s1, s30  }
0xba: {  	s0 =	sor.u32 s3, s0;
	s1 =	sshll.u32 s1, $0x11  }
0xbb: {  	s0 =	sor.u32 s1, s0  }
0xbc: {  	s0 =	sadd.s32 $0x8F2B, s0  }
0xbd: {  	[sflag:s0] =	ssyncadd.remote.s32 $0x1  }
0xbe: {  	_ =	sfence.sel $0xFFFF  }
0xbf: {  	[dreg:$0x0] =	wrdreg $0xFFFFFFFF;
	(pc) =	sbr.abs _section_cstart, $3  }
0xc0: {  	[dreg:$0x1] =	wrdreg $0xFFFFFFFF  }
0xc1: {  	_ =	task.clear_ibuf [dreg:s6], $0x2FFFF;
	_ =	strace $0x9FFFFFFF  }
0xc2: {  	(tm) =	ssettm $0x7FFFFFFF  }
0xc3: {  	_ =	shalt  }
tec
execute0_lowered:
.L_overlay_start_1:
0x0: {  	(tag) =	ssettag $0x1  }
0x1: {  	s1 =	srdreg.scid  }
0x2: {  	s0 =	stileid.u32;
	s8 =	rddreg [dreg:$0x0];
	s12 =	simm.s32 $0x3  }
0x3: {  	s17 =	simm.s32 $0x50;
	s18 =	simm.s32 $0x4E20;
	s19 =	simm.s32 $0x6220  }
0x4: {  	s20 =	simm.s32 $0xA0;
	s21 =	simm.s32 $0x7620;
	s22 =	simm.s32 $0xF0  }
0x5: {  	s23 =	simm.s32 $0x8A20;
	s24 =	simm.s32 $0x140;
	s25 =	simm.s32 $0x9E20  }
0x6: {  	s26 =	simm.s32 $0x1;
	s28 =	simm.s32 $0x2;
	s29 =	simm.s32 $0x0  }
0x7: {  	s1 =	sand.u32 $0x1, s1;
	s2 =	sshll.u32 s0, $0x1;
	s9 =	smul.u32 $0x9C00, s0  }
0x8: {  	s10 =	sadd.s32 $0x3FC00, s8;
	p0 =	sne.s32 s0, $0xF;
	s31 =	sshll.u32 s0, $0x6  }
0x9: {  	s3 =	sor.u32 s1, s2;
	s30 =	ssub.s32 $0x2, s1;
	s1 =	smul.u32 $0x9C400, s1  }
0xa: {  	s2 =	rddreg [dreg:$0x1];
	s14 =	sor.u32 $0x1C03, s31;
	s4 =	smul.u32 $0x4E2, s3  }
0xb: {  	s3 =	simm.s32 $0x0;
	s5 =	sshrl.u32 s9, $0x3;
	s11 =	sshrl.u32 s30, $0x1  }
0xc: {  	s15 =	sadd.s32 s9, s2;
	s16 =	sadd.s32 $0x9C000, s2;
	[smem:$0x7FF] =	sst s3  }
0xd: {  	s7 =	sadd.s32 s5, s8;
	s11 =	ssub.s32 s30, s11;
	s9 =	sadd.s32 s9, s1  }
0xe: {  	s1 =	sshrl.u32 s1, $0x3;
	s15 =	sshrl.u32 s15, $0x3;
	s16 =	sshrl.u32 @!p0 s16, $0x3  }
0xf: {  	_ =	strace $0x8000004A;
	s6 =	sadd.s32 s4, s8;
	s4 =	sadd.s32 $0x18800, s8  }
0x10: {  	s7 =	sadd.s32 $0x2C200, s7;
	s9 =	sshrl.u32 s9, $0x3;
	s8 =	sadd.s32 $0x3FA00, s8  }
0x11: {  	s1 =	sadd.s32 s10, s1;
	s11 =	smax.u32 s11, $0x1;
	s5 =	sadd.s32 $0xEA00, s6  }
0x12: {  	s6 =	sadd.s32 $0x4C00, s6;
	s9 =	sadd.s32 s10, s9;
	s10 =	sadd.s32 $0x13800, s1  }
.LBB2_1:
0x13: {  	[tilespmem:s3], [sflag:$0x3] =	stream.linear.gather [hbm4b:s5+s3], $0x2710, $0x38;
	[tilespmem:$0x1B260] =	vst v63  }
0x14: {  	_ =	swait.ge [sflag:s12], $0x2710  }
0x15: {  	[sflag:s12] =	ssyncset.done $0x0  }
0x16: {  	s0 =	simm.s32 $0x2710;
	[sflag:s12] =	ssyncadd.s32 $0xFFFFD8F0  }
0x17: {  	[tilespmem:s0], [sflag:$0x3] =	stream.linear.gather [hbm4b:s6+s3], $0x2710, $0x38;
	[tilespmem:$0x1B260] =	vst v63  }
0x18: {  	_ =	swait.ge [sflag:s12], $0x2710  }
0x19: {  	[sflag:s12] =	ssyncset.done $0x0  }
0x1a: {  	[sflag:s12] =	ssyncadd.s32 $0xFFFFD8F0  }
0x1b: {  	[spmem:s15], [sflag:s14] =	dma.local [hbm:s7], $0x1380  }
0x1c: {  	_ =	swait.ge [sflag:s12], $0x1380  }
0x1d: {  	[sflag:s12] =	ssyncset.done $0x0  }
0x1e: {  	s1 =	simm.s32 @!p0 $0x3;
	[sflag:s12] =	ssyncadd.s32 $0xFFFFEC80  }
0x1f: {  	[spmem:s16], [sflag:s14] =	dma.local @!p0 [hbm:s8], $0x80  }
0x20: {  	_ =	swait.ge @!p0 [sflag:s1], $0x80  }
0x21: {  	[sflag:s1] =	ssyncset.done @!p0 $0x0  }
0x22: {  	[sflag:s1] =	ssyncadd.s32 @!p0 $0xFFFFFF80  }
0x23: {  	[bflag:$0x0] =	sbarrier.arrive $0xFFFF  }
0x24: {  	[tilespmem:s18], [sflag:$0x1] =	stream.indirect.gather [hbm4b:s4+s17], $0x40, s3, s17, $0xb8;
	[tilespmem:$0x1B260] =	vst v63  }
0x25: {  	_ = 	snop  }
0x26: {  	[tilespmem:s19], [sflag:$0x1] =	stream.indirect.gather [hbm4b:s4+s17], $0x40, s17, s17, $0xb8;
	[tilespmem:$0x1B260] =	vst v63  }
0x27: {  	_ = 	snop  }
0x28: {  	[tilespmem:s21], [sflag:$0x1] =	stream.indirect.gather [hbm4b:s4+s17], $0x40, s20, s17, $0xb8;
	[tilespmem:$0x1B260] =	vst v63  }
0x29: {  	_ = 	snop  }
0x2a: {  	[tilespmem:s23], [sflag:$0x1] =	stream.indirect.gather [hbm4b:s4+s17], $0x40, s22, s17, $0xb8;
	[tilespmem:$0x1B260] =	vst v63  }
0x2b: {  	s30 =	simm.s32 $0x190;
	s31 =	simm.s32 $0x2710;
	s1 =	simm.s32 $0x0  }
0x2c: {  	[tilespmem:s25], [sflag:$0x1] =	stream.indirect.gather [hbm4b:s4+s17], $0x40, s24, s17, $0xb8;
	[tilespmem:$0x1B260] =	vst v63  }
.LBB2_2:
0x2d: {  	s0 =	smul.u32 $0xCD, s1;
	_ =	sdelay $0x1  }
0x2e: {  	s0 =	sshrl.u32 s0, $0xB  }
0x2f: {  	s0 =	sand.u32 $0x1F, s0  }
0x30: {  	s0 =	smul.u32 $0xA, s0;
	_ =	sdelay $0x1  }
0x31: {  	s0 =	ssub.s32 s1, s0  }
0x32: {  	s0 =	sand.u32 $0xFF, s0  }
0x33: {  	s0 =	smul.u32 $0x5000, s0  }
0x34: {  	_ =	swait.ge [sflag:s26], $0x1400  }
0x35: {  	[sflag:s26] =	ssyncset.done $0x0;
	s0 =	sshrl.u32 s0, $0x2  }
0x36: {  	p1 =	slt.u32 s1, $0x5;
	[sflag:s26] =	ssyncadd.s32 $0xFFFFEC00;
	s0 =	sadd.s32 $0x4E20, s0  }
0x37: {  	[spmem:s2] =	stream.indirect.scatter.add.f32 [tilespmem:s0], [sflag:$0x2], $0x40, s31, s17, $0xb8;
	[tilespmem:$0x1B260] =	vst v63  }
0x38: {  	s0 =	simm.s32 @!p1 $0x2  }
0x39: {  	p2 =	sgt.u32 @!p1 s1, $0x77;
	_ =	swait.ge @!p1 [sflag:s0], $0x1400  }
0x3a: {  	p2 =	por p1, !p2;
	[sflag:s0] =	ssyncset.done @!p1 $0x0  }
0x3b: {  	[sflag:s0] =	ssyncadd.s32 @!p1 $0xFFFFEC00;
	s0 =	sadd.s32 @p2 $0x5, s1  }
0x3c: {  	s13 =	smul.u32 @p2 $0xCD, s0;
	_ =	sdelay $0x1  }
0x3d: {  	s13 =	sshrl.u32 @p2 s13, $0xB  }
0x3e: {  	s13 =	sand.u32 @p2 $0x1F, s13  }
0x3f: {  	s13 =	smul.u32 @p2 $0xA, s13;
	_ =	sdelay $0x1  }
0x40: {  	s0 =	ssub.s32 @p2 s0, s13  }
0x41: {  	s1 =	sadd.s32 $0x1, s1;
	s0 =	sand.u32 @p2 $0xFF, s0  }
0x42: {  	p1 =	sne.s32 s1, $0x7D;
	s0 =	smul.u32 @p2 $0x5000, s0  }
.Ltmp0:
0x43: {  	_ = 	snop;
	(pc) =	sbr.rel @p1 .LBB2_2-.Ltmp0, $4  }
0x44: {  	s0 =	sshrl.u32 @p2 s0, $0x2  }
0x45: {  	s0 =	sadd.s32 @p2 $0x4E20, s0  }
0x46: {  	[tilespmem:s0], [sflag:$0x1] =	stream.indirect.gather @p2 [hbm4b:s4+s17], $0x40, s30, s17, $0xb8;
	[tilespmem:$0x1B260] =	vst v63  }
0x47: {  	s31 =	sadd.s32 $0x50, s31;
	s30 =	sadd.s32 $0x50, s30  }
0x48: {  	_ =	swait.ge [sflag:s28], $0x1400  }
0x49: {  	[sflag:s28] =	ssyncset.done $0x0  }
0x4a: {  	[sflag:s28] =	ssyncadd.s32 $0xFFFFEC00  }
0x4b: {  	_ =	swait.ge [sflag:s28], $0x1400  }
0x4c: {  	[sflag:s28] =	ssyncset.done $0x0  }
0x4d: {  	[sflag:s28] =	ssyncadd.s32 $0xFFFFEC00  }
0x4e: {  	_ =	swait.ge [sflag:s28], $0x1400  }
0x4f: {  	[sflag:s28] =	ssyncset.done $0x0  }
0x50: {  	[sflag:s28] =	ssyncadd.s32 $0xFFFFEC00  }
0x51: {  	_ =	swait.ge [sflag:s28], $0x1400  }
0x52: {  	[sflag:s28] =	ssyncset.done $0x0  }
0x53: {  	[sflag:s28] =	ssyncadd.s32 $0xFFFFEC00  }
0x54: {  	_ =	swait.ge [sflag:s28], $0x1400  }
0x55: {  	[sflag:s28] =	ssyncset.done $0x0  }
0x56: {  	[sflag:s28] =	ssyncadd.s32 $0xFFFFEC00  }
0x57: {  	[bflag:$0x0] =	sbarrier.arrive $0xFFFF  }
0x58: {  	[hbm:s9], [sflag:s14] =	dma.local [spmem:s15], $0x1380  }
0x59: {  	s29 =	sadd.s32 $0x1, s29;
	_ =	swait.ge [sflag:s12], $0x1380  }
0x5a: {  	p1 =	sne.s32 s29, s11;
	[sflag:s12] =	ssyncset.done $0x0  }
.Ltmp1:
0x5b: {  	s0 =	simm.s32 @!p0 $0x3;
	[sflag:s12] =	ssyncadd.s32 $0xFFFFEC80;
	(pc) =	sbr.rel @p1 .LBB2_1-.Ltmp1, $4  }
0x5c: {  	[hbm:s10], [sflag:s14] =	dma.local @!p0 [spmem:s16], $0x80  }
0x5d: {  	_ =	swait.ge @!p0 [sflag:s0], $0x80  }
0x5e: {  	[sflag:s0] =	ssyncset.done @!p0 $0x0  }
0x5f: {  	[sflag:s0] =	ssyncadd.s32 @!p0 $0xFFFFFF80  }
0x60: {  	_ =	sfence.sel $0x180000  }
0x61: {  	[bflag:$0x0] =	sbarrier.arrive $0xFFFF  }
0x62: {  	_ =	strace $0x9000004A  }
0x63: {  	s0 =	stileid.u32;
	[bflag:$0x2] =	sbarrier.arrive $0xFFFF  }
0x64: {  	p0 =	sne.s32 s0, $0x0;
	s0 =	rddreg [dreg:$0x2]  }
0x65: {  	s0 =	sadd.s32 @!p0 $0x100000, s0  }
0x66: {  	[sflag:s0] =	ssyncadd.tile.s32 @!p0 $0x1;
	_ =	shalt  }
.Lfunc_end2:
_tile_overlayer_lowered:
.L_overlay_start_2:
0x67: {  	(tag) =	ssettag $0x2  }
0x68: {  	s0 =	rddreg [dreg:$0x0];
	s2 =	stileid.u32  }
0x69: {  	s1 =	rddreg [dreg:$0x1];
	p0 =	sne.s32 s2, $0x0  }
0x6a: {  	s3 =	rddreg [dreg:$0x2];
	[bflag:$0x3] =	sbarrier.arrive $0xFFFF;
	s2 =	simm.s32 @!p0 $0x1C03  }
0x6b: {  	[timem:s3], [sflag:s2] =	dma.local @!p0 [hbm:s0], s1  }
0x6c: {  	s0 =	simm.s32 @!p0 $0x3  }
0x6d: {  	_ =	swait.ge @!p0 [sflag:s0], s1  }
0x6e: {  	s1 =	ssub.s32 @!p0 $0x0, s1;
	[sflag:s0] =	ssyncset.done @!p0 $0x0  }
0x6f: {  	[sflag:s0] =	ssyncadd.s32 @!p0 s1  }
0x70: {  	[bflag:$0x3] =	sbarrier.arrive $0xFFFF  }
0x71: {  	_ =	shalt  }

// kernel: kernel.19.cloned.1.call-start
scs
__scs_entry_jumppad:
0x0: {  	(pc) =	sbr.rel $0x88, $3  }
0x1: {  	(tag) =	ssettag $0x0;
	lr =	simm.s32 $0x1  }
0x2: {  	[smem:$0x3F92] =	sst lr;
	_ =	strace $0xD0000000  }
0x3: {  	_ = 	snop  }
0x4: {  	_ = 	snop  }
0x5: {  	_ = 	snop  }
0x6: {  	_ = 	snop  }
0x7: {  	_ = 	snop  }
__scs_overlays_trampoline_lowered:
0x8: {  	[smem:$0x3FA1] =	sst s0  }
0x9: {  	[smem:$0x3FA2] =	sst s1  }
0xa: {  	[smem:$0x3FA3] =	sst s2  }
0xb: {  	[smem:$0x3FA4] =	sst s3  }
0xc: {  	[smem:$0x3FA5] =	sst s4  }
0xd: {  	[smem:$0x3FA6] =	sst s5  }
0xe: {  	[smem:$0x3FA7] =	sst s6  }
0xf: {  	[smem:$0x3FA8] =	sst s7  }
0x10: {  	[smem:$0x3FA9] =	sst s8  }
0x11: {  	[smem:$0x3FAA] =	sst s9;
	s0 =	simm.s32 @!p0 $0x0  }
0x12: {  	s1 =	sld [smem:$0x3F90];
	s0 =	simm.s32 @p0 $0x1  }
0x13: {  	[smem:$0x3FAB] =	sst s0;
	s0 =	simm.s32 @!p1 $0x0  }
0x14: {  	s2 =	sld [smem:$0x3F8F];
	s0 =	simm.s32 @p1 $0x1  }
0x15: {  	[smem:$0x3FAC] =	sst s0;
	s0 =	simm.s32 @!p2 $0x0  }
0x16: {  	s3 =	sld [smem:$0x3FDB];
	s0 =	simm.s32 @p2 $0x1  }
0x17: {  	s4 =	simm.s32 $0x1BF5;
	[smem:$0x3FAE] =	sst s0  }
0x18: {  	s0 =	sld [smem:$0x3F91];
	_ =	swait.ge [sflag:s4], $0x0  }
0x19: {  	s7 =	sld [smem:$0x3F92]  }
0x1a: {  	s8 =	sadd.s32 $0xFFFFE003, lr  }
0x1b: {  	s9 =	sadd.s32 $0xFFFFFEF7, lr;
	s5 =	simm.s32 $0xFFFFFFFF;
	p2 =	slt.u32 s8, $0xFFFFF086  }
0x1c: {  	p1 =	slt.u32 s9, $0xF7A;
	s5 =	simm.s32 @!p2 $0x0  }
0x1d: {  	s5 =	simm.s32 @p1 $0x1;
	p0 =	seq.s32 s7, s2  }
0x1e: {  	s7 =	smul.u32 @!p0 $0xF7A, s2;
	p2 =	seq.s32 @!p0 s5, $0x0  }
0x1f: {  	s9 =	smul.u32 $0xF7A, s1;
	s8 =	simm.s32 @!p0 $0x1BF5;
	p2 =	por !p2, p0  }
0x20: {  	[sflag:s8] =	ssyncset.s32 @!p0 $0xFFFFF086;
	s6 =	sadd.s32 @!p0 s3, s7;
	s7 =	simm.s32 @!p0 $0x108  }
0x21: {  	s3 =	sadd.s32 s3, s9;
	s6 =	sadd.s32 @!p0 $0x88, s6;
	s7 =	simm.s32 @p2 $0x1082  }
0x22: {  	[simem:s7], [sflag:s8] =	dma.local @!p0 [hbm:s6], $0xF7A  }
0x23: {  	s9 =	sor.u32 $0xD0000000, s2;
	s6 =	simm.s32 $0x108;
	_ =	swait.ge @!p0 [sflag:s8], $0x0  }
0x24: {  	s3 =	sadd.s32 $0x88, s3;
	s6 =	simm.s32 @!p1 $0x1082;
	[sflag:s4] =	ssyncset.s32 $0xFFFFF086  }
0x25: {  	[simem:s6], [sflag:s4] =	dma.local [hbm:s3], $0xF7A  }
0x26: {  	[smem:$0x3F92] =	sst s1;
	(tag) =	ssettag s2;
	_ =	strace s9  }
0x27: {  	s1 =	sld [smem:$0x3FA2]  }
0x28: {  	s2 =	sld [smem:$0x3FA3]  }
0x29: {  	s4 =	sld [smem:$0x3FA5]  }
0x2a: {  	p0 =	seq.s32 s5, $0x0;
	s5 =	sld [smem:$0x3FA6]  }
0x2b: {  	s6 =	sld [smem:$0x3FA7]  }
0x2c: {  	s7 =	sld [smem:$0x3FA8]  }
0x2d: {  	s3 =	simm.s32 $0x108;
	s8 =	sld [smem:$0x3FA9]  }
0x2e: {  	s3 =	simm.s32 @!p0 $0x1082;
	s9 =	sld [smem:$0x3FAA]  }
0x2f: {  	lr =	sadd.s32 s0, s3;
	s0 =	sld [smem:$0x3FA1]  }
0x30: {  	s3 =	sld [smem:$0x3FA4]  }
0x31: {  	[smem:$0x3FAD] =	sst s10  }
0x32: {  	s10 =	sld [smem:$0x3FAB];
	_ =	sdelay $0x3  }
0x33: {  	p0 =	seq.s32 s10, $0x1;
	s10 =	sld [smem:$0x3FAD];
	_ =	sdelay $0x3  }
0x34: {  	[smem:$0x3FAD] =	sst s10  }
0x35: {  	s10 =	sld [smem:$0x3FAC];
	_ =	sdelay $0x3  }
0x36: {  	p1 =	seq.s32 s10, $0x1;
	s10 =	sld [smem:$0x3FAD];
	_ =	sdelay $0x3  }
0x37: {  	[smem:$0x3FAD] =	sst s10  }
0x38: {  	s10 =	sld [smem:$0x3FAE]  }
0x39: {  	_ = 	snop;
	(pc) =	sbr.ind lr, $3  }
0x3a: {  	_ = 	snop  }
0x3b: {  	_ = 	snop  }
0x3c: {  	p2 =	seq.s32 s10, $0x1;
	s10 =	sld [smem:$0x3FAD]  }
0x3d: {  	_ =	shalt  }
0x3e: {  	_ =	shalt  }
0x3f: {  	_ =	shalt  }
0x40: {  	_ =	shalt  }
0x41: {  	_ =	shalt  }
0x42: {  	_ =	shalt  }
0x43: {  	_ =	shalt  }
0x44: {  	_ =	shalt  }
0x45: {  	_ =	shalt  }
0x46: {  	_ =	shalt  }
0x47: {  	_ =	shalt  }
0x48: {  	_ =	shalt  }
0x49: {  	_ =	shalt  }
0x4a: {  	_ =	shalt  }
0x4b: {  	_ =	shalt  }
0x4c: {  	_ =	shalt  }
0x4d: {  	_ =	shalt  }
0x4e: {  	_ =	shalt  }
0x4f: {  	_ =	shalt  }
0x50: {  	_ =	shalt  }
0x51: {  	_ =	shalt  }
0x52: {  	_ =	shalt  }
0x53: {  	_ =	shalt  }
0x54: {  	_ =	shalt  }
0x55: {  	_ =	shalt  }
0x56: {  	_ =	shalt  }
0x57: {  	_ =	shalt  }
0x58: {  	_ =	shalt  }
0x59: {  	_ =	shalt  }
0x5a: {  	_ =	shalt  }
0x5b: {  	_ =	shalt  }
0x5c: {  	_ =	shalt  }
0x5d: {  	_ =	shalt  }
0x5e: {  	_ =	shalt  }
0x5f: {  	_ =	shalt  }
0x60: {  	_ =	shalt  }
0x61: {  	_ =	shalt  }
0x62: {  	_ =	shalt  }
0x63: {  	_ =	shalt  }
0x64: {  	_ =	shalt  }
0x65: {  	_ =	shalt  }
0x66: {  	_ =	shalt  }
0x67: {  	_ =	shalt  }
0x68: {  	_ =	shalt  }
0x69: {  	_ =	shalt  }
0x6a: {  	_ =	shalt  }
0x6b: {  	_ =	shalt  }
0x6c: {  	_ =	shalt  }
0x6d: {  	_ =	shalt  }
0x6e: {  	_ =	shalt  }
0x6f: {  	_ =	shalt  }
0x70: {  	_ =	shalt  }
0x71: {  	_ =	shalt  }
0x72: {  	_ =	shalt  }
0x73: {  	_ =	shalt  }
0x74: {  	_ =	shalt  }
0x75: {  	_ =	shalt  }
0x76: {  	_ =	shalt  }
0x77: {  	_ =	shalt  }
0x78: {  	_ =	shalt  }
0x79: {  	_ =	shalt  }
0x7a: {  	_ =	shalt  }
0x7b: {  	_ =	shalt  }
0x7c: {  	_ =	shalt  }
0x7d: {  	_ =	shalt  }
0x7e: {  	_ =	shalt  }
0x7f: {  	_ =	shalt  }
0x80: {  	_ =	shalt  }
0x81: {  	_ =	shalt  }
0x82: {  	_ =	shalt  }
0x83: {  	_ =	shalt  }
0x84: {  	_ =	shalt  }
0x85: {  	_ =	shalt  }
0x86: {  	_ =	shalt  }
0x87: {  	_ =	shalt  }
.Lfunc_end0:
.L_simem_size_0:
called_computation.2_lowered:
.L_overlay_start_0:
0x88: {  	s2 =	sld [smem:$0x3FD9]  }
0x89: {  	s3 =	sld [smem:$0x3FFE];
	_ =	sdelay $0x1  }
0x8a: {  	s1 =	srdreg.scid  }
0x8b: {  	s0 =	sand.u32 $0x1, s1  }
0x8c: {  	s16 =	sshll.u32 s0, $0xA;
	s2 =	sadd.s32 s3, s2  }
0x8d: {  	s2 =	sadd.s32 s2, s16  }
0x8e: {  	[smem:$0x3FB9] =	sst s2  }
0x8f: {  	_ = 	snop  }
0x90: {  	(tm) =	ssettm $0x1  }
0x91: {  	s17 =	sld [smem:$0x3FFB];
	_ =	sdelay $0x3  }
0x92: {  	_ =	strace s17  }
0x93: {  	s2 =	sld [smem:$0x3FFC];
	_ =	sdelay $0x3  }
0x94: {  	_ =	strace s2  }
0x95: {  	s2 =	sld [smem:$0x3FFD];
	_ =	sdelay $0x3  }
0x96: {  	_ =	strace s2  }
0x97: {  	_ =	strace $0x8FFFFFFF  }
0x98: {  	s18 =	sld [smem:$0x3FDB];
	_ =	sdelay $0x1  }
0x99: {  	s19 =	simm.s32 $_scs_section_size  }
0x9a: {  	s4 =	simm.s32 $_size__tile_overlayer_lowered;
	s5 =	simm.s32 $_tile_overlayer_lowered  }
0x9b: {  	s22 =	simm.s32 $0x1BFF;
	s21 =	sshll.u32 s5, $0x1;
	s2 =	sadd.s32 s19, s18  }
0x9c: {  	s6 =	simm.s32 $0x0;
	s20 =	sshll.u32 s4, $0x1;
	s4 =	sadd.s32 s21, s2  }
0x9d: {  	[timem:s6], [sflag:s22] =	dma.local [hbm:s4], s20  }
0x9e: {  	_ =	swait.ge [sflag:s22], s20  }
0x9f: {  	s3 =	ssub.s32 $0x0, s20;
	[sflag:s22] =	ssyncset.done $0x0  }
0xa0: {  	[sflag:s22] =	ssyncadd.s32 s3;
	_ =	sdelay $0x1  }
0xa1: {  	s23 =	simm.s32 $0x1B8B  }
0xa2: {  	_ =	swait.ge [sflag:s23], $0x1  }
0xa3: {  	[sflag:s23] =	ssyncset.done $0x0  }
0xa4: {  	s25 =	simm.s32 $0x1B8E;
	s24 =	sld [smem:$0x3FFE];
	[sflag:s23] =	ssyncadd.s32 $0xFFFFFFFF  }
0xa5: {  	s26 =	simm.s32 $execute0_lowered;
	[smem:$0x3FD2] =	sst s25  }
0xa6: {  	s4 =	sshll.u32 s26, $0x1;
	_ =	strace $0x8000004C;
	[dreg:$0x1] =	wrdreg $0xFFFFFFFF  }
0xa7: {  	s28 =	simm.s32 $_size_execute0_lowered;
	s2 =	sadd.s32 s2, s4;
	[dreg:$0x0] =	wrdreg $0x0  }
0xa8: {  	s4 =	sshll.u32 s28, $0x1;
	[dreg:$0x2] =	wrdreg s2  }
0xa9: {  	[dreg:$0x3] =	wrdreg s4  }
0xaa: {  	[dreg:$0x4] =	wrdreg $0xC0  }
0xab: {  	_ =	task [dreg:s6], $0x5FFFF  }
0xac: {  	[dreg:$0x1] =	wrdreg $0xFFFFFFFF  }
0xad: {  	[dreg:$0x0] =	wrdreg $0x60  }
0xae: {  	[dreg:$0x2] =	wrdreg s24  }
0xaf: {  	[dreg:$0x3] =	wrdreg $0x116200  }
0xb0: {  	[dreg:$0x4] =	wrdreg $0x9  }
0xb1: {  	_ =	task.clear_ibuf [dreg:s6], $0x5FFFF;
	_ =	strace $0x9000004C  }
0xb2: {  	s29 =	simm.s32 $0x9;
	_ =	strace $0x8000004E  }
0xb3: {  	_ =	swait.ge [sflag:s29], $0x1  }
0xb4: {  	[sflag:s29] =	ssyncadd.s32 $0xFFFFFFFF  }
0xb5: {  	_ =	strace $0x9000004E  }
0xb6: {  	_ =	sfence  }
0xb7: {  	s30 =	sld [smem:$0x0];
	_ =	sdelay $0x2  }
0xb8: {  	s31 =	sshll.u32 s1, $0xD;
	s1 =	sshrl.u32 s1, $0x2  }
0xb9: {  	s3 =	sand.u32 $0x4000, s31;
	s1 =	sadd.s32 s1, s30  }
0xba: {  	s0 =	sor.u32 s3, s0;
	s1 =	sshll.u32 s1, $0x11  }
0xbb: {  	s0 =	sor.u32 s1, s0  }
0xbc: {  	s0 =	sadd.s32 $0x8F2B, s0  }
0xbd: {  	[sflag:s0] =	ssyncadd.remote.s32 $0x1  }
0xbe: {  	_ =	sfence.sel $0xFFFF  }
0xbf: {  	[dreg:$0x0] =	wrdreg $0xFFFFFFFF;
	(pc) =	sbr.abs _section_cstart, $3  }
0xc0: {  	[dreg:$0x1] =	wrdreg $0xFFFFFFFF  }
0xc1: {  	_ =	task.clear_ibuf [dreg:s6], $0x2FFFF;
	_ =	strace $0x9FFFFFFF  }
0xc2: {  	(tm) =	ssettm $0x7FFFFFFF  }
0xc3: {  	_ =	shalt  }
tec
execute0_lowered:
.L_overlay_start_1:
0x0: {  	(tag) =	ssettag $0x1  }
0x1: {  	s1 =	srdreg.scid  }
0x2: {  	s0 =	stileid.u32;
	s8 =	rddreg [dreg:$0x0];
	s12 =	simm.s32 $0x3  }
0x3: {  	s17 =	simm.s32 $0x50;
	s18 =	simm.s32 $0x4E20;
	s19 =	simm.s32 $0x6220  }
0x4: {  	s20 =	simm.s32 $0xA0;
	s21 =	simm.s32 $0x7620;
	s22 =	simm.s32 $0xF0  }
0x5: {  	s23 =	simm.s32 $0x8A20;
	s24 =	simm.s32 $0x140;
	s25 =	simm.s32 $0x9E20  }
0x6: {  	s26 =	simm.s32 $0x1;
	s28 =	simm.s32 $0x2;
	s29 =	simm.s32 $0x0  }
0x7: {  	s1 =	sand.u32 $0x1, s1;
	s2 =	sshll.u32 s0, $0x1;
	s9 =	smul.u32 $0x9C00, s0  }
0x8: {  	s10 =	sadd.s32 $0x3FC00, s8;
	p0 =	sne.s32 s0, $0xF;
	s31 =	sshll.u32 s0, $0x6  }
0x9: {  	s3 =	sor.u32 s1, s2;
	s30 =	ssub.s32 $0x2, s1;
	s1 =	smul.u32 $0x9C400, s1  }
0xa: {  	s2 =	rddreg [dreg:$0x1];
	s14 =	sor.u32 $0x1C03, s31;
	s4 =	smul.u32 $0x4E2, s3  }
0xb: {  	s3 =	simm.s32 $0x0;
	s5 =	sshrl.u32 s9, $0x3;
	s11 =	sshrl.u32 s30, $0x1  }
0xc: {  	s15 =	sadd.s32 s9, s2;
	s16 =	sadd.s32 $0x9C000, s2;
	[smem:$0x7FF] =	sst s3  }
0xd: {  	s7 =	sadd.s32 s5, s8;
	s11 =	ssub.s32 s30, s11;
	s9 =	sadd.s32 s9, s1  }
0xe: {  	s1 =	sshrl.u32 s1, $0x3;
	s15 =	sshrl.u32 s15, $0x3;
	s16 =	sshrl.u32 @!p0 s16, $0x3  }
0xf: {  	_ =	strace $0x8000004D;
	s6 =	sadd.s32 s4, s8;
	s4 =	sadd.s32 $0x18800, s8  }
0x10: {  	s7 =	sadd.s32 $0x2C200, s7;
	s9 =	sshrl.u32 s9, $0x3;
	s8 =	sadd.s32 $0x3FA00, s8  }
0x11: {  	s1 =	sadd.s32 s10, s1;
	s11 =	smax.u32 s11, $0x1;
	s5 =	sadd.s32 $0xEA00, s6  }
0x12: {  	s6 =	sadd.s32 $0x4C00, s6;
	s9 =	sadd.s32 s10, s9;
	s10 =	sadd.s32 $0x13800, s1  }
.LBB2_1:
0x13: {  	[tilespmem:s3], [sflag:$0x3] =	stream.linear.gather [hbm4b:s5+s3], $0x2710, $0x38;
	[tilespmem:$0x1B260] =	vst v63  }
0x14: {  	_ =	swait.ge [sflag:s12], $0x2710  }
0x15: {  	[sflag:s12] =	ssyncset.done $0x0  }
0x16: {  	s0 =	simm.s32 $0x2710;
	[sflag:s12] =	ssyncadd.s32 $0xFFFFD8F0  }
0x17: {  	[tilespmem:s0], [sflag:$0x3] =	stream.linear.gather [hbm4b:s6+s3], $0x2710, $0x38;
	[tilespmem:$0x1B260] =	vst v63  }
0x18: {  	_ =	swait.ge [sflag:s12], $0x2710  }
0x19: {  	[sflag:s12] =	ssyncset.done $0x0  }
0x1a: {  	[sflag:s12] =	ssyncadd.s32 $0xFFFFD8F0  }
0x1b: {  	[spmem:s15], [sflag:s14] =	dma.local [hbm:s7], $0x1380  }
0x1c: {  	_ =	swait.ge [sflag:s12], $0x1380  }
0x1d: {  	[sflag:s12] =	ssyncset.done $0x0  }
0x1e: {  	s1 =	simm.s32 @!p0 $0x3;
	[sflag:s12] =	ssyncadd.s32 $0xFFFFEC80  }
0x1f: {  	[spmem:s16], [sflag:s14] =	dma.local @!p0 [hbm:s8], $0x80  }
0x20: {  	_ =	swait.ge @!p0 [sflag:s1], $0x80  }
0x21: {  	[sflag:s1] =	ssyncset.done @!p0 $0x0  }
0x22: {  	[sflag:s1] =	ssyncadd.s32 @!p0 $0xFFFFFF80  }
0x23: {  	[bflag:$0x0] =	sbarrier.arrive $0xFFFF  }
0x24: {  	[tilespmem:s18], [sflag:$0x1] =	stream.indirect.gather [hbm4b:s4+s17], $0x40, s3, s17, $0xb8;
	[tilespmem:$0x1B260] =	vst v63  }
0x25: {  	_ = 	snop  }
0x26: {  	[tilespmem:s19], [sflag:$0x1] =	stream.indirect.gather [hbm4b:s4+s17], $0x40, s17, s17, $0xb8;
	[tilespmem:$0x1B260] =	vst v63  }
0x27: {  	_ = 	snop  }
0x28: {  	[tilespmem:s21], [sflag:$0x1] =	stream.indirect.gather [hbm4b:s4+s17], $0x40, s20, s17, $0xb8;
	[tilespmem:$0x1B260] =	vst v63  }
0x29: {  	_ = 	snop  }
0x2a: {  	[tilespmem:s23], [sflag:$0x1] =	stream.indirect.gather [hbm4b:s4+s17], $0x40, s22, s17, $0xb8;
	[tilespmem:$0x1B260] =	vst v63  }
0x2b: {  	s30 =	simm.s32 $0x190;
	s31 =	simm.s32 $0x2710;
	s1 =	simm.s32 $0x0  }
0x2c: {  	[tilespmem:s25], [sflag:$0x1] =	stream.indirect.gather [hbm4b:s4+s17], $0x40, s24, s17, $0xb8;
	[tilespmem:$0x1B260] =	vst v63  }
.LBB2_2:
0x2d: {  	s0 =	smul.u32 $0xCD, s1;
	_ =	sdelay $0x1  }
0x2e: {  	s0 =	sshrl.u32 s0, $0xB  }
0x2f: {  	s0 =	sand.u32 $0x1F, s0  }
0x30: {  	s0 =	smul.u32 $0xA, s0;
	_ =	sdelay $0x1  }
0x31: {  	s0 =	ssub.s32 s1, s0  }
0x32: {  	s0 =	sand.u32 $0xFF, s0  }
0x33: {  	s0 =	smul.u32 $0x5000, s0  }
0x34: {  	_ =	swait.ge [sflag:s26], $0x1400  }
0x35: {  	[sflag:s26] =	ssyncset.done $0x0;
	s0 =	sshrl.u32 s0, $0x2  }
0x36: {  	p1 =	slt.u32 s1, $0x5;
	[sflag:s26] =	ssyncadd.s32 $0xFFFFEC00;
	s0 =	sadd.s32 $0x4E20, s0  }
0x37: {  	[spmem:s2] =	stream.indirect.scatter.add.f32 [tilespmem:s0], [sflag:$0x2], $0x40, s31, s17, $0xb8;
	[tilespmem:$0x1B260] =	vst v63  }
0x38: {  	s0 =	simm.s32 @!p1 $0x2  }
0x39: {  	p2 =	sgt.u32 @!p1 s1, $0x77;
	_ =	swait.ge @!p1 [sflag:s0], $0x1400  }
0x3a: {  	p2 =	por p1, !p2;
	[sflag:s0] =	ssyncset.done @!p1 $0x0  }
0x3b: {  	[sflag:s0] =	ssyncadd.s32 @!p1 $0xFFFFEC00;
	s0 =	sadd.s32 @p2 $0x5, s1  }
0x3c: {  	s13 =	smul.u32 @p2 $0xCD, s0;
	_ =	sdelay $0x1  }
0x3d: {  	s13 =	sshrl.u32 @p2 s13, $0xB  }
0x3e: {  	s13 =	sand.u32 @p2 $0x1F, s13  }
0x3f: {  	s13 =	smul.u32 @p2 $0xA, s13;
	_ =	sdelay $0x1  }
0x40: {  	s0 =	ssub.s32 @p2 s0, s13  }
0x41: {  	s1 =	sadd.s32 $0x1, s1;
	s0 =	sand.u32 @p2 $0xFF, s0  }
0x42: {  	p1 =	sne.s32 s1, $0x7D;
	s0 =	smul.u32 @p2 $0x5000, s0  }
.Ltmp0:
0x43: {  	_ = 	snop;
	(pc) =	sbr.rel @p1 .LBB2_2-.Ltmp0, $4  }
0x44: {  	s0 =	sshrl.u32 @p2 s0, $0x2  }
0x45: {  	s0 =	sadd.s32 @p2 $0x4E20, s0  }
0x46: {  	[tilespmem:s0], [sflag:$0x1] =	stream.indirect.gather @p2 [hbm4b:s4+s17], $0x40, s30, s17, $0xb8;
	[tilespmem:$0x1B260] =	vst v63  }
0x47: {  	s31 =	sadd.s32 $0x50, s31;
	s30 =	sadd.s32 $0x50, s30  }
0x48: {  	_ =	swait.ge [sflag:s28], $0x1400  }
0x49: {  	[sflag:s28] =	ssyncset.done $0x0  }
0x4a: {  	[sflag:s28] =	ssyncadd.s32 $0xFFFFEC00  }
0x4b: {  	_ =	swait.ge [sflag:s28], $0x1400  }
0x4c: {  	[sflag:s28] =	ssyncset.done $0x0  }
0x4d: {  	[sflag:s28] =	ssyncadd.s32 $0xFFFFEC00  }
0x4e: {  	_ =	swait.ge [sflag:s28], $0x1400  }
0x4f: {  	[sflag:s28] =	ssyncset.done $0x0  }
0x50: {  	[sflag:s28] =	ssyncadd.s32 $0xFFFFEC00  }
0x51: {  	_ =	swait.ge [sflag:s28], $0x1400  }
0x52: {  	[sflag:s28] =	ssyncset.done $0x0  }
0x53: {  	[sflag:s28] =	ssyncadd.s32 $0xFFFFEC00  }
0x54: {  	_ =	swait.ge [sflag:s28], $0x1400  }
0x55: {  	[sflag:s28] =	ssyncset.done $0x0  }
0x56: {  	[sflag:s28] =	ssyncadd.s32 $0xFFFFEC00  }
0x57: {  	[bflag:$0x0] =	sbarrier.arrive $0xFFFF  }
0x58: {  	[hbm:s9], [sflag:s14] =	dma.local [spmem:s15], $0x1380  }
0x59: {  	s29 =	sadd.s32 $0x1, s29;
	_ =	swait.ge [sflag:s12], $0x1380  }
0x5a: {  	p1 =	sne.s32 s29, s11;
	[sflag:s12] =	ssyncset.done $0x0  }
.Ltmp1:
0x5b: {  	s0 =	simm.s32 @!p0 $0x3;
	[sflag:s12] =	ssyncadd.s32 $0xFFFFEC80;
	(pc) =	sbr.rel @p1 .LBB2_1-.Ltmp1, $4  }
0x5c: {  	[hbm:s10], [sflag:s14] =	dma.local @!p0 [spmem:s16], $0x80  }
0x5d: {  	_ =	swait.ge @!p0 [sflag:s0], $0x80  }
0x5e: {  	[sflag:s0] =	ssyncset.done @!p0 $0x0  }
0x5f: {  	[sflag:s0] =	ssyncadd.s32 @!p0 $0xFFFFFF80  }
0x60: {  	_ =	sfence.sel $0x180000  }
0x61: {  	[bflag:$0x0] =	sbarrier.arrive $0xFFFF  }
0x62: {  	_ =	strace $0x9000004D  }
0x63: {  	s0 =	stileid.u32;
	[bflag:$0x2] =	sbarrier.arrive $0xFFFF  }
0x64: {  	p0 =	sne.s32 s0, $0x0;
	s0 =	rddreg [dreg:$0x2]  }
0x65: {  	s0 =	sadd.s32 @!p0 $0x100000, s0  }
0x66: {  	[sflag:s0] =	ssyncadd.tile.s32 @!p0 $0x1;
	_ =	shalt  }
.Lfunc_end2:
_tile_overlayer_lowered:
.L_overlay_start_2:
0x67: {  	(tag) =	ssettag $0x2  }
0x68: {  	s0 =	rddreg [dreg:$0x0];
	s2 =	stileid.u32  }
0x69: {  	s1 =	rddreg [dreg:$0x1];
	p0 =	sne.s32 s2, $0x0  }
0x6a: {  	s3 =	rddreg [dreg:$0x2];
	[bflag:$0x3] =	sbarrier.arrive $0xFFFF;
	s2 =	simm.s32 @!p0 $0x1C03  }
0x6b: {  	[timem:s3], [sflag:s2] =	dma.local @!p0 [hbm:s0], s1  }
0x6c: {  	s0 =	simm.s32 @!p0 $0x3  }
0x6d: {  	_ =	swait.ge @!p0 [sflag:s0], s1  }
0x6e: {  	s1 =	ssub.s32 @!p0 $0x0, s1;
	[sflag:s0] =	ssyncset.done @!p0 $0x0  }
0x6f: {  	[sflag:s0] =	ssyncadd.s32 @!p0 s1  }
0x70: {  	[bflag:$0x3] =	sbarrier.arrive $0xFFFF  }
0x71: {  	_ =	shalt  }

// kernel: kernel.22.cloned.1.call-start
scs
__scs_entry_jumppad:
0x0: {  	(pc) =	sbr.rel $0x88, $3  }
0x1: {  	(tag) =	ssettag $0x0;
	lr =	simm.s32 $0x1  }
0x2: {  	[smem:$0x3F92] =	sst lr;
	_ =	strace $0xD0000000  }
0x3: {  	_ = 	snop  }
0x4: {  	_ = 	snop  }
0x5: {  	_ = 	snop  }
0x6: {  	_ = 	snop  }
0x7: {  	_ = 	snop  }
__scs_overlays_trampoline_lowered:
0x8: {  	[smem:$0x3FA1] =	sst s0  }
0x9: {  	[smem:$0x3FA2] =	sst s1  }
0xa: {  	[smem:$0x3FA3] =	sst s2  }
0xb: {  	[smem:$0x3FA4] =	sst s3  }
0xc: {  	[smem:$0x3FA5] =	sst s4  }
0xd: {  	[smem:$0x3FA6] =	sst s5  }
0xe: {  	[smem:$0x3FA7] =	sst s6  }
0xf: {  	[smem:$0x3FA8] =	sst s7  }
0x10: {  	[smem:$0x3FA9] =	sst s8  }
0x11: {  	[smem:$0x3FAA] =	sst s9;
	s0 =	simm.s32 @!p0 $0x0  }
0x12: {  	s1 =	sld [smem:$0x3F90];
	s0 =	simm.s32 @p0 $0x1  }
0x13: {  	[smem:$0x3FAB] =	sst s0;
	s0 =	simm.s32 @!p1 $0x0  }
0x14: {  	s2 =	sld [smem:$0x3F8F];
	s0 =	simm.s32 @p1 $0x1  }
0x15: {  	[smem:$0x3FAC] =	sst s0;
	s0 =	simm.s32 @!p2 $0x0  }
0x16: {  	s3 =	sld [smem:$0x3FDB];
	s0 =	simm.s32 @p2 $0x1  }
0x17: {  	s4 =	simm.s32 $0x1BF5;
	[smem:$0x3FAE] =	sst s0  }
0x18: {  	s0 =	sld [smem:$0x3F91];
	_ =	swait.ge [sflag:s4], $0x0  }
0x19: {  	s7 =	sld [smem:$0x3F92]  }
0x1a: {  	s8 =	sadd.s32 $0xFFFFE003, lr  }
0x1b: {  	s9 =	sadd.s32 $0xFFFFFEF7, lr;
	s5 =	simm.s32 $0xFFFFFFFF;
	p2 =	slt.u32 s8, $0xFFFFF086  }
0x1c: {  	p1 =	slt.u32 s9, $0xF7A;
	s5 =	simm.s32 @!p2 $0x0  }
0x1d: {  	s5 =	simm.s32 @p1 $0x1;
	p0 =	seq.s32 s7, s2  }
0x1e: {  	s7 =	smul.u32 @!p0 $0xF7A, s2;
	p2 =	seq.s32 @!p0 s5, $0x0  }
0x1f: {  	s9 =	smul.u32 $0xF7A, s1;
	s8 =	simm.s32 @!p0 $0x1BF5;
	p2 =	por !p2, p0  }
0x20: {  	[sflag:s8] =	ssyncset.s32 @!p0 $0xFFFFF086;
	s6 =	sadd.s32 @!p0 s3, s7;
	s7 =	simm.s32 @!p0 $0x108  }
0x21: {  	s3 =	sadd.s32 s3, s9;
	s6 =	sadd.s32 @!p0 $0x88, s6;
	s7 =	simm.s32 @p2 $0x1082  }
0x22: {  	[simem:s7], [sflag:s8] =	dma.local @!p0 [hbm:s6], $0xF7A  }
0x23: {  	s9 =	sor.u32 $0xD0000000, s2;
	s6 =	simm.s32 $0x108;
	_ =	swait.ge @!p0 [sflag:s8], $0x0  }
0x24: {  	s3 =	sadd.s32 $0x88, s3;
	s6 =	simm.s32 @!p1 $0x1082;
	[sflag:s4] =	ssyncset.s32 $0xFFFFF086  }
0x25: {  	[simem:s6], [sflag:s4] =	dma.local [hbm:s3], $0xF7A  }
0x26: {  	[smem:$0x3F92] =	sst s1;
	(tag) =	ssettag s2;
	_ =	strace s9  }
0x27: {  	s1 =	sld [smem:$0x3FA2]  }
0x28: {  	s2 =	sld [smem:$0x3FA3]  }
0x29: {  	s4 =	sld [smem:$0x3FA5]  }
0x2a: {  	p0 =	seq.s32 s5, $0x0;
	s5 =	sld [smem:$0x3FA6]  }
0x2b: {  	s6 =	sld [smem:$0x3FA7]  }
0x2c: {  	s7 =	sld [smem:$0x3FA8]  }
0x2d: {  	s3 =	simm.s32 $0x108;
	s8 =	sld [smem:$0x3FA9]  }
0x2e: {  	s3 =	simm.s32 @!p0 $0x1082;
	s9 =	sld [smem:$0x3FAA]  }
0x2f: {  	lr =	sadd.s32 s0, s3;
	s0 =	sld [smem:$0x3FA1]  }
0x30: {  	s3 =	sld [smem:$0x3FA4]  }
0x31: {  	[smem:$0x3FAD] =	sst s10  }
0x32: {  	s10 =	sld [smem:$0x3FAB];
	_ =	sdelay $0x3  }
0x33: {  	p0 =	seq.s32 s10, $0x1;
	s10 =	sld [smem:$0x3FAD];
	_ =	sdelay $0x3  }
0x34: {  	[smem:$0x3FAD] =	sst s10  }
0x35: {  	s10 =	sld [smem:$0x3FAC];
	_ =	sdelay $0x3  }
0x36: {  	p1 =	seq.s32 s10, $0x1;
	s10 =	sld [smem:$0x3FAD];
	_ =	sdelay $0x3  }
0x37: {  	[smem:$0x3FAD] =	sst s10  }
0x38: {  	s10 =	sld [smem:$0x3FAE]  }
0x39: {  	_ = 	snop;
	(pc) =	sbr.ind lr, $3  }
0x3a: {  	_ = 	snop  }
0x3b: {  	_ = 	snop  }
0x3c: {  	p2 =	seq.s32 s10, $0x1;
	s10 =	sld [smem:$0x3FAD]  }
0x3d: {  	_ =	shalt  }
0x3e: {  	_ =	shalt  }
0x3f: {  	_ =	shalt  }
0x40: {  	_ =	shalt  }
0x41: {  	_ =	shalt  }
0x42: {  	_ =	shalt  }
0x43: {  	_ =	shalt  }
0x44: {  	_ =	shalt  }
0x45: {  	_ =	shalt  }
0x46: {  	_ =	shalt  }
0x47: {  	_ =	shalt  }
0x48: {  	_ =	shalt  }
0x49: {  	_ =	shalt  }
0x4a: {  	_ =	shalt  }
0x4b: {  	_ =	shalt  }
0x4c: {  	_ =	shalt  }
0x4d: {  	_ =	shalt  }
0x4e: {  	_ =	shalt  }
0x4f: {  	_ =	shalt  }
0x50: {  	_ =	shalt  }
0x51: {  	_ =	shalt  }
0x52: {  	_ =	shalt  }
0x53: {  	_ =	shalt  }
0x54: {  	_ =	shalt  }
0x55: {  	_ =	shalt  }
0x56: {  	_ =	shalt  }
0x57: {  	_ =	shalt  }
0x58: {  	_ =	shalt  }
0x59: {  	_ =	shalt  }
0x5a: {  	_ =	shalt  }
0x5b: {  	_ =	shalt  }
0x5c: {  	_ =	shalt  }
0x5d: {  	_ =	shalt  }
0x5e: {  	_ =	shalt  }
0x5f: {  	_ =	shalt  }
0x60: {  	_ =	shalt  }
0x61: {  	_ =	shalt  }
0x62: {  	_ =	shalt  }
0x63: {  	_ =	shalt  }
0x64: {  	_ =	shalt  }
0x65: {  	_ =	shalt  }
0x66: {  	_ =	shalt  }
0x67: {  	_ =	shalt  }
0x68: {  	_ =	shalt  }
0x69: {  	_ =	shalt  }
0x6a: {  	_ =	shalt  }
0x6b: {  	_ =	shalt  }
0x6c: {  	_ =	shalt  }
0x6d: {  	_ =	shalt  }
0x6e: {  	_ =	shalt  }
0x6f: {  	_ =	shalt  }
0x70: {  	_ =	shalt  }
0x71: {  	_ =	shalt  }
0x72: {  	_ =	shalt  }
0x73: {  	_ =	shalt  }
0x74: {  	_ =	shalt  }
0x75: {  	_ =	shalt  }
0x76: {  	_ =	shalt  }
0x77: {  	_ =	shalt  }
0x78: {  	_ =	shalt  }
0x79: {  	_ =	shalt  }
0x7a: {  	_ =	shalt  }
0x7b: {  	_ =	shalt  }
0x7c: {  	_ =	shalt  }
0x7d: {  	_ =	shalt  }
0x7e: {  	_ =	shalt  }
0x7f: {  	_ =	shalt  }
0x80: {  	_ =	shalt  }
0x81: {  	_ =	shalt  }
0x82: {  	_ =	shalt  }
0x83: {  	_ =	shalt  }
0x84: {  	_ =	shalt  }
0x85: {  	_ =	shalt  }
0x86: {  	_ =	shalt  }
0x87: {  	_ =	shalt  }
.Lfunc_end0:
.L_simem_size_0:
called_computation.3_lowered:
.L_overlay_start_0:
0x88: {  	s2 =	sld [smem:$0x3FD9]  }
0x89: {  	s3 =	sld [smem:$0x3FFE];
	_ =	sdelay $0x1  }
0x8a: {  	s1 =	srdreg.scid  }
0x8b: {  	s0 =	sand.u32 $0x1, s1  }
0x8c: {  	s16 =	sshll.u32 s0, $0xA;
	s2 =	sadd.s32 s3, s2  }
0x8d: {  	s2 =	sadd.s32 s2, s16  }
0x8e: {  	[smem:$0x3FB9] =	sst s2  }
0x8f: {  	_ = 	snop  }
0x90: {  	(tm) =	ssettm $0x1  }
0x91: {  	s17 =	sld [smem:$0x3FFB];
	_ =	sdelay $0x3  }
0x92: {  	_ =	strace s17  }
0x93: {  	s2 =	sld [smem:$0x3FFC];
	_ =	sdelay $0x3  }
0x94: {  	_ =	strace s2  }
0x95: {  	s2 =	sld [smem:$0x3FFD];
	_ =	sdelay $0x3  }
0x96: {  	_ =	strace s2  }
0x97: {  	_ =	strace $0x8FFFFFFF  }
0x98: {  	s18 =	sld [smem:$0x3FDB];
	_ =	sdelay $0x1  }
0x99: {  	s19 =	simm.s32 $_scs_section_size  }
0x9a: {  	s4 =	simm.s32 $_size__tile_overlayer_lowered;
	s5 =	simm.s32 $_tile_overlayer_lowered  }
0x9b: {  	s22 =	simm.s32 $0x1BFF;
	s21 =	sshll.u32 s5, $0x1;
	s2 =	sadd.s32 s19, s18  }
0x9c: {  	s6 =	simm.s32 $0x0;
	s20 =	sshll.u32 s4, $0x1;
	s4 =	sadd.s32 s21, s2  }
0x9d: {  	[timem:s6], [sflag:s22] =	dma.local [hbm:s4], s20  }
0x9e: {  	_ =	swait.ge [sflag:s22], s20  }
0x9f: {  	s3 =	ssub.s32 $0x0, s20;
	[sflag:s22] =	ssyncset.done $0x0  }
0xa0: {  	[sflag:s22] =	ssyncadd.s32 s3;
	_ =	sdelay $0x1  }
0xa1: {  	s23 =	simm.s32 $0x1B8B  }
0xa2: {  	_ =	swait.ge [sflag:s23], $0x1  }
0xa3: {  	[sflag:s23] =	ssyncset.done $0x0  }
0xa4: {  	s25 =	simm.s32 $0x1B8E;
	s24 =	sld [smem:$0x3FFE];
	[sflag:s23] =	ssyncadd.s32 $0xFFFFFFFF  }
0xa5: {  	s26 =	simm.s32 $execute0_lowered;
	[smem:$0x3FD2] =	sst s25  }
0xa6: {  	s4 =	sshll.u32 s26, $0x1;
	_ =	strace $0x8000004F;
	[dreg:$0x1] =	wrdreg $0xFFFFFFFF  }
0xa7: {  	s28 =	simm.s32 $_size_execute0_lowered;
	s2 =	sadd.s32 s2, s4;
	[dreg:$0x0] =	wrdreg $0x0  }
0xa8: {  	s4 =	sshll.u32 s28, $0x1;
	[dreg:$0x2] =	wrdreg s2  }
0xa9: {  	[dreg:$0x3] =	wrdreg s4  }
0xaa: {  	[dreg:$0x4] =	wrdreg $0xC0  }
0xab: {  	_ =	task [dreg:s6], $0x5FFFF  }
0xac: {  	[dreg:$0x1] =	wrdreg $0xFFFFFFFF  }
0xad: {  	[dreg:$0x0] =	wrdreg $0x60  }
0xae: {  	[dreg:$0x2] =	wrdreg s24  }
0xaf: {  	[dreg:$0x3] =	wrdreg $0xB2200  }
0xb0: {  	[dreg:$0x4] =	wrdreg $0x9  }
0xb1: {  	_ =	task.clear_ibuf [dreg:s6], $0x5FFFF;
	_ =	strace $0x9000004F  }
0xb2: {  	s29 =	simm.s32 $0x9;
	_ =	strace $0x80000051  }
0xb3: {  	_ =	swait.ge [sflag:s29], $0x1  }
0xb4: {  	[sflag:s29] =	ssyncadd.s32 $0xFFFFFFFF  }
0xb5: {  	_ =	strace $0x90000051  }
0xb6: {  	_ =	sfence  }
0xb7: {  	s30 =	sld [smem:$0x0];
	_ =	sdelay $0x2  }
0xb8: {  	s31 =	sshll.u32 s1, $0xD;
	s1 =	sshrl.u32 s1, $0x2  }
0xb9: {  	s3 =	sand.u32 $0x4000, s31;
	s1 =	sadd.s32 s1, s30  }
0xba: {  	s0 =	sor.u32 s3, s0;
	s1 =	sshll.u32 s1, $0x11  }
0xbb: {  	s0 =	sor.u32 s1, s0  }
0xbc: {  	s0 =	sadd.s32 $0x8F2B, s0  }
0xbd: {  	[sflag:s0] =	ssyncadd.remote.s32 $0x1  }
0xbe: {  	_ =	sfence.sel $0xFFFF  }
0xbf: {  	[dreg:$0x0] =	wrdreg $0xFFFFFFFF;
	(pc) =	sbr.abs _section_cstart, $3  }
0xc0: {  	[dreg:$0x1] =	wrdreg $0xFFFFFFFF  }
0xc1: {  	_ =	task.clear_ibuf [dreg:s6], $0x2FFFF;
	_ =	strace $0x9FFFFFFF  }
0xc2: {  	(tm) =	ssettm $0x7FFFFFFF  }
0xc3: {  	_ =	shalt  }
tec
execute0_lowered:
.L_overlay_start_1:
0x0: {  	(tag) =	ssettag $0x1  }
0x1: {  	s1 =	srdreg.scid  }
0x2: {  	s0 =	stileid.u32;
	s8 =	rddreg [dreg:$0x0];
	s12 =	simm.s32 $0x3  }
0x3: {  	s17 =	simm.s32 $0x50;
	s18 =	simm.s32 $0x4E20;
	s19 =	simm.s32 $0x5820  }
0x4: {  	s20 =	simm.s32 $0xA0;
	s21 =	simm.s32 $0x6220;
	s22 =	simm.s32 $0xF0  }
0x5: {  	s23 =	simm.s32 $0x6C20;
	s24 =	simm.s32 $0x140;
	s25 =	simm.s32 $0x7620  }
0x6: {  	s26 =	simm.s32 $0x1;
	s28 =	simm.s32 $0x2;
	s29 =	simm.s32 $0x0  }
0x7: {  	s1 =	sand.u32 $0x1, s1;
	s2 =	sshll.u32 s0, $0x1;
	s9 =	smul.u32 $0x4E00, s0  }
0x8: {  	s10 =	sadd.s32 $0x2C400, s8;
	p0 =	sne.s32 s0, $0xF;
	s31 =	sshll.u32 s0, $0x6  }
0x9: {  	s3 =	sor.u32 s1, s2;
	s30 =	ssub.s32 $0x2, s1;
	s1 =	smul.u32 $0x4E200, s1  }
0xa: {  	s2 =	rddreg [dreg:$0x1];
	s14 =	sor.u32 $0x1C03, s31;
	s4 =	smul.u32 $0x4E2, s3  }
0xb: {  	s3 =	simm.s32 $0x0;
	s5 =	sshrl.u32 s9, $0x3;
	s11 =	sshrl.u32 s30, $0x1  }
0xc: {  	s15 =	sadd.s32 s9, s2;
	s16 =	sadd.s32 $0x4E000, s2;
	[smem:$0x7FF] =	sst s3  }
0xd: {  	s7 =	sadd.s32 s5, s8;
	s11 =	ssub.s32 s30, s11;
	s9 =	sadd.s32 s9, s1  }
0xe: {  	s1 =	sshrl.u32 s1, $0x3;
	s15 =	sshrl.u32 s15, $0x3;
	s16 =	sshrl.u32 @!p0 s16, $0x3  }
0xf: {  	_ =	strace $0x80000050;
	s6 =	sadd.s32 s4, s8;
	s4 =	sadd.s32 $0x18800, s8  }
0x10: {  	s7 =	sadd.s32 $0x22600, s7;
	s9 =	sshrl.u32 s9, $0x3;
	s8 =	sadd.s32 $0x2C200, s8  }
0x11: {  	s1 =	sadd.s32 s10, s1;
	s11 =	smax.u32 s11, $0x1;
	s5 =	sadd.s32 $0xEA00, s6  }
0x12: {  	s6 =	sadd.s32 $0x4C00, s6;
	s9 =	sadd.s32 s10, s9;
	s10 =	sadd.s32 $0x9C00, s1  }
.LBB2_1:
0x13: {  	[tilespmem:s3], [sflag:$0x3] =	stream.linear.gather [hbm4b:s5+s3], $0x2710, $0x38;
	[tilespmem:$0x10040] =	vst v63  }
0x14: {  	_ =	swait.ge [sflag:s12], $0x2710  }
0x15: {  	[sflag:s12] =	ssyncset.done $0x0  }
0x16: {  	s0 =	simm.s32 $0x2710;
	[sflag:s12] =	ssyncadd.s32 $0xFFFFD8F0  }
0x17: {  	[tilespmem:s0], [sflag:$0x3] =	stream.linear.gather [hbm4b:s6+s3], $0x2710, $0x38;
	[tilespmem:$0x10040] =	vst v63  }
0x18: {  	_ =	swait.ge [sflag:s12], $0x2710  }
0x19: {  	[sflag:s12] =	ssyncset.done $0x0  }
0x1a: {  	[sflag:s12] =	ssyncadd.s32 $0xFFFFD8F0  }
0x1b: {  	[spmem:s15], [sflag:s14] =	dma.local [hbm:s7], $0x9C0  }
0x1c: {  	_ =	swait.ge [sflag:s12], $0x9C0  }
0x1d: {  	[sflag:s12] =	ssyncset.done $0x0  }
0x1e: {  	s1 =	simm.s32 @!p0 $0x3;
	[sflag:s12] =	ssyncadd.s32 $0xFFFFF640  }
0x1f: {  	[spmem:s16], [sflag:s14] =	dma.local @!p0 [hbm:s8], $0x40  }
0x20: {  	_ =	swait.ge @!p0 [sflag:s1], $0x40  }
0x21: {  	[sflag:s1] =	ssyncset.done @!p0 $0x0  }
0x22: {  	[sflag:s1] =	ssyncadd.s32 @!p0 $0xFFFFFFC0  }
0x23: {  	[bflag:$0x0] =	sbarrier.arrive $0xFFFF  }
0x24: {  	[tilespmem:s18], [sflag:$0x1] =	stream.indirect.gather [hbm4b:s4+s17], $0x20, s3, s17, $0xb8;
	[tilespmem:$0x10040] =	vst v63  }
0x25: {  	_ = 	snop  }
0x26: {  	[tilespmem:s19], [sflag:$0x1] =	stream.indirect.gather [hbm4b:s4+s17], $0x20, s17, s17, $0xb8;
	[tilespmem:$0x10040] =	vst v63  }
0x27: {  	_ = 	snop  }
0x28: {  	[tilespmem:s21], [sflag:$0x1] =	stream.indirect.gather [hbm4b:s4+s17], $0x20, s20, s17, $0xb8;
	[tilespmem:$0x10040] =	vst v63  }
0x29: {  	_ = 	snop  }
0x2a: {  	[tilespmem:s23], [sflag:$0x1] =	stream.indirect.gather [hbm4b:s4+s17], $0x20, s22, s17, $0xb8;
	[tilespmem:$0x10040] =	vst v63  }
0x2b: {  	s30 =	simm.s32 $0x190;
	s31 =	simm.s32 $0x2710;
	s1 =	simm.s32 $0x0  }
0x2c: {  	[tilespmem:s25], [sflag:$0x1] =	stream.indirect.gather [hbm4b:s4+s17], $0x20, s24, s17, $0xb8;
	[tilespmem:$0x10040] =	vst v63  }
.LBB2_2:
0x2d: {  	s0 =	smul.u32 $0xCD, s1;
	_ =	sdelay $0x1  }
0x2e: {  	s0 =	sshrl.u32 s0, $0xB  }
0x2f: {  	s0 =	sand.u32 $0x1F, s0  }
0x30: {  	s0 =	smul.u32 $0xA, s0;
	_ =	sdelay $0x1  }
0x31: {  	s0 =	ssub.s32 s1, s0  }
0x32: {  	s0 =	sand.u32 $0xFF, s0  }
0x33: {  	s0 =	smul.u32 $0x2800, s0  }
0x34: {  	_ =	swait.ge [sflag:s26], $0xA00  }
0x35: {  	[sflag:s26] =	ssyncset.done $0x0;
	s0 =	sshrl.u32 s0, $0x2  }
0x36: {  	p1 =	slt.u32 s1, $0x5;
	[sflag:s26] =	ssyncadd.s32 $0xFFFFF600;
	s0 =	sadd.s32 $0x4E20, s0  }
0x37: {  	[spmem:s2] =	stream.indirect.scatter.add.f32 [tilespmem:s0], [sflag:$0x2], $0x20, s31, s17, $0xb8;
	[tilespmem:$0x10040] =	vst v63  }
0x38: {  	s0 =	simm.s32 @!p1 $0x2  }
0x39: {  	p2 =	sgt.u32 @!p1 s1, $0x77;
	_ =	swait.ge @!p1 [sflag:s0], $0xA00  }
0x3a: {  	p2 =	por p1, !p2;
	[sflag:s0] =	ssyncset.done @!p1 $0x0  }
0x3b: {  	[sflag:s0] =	ssyncadd.s32 @!p1 $0xFFFFF600;
	s0 =	sadd.s32 @p2 $0x5, s1  }
0x3c: {  	s13 =	smul.u32 @p2 $0xCD, s0;
	_ =	sdelay $0x1  }
0x3d: {  	s13 =	sshrl.u32 @p2 s13, $0xB  }
0x3e: {  	s13 =	sand.u32 @p2 $0x1F, s13  }
0x3f: {  	s13 =	smul.u32 @p2 $0xA, s13;
	_ =	sdelay $0x1  }
0x40: {  	s0 =	ssub.s32 @p2 s0, s13  }
0x41: {  	s1 =	sadd.s32 $0x1, s1;
	s0 =	sand.u32 @p2 $0xFF, s0  }
0x42: {  	p1 =	sne.s32 s1, $0x7D;
	s0 =	smul.u32 @p2 $0x2800, s0  }
.Ltmp0:
0x43: {  	_ = 	snop;
	(pc) =	sbr.rel @p1 .LBB2_2-.Ltmp0, $4  }
0x44: {  	s0 =	sshrl.u32 @p2 s0, $0x2  }
0x45: {  	s0 =	sadd.s32 @p2 $0x4E20, s0  }
0x46: {  	[tilespmem:s0], [sflag:$0x1] =	stream.indirect.gather @p2 [hbm4b:s4+s17], $0x20, s30, s17, $0xb8;
	[tilespmem:$0x10040] =	vst v63  }
0x47: {  	s31 =	sadd.s32 $0x50, s31;
	s30 =	sadd.s32 $0x50, s30  }
0x48: {  	_ =	swait.ge [sflag:s28], $0xA00  }
0x49: {  	[sflag:s28] =	ssyncset.done $0x0  }
0x4a: {  	[sflag:s28] =	ssyncadd.s32 $0xFFFFF600  }
0x4b: {  	_ =	swait.ge [sflag:s28], $0xA00  }
0x4c: {  	[sflag:s28] =	ssyncset.done $0x0  }
0x4d: {  	[sflag:s28] =	ssyncadd.s32 $0xFFFFF600  }
0x4e: {  	_ =	swait.ge [sflag:s28], $0xA00  }
0x4f: {  	[sflag:s28] =	ssyncset.done $0x0  }
0x50: {  	[sflag:s28] =	ssyncadd.s32 $0xFFFFF600  }
0x51: {  	_ =	swait.ge [sflag:s28], $0xA00  }
0x52: {  	[sflag:s28] =	ssyncset.done $0x0  }
0x53: {  	[sflag:s28] =	ssyncadd.s32 $0xFFFFF600  }
0x54: {  	_ =	swait.ge [sflag:s28], $0xA00  }
0x55: {  	[sflag:s28] =	ssyncset.done $0x0  }
0x56: {  	[sflag:s28] =	ssyncadd.s32 $0xFFFFF600  }
0x57: {  	[bflag:$0x0] =	sbarrier.arrive $0xFFFF  }
0x58: {  	[hbm:s9], [sflag:s14] =	dma.local [spmem:s15], $0x9C0  }
0x59: {  	s29 =	sadd.s32 $0x1, s29;
	_ =	swait.ge [sflag:s12], $0x9C0  }
0x5a: {  	p1 =	sne.s32 s29, s11;
	[sflag:s12] =	ssyncset.done $0x0  }
.Ltmp1:
0x5b: {  	s0 =	simm.s32 @!p0 $0x3;
	[sflag:s12] =	ssyncadd.s32 $0xFFFFF640;
	(pc) =	sbr.rel @p1 .LBB2_1-.Ltmp1, $4  }
0x5c: {  	[hbm:s10], [sflag:s14] =	dma.local @!p0 [spmem:s16], $0x40  }
0x5d: {  	_ =	swait.ge @!p0 [sflag:s0], $0x40  }
0x5e: {  	[sflag:s0] =	ssyncset.done @!p0 $0x0  }
0x5f: {  	[sflag:s0] =	ssyncadd.s32 @!p0 $0xFFFFFFC0  }
0x60: {  	_ =	sfence.sel $0x180000  }
0x61: {  	[bflag:$0x0] =	sbarrier.arrive $0xFFFF  }
0x62: {  	_ =	strace $0x90000050  }
0x63: {  	s0 =	stileid.u32;
	[bflag:$0x2] =	sbarrier.arrive $0xFFFF  }
0x64: {  	p0 =	sne.s32 s0, $0x0;
	s0 =	rddreg [dreg:$0x2]  }
0x65: {  	s0 =	sadd.s32 @!p0 $0x100000, s0  }
0x66: {  	[sflag:s0] =	ssyncadd.tile.s32 @!p0 $0x1;
	_ =	shalt  }
.Lfunc_end2:
_tile_overlayer_lowered:
.L_overlay_start_2:
0x67: {  	(tag) =	ssettag $0x2  }
0x68: {  	s0 =	rddreg [dreg:$0x0];
	s2 =	stileid.u32  }
0x69: {  	s1 =	rddreg [dreg:$0x1];
	p0 =	sne.s32 s2, $0x0  }
0x6a: {  	s3 =	rddreg [dreg:$0x2];
	[bflag:$0x3] =	sbarrier.arrive $0xFFFF;
	s2 =	simm.s32 @!p0 $0x1C03  }
0x6b: {  	[timem:s3], [sflag:s2] =	dma.local @!p0 [hbm:s0], s1  }
0x6c: {  	s0 =	simm.s32 @!p0 $0x3  }
0x6d: {  	_ =	swait.ge @!p0 [sflag:s0], s1  }
0x6e: {  	s1 =	ssub.s32 @!p0 $0x0, s1;
	[sflag:s0] =	ssyncset.done @!p0 $0x0  }
0x6f: {  	[sflag:s0] =	ssyncadd.s32 @!p0 s1  }
0x70: {  	[bflag:$0x3] =	sbarrier.arrive $0xFFFF  }
0x71: {  	_ =	shalt  }

// kernel: kernel.25.cloned.1.call-start
scs
__scs_entry_jumppad:
0x0: {  	(pc) =	sbr.rel $0x88, $3  }
0x1: {  	(tag) =	ssettag $0x0;
	lr =	simm.s32 $0x1  }
0x2: {  	[smem:$0x3F92] =	sst lr;
	_ =	strace $0xD0000000  }
0x3: {  	_ = 	snop  }
0x4: {  	_ = 	snop  }
0x5: {  	_ = 	snop  }
0x6: {  	_ = 	snop  }
0x7: {  	_ = 	snop  }
__scs_overlays_trampoline_lowered:
0x8: {  	[smem:$0x3FA1] =	sst s0  }
0x9: {  	[smem:$0x3FA2] =	sst s1  }
0xa: {  	[smem:$0x3FA3] =	sst s2  }
0xb: {  	[smem:$0x3FA4] =	sst s3  }
0xc: {  	[smem:$0x3FA5] =	sst s4  }
0xd: {  	[smem:$0x3FA6] =	sst s5  }
0xe: {  	[smem:$0x3FA7] =	sst s6  }
0xf: {  	[smem:$0x3FA8] =	sst s7  }
0x10: {  	[smem:$0x3FA9] =	sst s8  }
0x11: {  	[smem:$0x3FAA] =	sst s9;
	s0 =	simm.s32 @!p0 $0x0  }
0x12: {  	s1 =	sld [smem:$0x3F90];
	s0 =	simm.s32 @p0 $0x1  }
0x13: {  	[smem:$0x3FAB] =	sst s0;
	s0 =	simm.s32 @!p1 $0x0  }
0x14: {  	s2 =	sld [smem:$0x3F8F];
	s0 =	simm.s32 @p1 $0x1  }
0x15: {  	[smem:$0x3FAC] =	sst s0;
	s0 =	simm.s32 @!p2 $0x0  }
0x16: {  	s3 =	sld [smem:$0x3FDB];
	s0 =	simm.s32 @p2 $0x1  }
0x17: {  	s4 =	simm.s32 $0x1BF5;
	[smem:$0x3FAE] =	sst s0  }
0x18: {  	s0 =	sld [smem:$0x3F91];
	_ =	swait.ge [sflag:s4], $0x0  }
0x19: {  	s7 =	sld [smem:$0x3F92]  }
0x1a: {  	s8 =	sadd.s32 $0xFFFFE003, lr  }
0x1b: {  	s9 =	sadd.s32 $0xFFFFFEF7, lr;
	s5 =	simm.s32 $0xFFFFFFFF;
	p2 =	slt.u32 s8, $0xFFFFF086  }
0x1c: {  	p1 =	slt.u32 s9, $0xF7A;
	s5 =	simm.s32 @!p2 $0x0  }
0x1d: {  	s5 =	simm.s32 @p1 $0x1;
	p0 =	seq.s32 s7, s2  }
0x1e: {  	s7 =	smul.u32 @!p0 $0xF7A, s2;
	p2 =	seq.s32 @!p0 s5, $0x0  }
0x1f: {  	s9 =	smul.u32 $0xF7A, s1;
	s8 =	simm.s32 @!p0 $0x1BF5;
	p2 =	por !p2, p0  }
0x20: {  	[sflag:s8] =	ssyncset.s32 @!p0 $0xFFFFF086;
	s6 =	sadd.s32 @!p0 s3, s7;
	s7 =	simm.s32 @!p0 $0x108  }
0x21: {  	s3 =	sadd.s32 s3, s9;
	s6 =	sadd.s32 @!p0 $0x88, s6;
	s7 =	simm.s32 @p2 $0x1082  }
0x22: {  	[simem:s7], [sflag:s8] =	dma.local @!p0 [hbm:s6], $0xF7A  }
0x23: {  	s9 =	sor.u32 $0xD0000000, s2;
	s6 =	simm.s32 $0x108;
	_ =	swait.ge @!p0 [sflag:s8], $0x0  }
0x24: {  	s3 =	sadd.s32 $0x88, s3;
	s6 =	simm.s32 @!p1 $0x1082;
	[sflag:s4] =	ssyncset.s32 $0xFFFFF086  }
0x25: {  	[simem:s6], [sflag:s4] =	dma.local [hbm:s3], $0xF7A  }
0x26: {  	[smem:$0x3F92] =	sst s1;
	(tag) =	ssettag s2;
	_ =	strace s9  }
0x27: {  	s1 =	sld [smem:$0x3FA2]  }
0x28: {  	s2 =	sld [smem:$0x3FA3]  }
0x29: {  	s4 =	sld [smem:$0x3FA5]  }
0x2a: {  	p0 =	seq.s32 s5, $0x0;
	s5 =	sld [smem:$0x3FA6]  }
0x2b: {  	s6 =	sld [smem:$0x3FA7]  }
0x2c: {  	s7 =	sld [smem:$0x3FA8]  }
0x2d: {  	s3 =	simm.s32 $0x108;
	s8 =	sld [smem:$0x3FA9]  }
0x2e: {  	s3 =	simm.s32 @!p0 $0x1082;
	s9 =	sld [smem:$0x3FAA]  }
0x2f: {  	lr =	sadd.s32 s0, s3;
	s0 =	sld [smem:$0x3FA1]  }
0x30: {  	s3 =	sld [smem:$0x3FA4]  }
0x31: {  	[smem:$0x3FAD] =	sst s10  }
0x32: {  	s10 =	sld [smem:$0x3FAB];
	_ =	sdelay $0x3  }
0x33: {  	p0 =	seq.s32 s10, $0x1;
	s10 =	sld [smem:$0x3FAD];
	_ =	sdelay $0x3  }
0x34: {  	[smem:$0x3FAD] =	sst s10  }
0x35: {  	s10 =	sld [smem:$0x3FAC];
	_ =	sdelay $0x3  }
0x36: {  	p1 =	seq.s32 s10, $0x1;
	s10 =	sld [smem:$0x3FAD];
	_ =	sdelay $0x3  }
0x37: {  	[smem:$0x3FAD] =	sst s10  }
0x38: {  	s10 =	sld [smem:$0x3FAE]  }
0x39: {  	_ = 	snop;
	(pc) =	sbr.ind lr, $3  }
0x3a: {  	_ = 	snop  }
0x3b: {  	_ = 	snop  }
0x3c: {  	p2 =	seq.s32 s10, $0x1;
	s10 =	sld [smem:$0x3FAD]  }
0x3d: {  	_ =	shalt  }
0x3e: {  	_ =	shalt  }
0x3f: {  	_ =	shalt  }
0x40: {  	_ =	shalt  }
0x41: {  	_ =	shalt  }
0x42: {  	_ =	shalt  }
0x43: {  	_ =	shalt  }
0x44: {  	_ =	shalt  }
0x45: {  	_ =	shalt  }
0x46: {  	_ =	shalt  }
0x47: {  	_ =	shalt  }
0x48: {  	_ =	shalt  }
0x49: {  	_ =	shalt  }
0x4a: {  	_ =	shalt  }
0x4b: {  	_ =	shalt  }
0x4c: {  	_ =	shalt  }
0x4d: {  	_ =	shalt  }
0x4e: {  	_ =	shalt  }
0x4f: {  	_ =	shalt  }
0x50: {  	_ =	shalt  }
0x51: {  	_ =	shalt  }
0x52: {  	_ =	shalt  }
0x53: {  	_ =	shalt  }
0x54: {  	_ =	shalt  }
0x55: {  	_ =	shalt  }
0x56: {  	_ =	shalt  }
0x57: {  	_ =	shalt  }
0x58: {  	_ =	shalt  }
0x59: {  	_ =	shalt  }
0x5a: {  	_ =	shalt  }
0x5b: {  	_ =	shalt  }
0x5c: {  	_ =	shalt  }
0x5d: {  	_ =	shalt  }
0x5e: {  	_ =	shalt  }
0x5f: {  	_ =	shalt  }
0x60: {  	_ =	shalt  }
0x61: {  	_ =	shalt  }
0x62: {  	_ =	shalt  }
0x63: {  	_ =	shalt  }
0x64: {  	_ =	shalt  }
0x65: {  	_ =	shalt  }
0x66: {  	_ =	shalt  }
0x67: {  	_ =	shalt  }
0x68: {  	_ =	shalt  }
0x69: {  	_ =	shalt  }
0x6a: {  	_ =	shalt  }
0x6b: {  	_ =	shalt  }
0x6c: {  	_ =	shalt  }
0x6d: {  	_ =	shalt  }
0x6e: {  	_ =	shalt  }
0x6f: {  	_ =	shalt  }
0x70: {  	_ =	shalt  }
0x71: {  	_ =	shalt  }
0x72: {  	_ =	shalt  }
0x73: {  	_ =	shalt  }
0x74: {  	_ =	shalt  }
0x75: {  	_ =	shalt  }
0x76: {  	_ =	shalt  }
0x77: {  	_ =	shalt  }
0x78: {  	_ =	shalt  }
0x79: {  	_ =	shalt  }
0x7a: {  	_ =	shalt  }
0x7b: {  	_ =	shalt  }
0x7c: {  	_ =	shalt  }
0x7d: {  	_ =	shalt  }
0x7e: {  	_ =	shalt  }
0x7f: {  	_ =	shalt  }
0x80: {  	_ =	shalt  }
0x81: {  	_ =	shalt  }
0x82: {  	_ =	shalt  }
0x83: {  	_ =	shalt  }
0x84: {  	_ =	shalt  }
0x85: {  	_ =	shalt  }
0x86: {  	_ =	shalt  }
0x87: {  	_ =	shalt  }
.Lfunc_end0:
.L_simem_size_0:
called_computation.4_lowered:
.L_overlay_start_0:
0x88: {  	s2 =	sld [smem:$0x3FD9]  }
0x89: {  	s3 =	sld [smem:$0x3FFE];
	_ =	sdelay $0x1  }
0x8a: {  	s1 =	srdreg.scid  }
0x8b: {  	s0 =	sand.u32 $0x1, s1  }
0x8c: {  	s16 =	sshll.u32 s0, $0xA;
	s2 =	sadd.s32 s3, s2  }
0x8d: {  	s2 =	sadd.s32 s2, s16  }
0x8e: {  	[smem:$0x3FB9] =	sst s2  }
0x8f: {  	_ = 	snop  }
0x90: {  	(tm) =	ssettm $0x1  }
0x91: {  	s17 =	sld [smem:$0x3FFB];
	_ =	sdelay $0x3  }
0x92: {  	_ =	strace s17  }
0x93: {  	s2 =	sld [smem:$0x3FFC];
	_ =	sdelay $0x3  }
0x94: {  	_ =	strace s2  }
0x95: {  	s2 =	sld [smem:$0x3FFD];
	_ =	sdelay $0x3  }
0x96: {  	_ =	strace s2  }
0x97: {  	_ =	strace $0x8FFFFFFF  }
0x98: {  	s18 =	sld [smem:$0x3FDB];
	_ =	sdelay $0x1  }
0x99: {  	s19 =	simm.s32 $_scs_section_size  }
0x9a: {  	s4 =	simm.s32 $_size__tile_overlayer_lowered;
	s5 =	simm.s32 $_tile_overlayer_lowered  }
0x9b: {  	s22 =	simm.s32 $0x1BFF;
	s21 =	sshll.u32 s5, $0x1;
	s2 =	sadd.s32 s19, s18  }
0x9c: {  	s6 =	simm.s32 $0x0;
	s20 =	sshll.u32 s4, $0x1;
	s4 =	sadd.s32 s21, s2  }
0x9d: {  	[timem:s6], [sflag:s22] =	dma.local [hbm:s4], s20  }
0x9e: {  	_ =	swait.ge [sflag:s22], s20  }
0x9f: {  	s3 =	ssub.s32 $0x0, s20;
	[sflag:s22] =	ssyncset.done $0x0  }
0xa0: {  	[sflag:s22] =	ssyncadd.s32 s3;
	_ =	sdelay $0x1  }
0xa1: {  	s23 =	simm.s32 $0x1B8B  }
0xa2: {  	_ =	swait.ge [sflag:s23], $0x1  }
0xa3: {  	[sflag:s23] =	ssyncset.done $0x0  }
0xa4: {  	s25 =	simm.s32 $0x1B8E;
	s24 =	sld [smem:$0x3FFE];
	[sflag:s23] =	ssyncadd.s32 $0xFFFFFFFF  }
0xa5: {  	s26 =	simm.s32 $execute0_lowered;
	[smem:$0x3FD2] =	sst s25  }
0xa6: {  	s4 =	sshll.u32 s26, $0x1;
	_ =	strace $0x80000052;
	[dreg:$0x1] =	wrdreg $0xFFFFFFFF  }
0xa7: {  	s28 =	simm.s32 $_size_execute0_lowered;
	s2 =	sadd.s32 s2, s4;
	[dreg:$0x0] =	wrdreg $0x0  }
0xa8: {  	s4 =	sshll.u32 s28, $0x1;
	[dreg:$0x2] =	wrdreg s2  }
0xa9: {  	[dreg:$0x3] =	wrdreg s4  }
0xaa: {  	[dreg:$0x4] =	wrdreg $0xC0  }
0xab: {  	_ =	task [dreg:s6], $0x5FFFF  }
0xac: {  	[dreg:$0x1] =	wrdreg $0xFFFFFFFF  }
0xad: {  	[dreg:$0x0] =	wrdreg $0x60  }
0xae: {  	[dreg:$0x2] =	wrdreg s24  }
0xaf: {  	[dreg:$0x3] =	wrdreg $0xB2200  }
0xb0: {  	[dreg:$0x4] =	wrdreg $0x9  }
0xb1: {  	_ =	task.clear_ibuf [dreg:s6], $0x5FFFF;
	_ =	strace $0x90000052  }
0xb2: {  	s29 =	simm.s32 $0x9;
	_ =	strace $0x80000054  }
0xb3: {  	_ =	swait.ge [sflag:s29], $0x1  }
0xb4: {  	[sflag:s29] =	ssyncadd.s32 $0xFFFFFFFF  }
0xb5: {  	_ =	strace $0x90000054  }
0xb6: {  	_ =	sfence  }
0xb7: {  	s30 =	sld [smem:$0x0];
	_ =	sdelay $0x2  }
0xb8: {  	s31 =	sshll.u32 s1, $0xD;
	s1 =	sshrl.u32 s1, $0x2  }
0xb9: {  	s3 =	sand.u32 $0x4000, s31;
	s1 =	sadd.s32 s1, s30  }
0xba: {  	s0 =	sor.u32 s3, s0;
	s1 =	sshll.u32 s1, $0x11  }
0xbb: {  	s0 =	sor.u32 s1, s0  }
0xbc: {  	s0 =	sadd.s32 $0x8F2B, s0  }
0xbd: {  	[sflag:s0] =	ssyncadd.remote.s32 $0x1  }
0xbe: {  	_ =	sfence.sel $0xFFFF  }
0xbf: {  	[dreg:$0x0] =	wrdreg $0xFFFFFFFF;
	(pc) =	sbr.abs _section_cstart, $3  }
0xc0: {  	[dreg:$0x1] =	wrdreg $0xFFFFFFFF  }
0xc1: {  	_ =	task.clear_ibuf [dreg:s6], $0x2FFFF;
	_ =	strace $0x9FFFFFFF  }
0xc2: {  	(tm) =	ssettm $0x7FFFFFFF  }
0xc3: {  	_ =	shalt  }
tec
execute0_lowered:
.L_overlay_start_1:
0x0: {  	(tag) =	ssettag $0x1  }
0x1: {  	s1 =	srdreg.scid  }
0x2: {  	s0 =	stileid.u32;
	s8 =	rddreg [dreg:$0x0];
	s12 =	simm.s32 $0x3  }
0x3: {  	s17 =	simm.s32 $0x50;
	s18 =	simm.s32 $0x4E20;
	s19 =	simm.s32 $0x5820  }
0x4: {  	s20 =	simm.s32 $0xA0;
	s21 =	simm.s32 $0x6220;
	s22 =	simm.s32 $0xF0  }
0x5: {  	s23 =	simm.s32 $0x6C20;
	s24 =	simm.s32 $0x140;
	s25 =	simm.s32 $0x7620  }
0x6: {  	s26 =	simm.s32 $0x1;
	s28 =	simm.s32 $0x2;
	s29 =	simm.s32 $0x0  }
0x7: {  	s1 =	sand.u32 $0x1, s1;
	s2 =	sshll.u32 s0, $0x1;
	s9 =	smul.u32 $0x4E00, s0  }
0x8: {  	s10 =	sadd.s32 $0x2C400, s8;
	p0 =	sne.s32 s0, $0xF;
	s31 =	sshll.u32 s0, $0x6  }
0x9: {  	s3 =	sor.u32 s1, s2;
	s30 =	ssub.s32 $0x2, s1;
	s1 =	smul.u32 $0x4E200, s1  }
0xa: {  	s2 =	rddreg [dreg:$0x1];
	s14 =	sor.u32 $0x1C03, s31;
	s4 =	smul.u32 $0x4E2, s3  }
0xb: {  	s3 =	simm.s32 $0x0;
	s5 =	sshrl.u32 s9, $0x3;
	s11 =	sshrl.u32 s30, $0x1  }
0xc: {  	s15 =	sadd.s32 s9, s2;
	s16 =	sadd.s32 $0x4E000, s2;
	[smem:$0x7FF] =	sst s3  }
0xd: {  	s7 =	sadd.s32 s5, s8;
	s11 =	ssub.s32 s30, s11;
	s9 =	sadd.s32 s9, s1  }
0xe: {  	s1 =	sshrl.u32 s1, $0x3;
	s15 =	sshrl.u32 s15, $0x3;
	s16 =	sshrl.u32 @!p0 s16, $0x3  }
0xf: {  	_ =	strace $0x80000053;
	s6 =	sadd.s32 s4, s8;
	s4 =	sadd.s32 $0x18800, s8  }
0x10: {  	s7 =	sadd.s32 $0x22600, s7;
	s9 =	sshrl.u32 s9, $0x3;
	s8 =	sadd.s32 $0x2C200, s8  }
0x11: {  	s1 =	sadd.s32 s10, s1;
	s11 =	smax.u32 s11, $0x1;
	s5 =	sadd.s32 $0xEA00, s6  }
0x12: {  	s6 =	sadd.s32 $0x4C00, s6;
	s9 =	sadd.s32 s10, s9;
	s10 =	sadd.s32 $0x9C00, s1  }
.LBB2_1:
0x13: {  	[tilespmem:s3], [sflag:$0x3] =	stream.linear.gather [hbm4b:s5+s3], $0x2710, $0x38;
	[tilespmem:$0x10040] =	vst v63  }
0x14: {  	_ =	swait.ge [sflag:s12], $0x2710  }
0x15: {  	[sflag:s12] =	ssyncset.done $0x0  }
0x16: {  	s0 =	simm.s32 $0x2710;
	[sflag:s12] =	ssyncadd.s32 $0xFFFFD8F0  }
0x17: {  	[tilespmem:s0], [sflag:$0x3] =	stream.linear.gather [hbm4b:s6+s3], $0x2710, $0x38;
	[tilespmem:$0x10040] =	vst v63  }
0x18: {  	_ =	swait.ge [sflag:s12], $0x2710  }
0x19: {  	[sflag:s12] =	ssyncset.done $0x0  }
0x1a: {  	[sflag:s12] =	ssyncadd.s32 $0xFFFFD8F0  }
0x1b: {  	[spmem:s15], [sflag:s14] =	dma.local [hbm:s7], $0x9C0  }
0x1c: {  	_ =	swait.ge [sflag:s12], $0x9C0  }
0x1d: {  	[sflag:s12] =	ssyncset.done $0x0  }
0x1e: {  	s1 =	simm.s32 @!p0 $0x3;
	[sflag:s12] =	ssyncadd.s32 $0xFFFFF640  }
0x1f: {  	[spmem:s16], [sflag:s14] =	dma.local @!p0 [hbm:s8], $0x40  }
0x20: {  	_ =	swait.ge @!p0 [sflag:s1], $0x40  }
0x21: {  	[sflag:s1] =	ssyncset.done @!p0 $0x0  }
0x22: {  	[sflag:s1] =	ssyncadd.s32 @!p0 $0xFFFFFFC0  }
0x23: {  	[bflag:$0x0] =	sbarrier.arrive $0xFFFF  }
0x24: {  	[tilespmem:s18], [sflag:$0x1] =	stream.indirect.gather [hbm4b:s4+s17], $0x20, s3, s17, $0xb8;
	[tilespmem:$0x10040] =	vst v63  }
0x25: {  	_ = 	snop  }
0x26: {  	[tilespmem:s19], [sflag:$0x1] =	stream.indirect.gather [hbm4b:s4+s17], $0x20, s17, s17, $0xb8;
	[tilespmem:$0x10040] =	vst v63  }
0x27: {  	_ = 	snop  }
0x28: {  	[tilespmem:s21], [sflag:$0x1] =	stream.indirect.gather [hbm4b:s4+s17], $0x20, s20, s17, $0xb8;
	[tilespmem:$0x10040] =	vst v63  }
0x29: {  	_ = 	snop  }
0x2a: {  	[tilespmem:s23], [sflag:$0x1] =	stream.indirect.gather [hbm4b:s4+s17], $0x20, s22, s17, $0xb8;
	[tilespmem:$0x10040] =	vst v63  }
0x2b: {  	s30 =	simm.s32 $0x190;
	s31 =	simm.s32 $0x2710;
	s1 =	simm.s32 $0x0  }
0x2c: {  	[tilespmem:s25], [sflag:$0x1] =	stream.indirect.gather [hbm4b:s4+s17], $0x20, s24, s17, $0xb8;
	[tilespmem:$0x10040] =	vst v63  }
.LBB2_2:
0x2d: {  	s0 =	smul.u32 $0xCD, s1;
	_ =	sdelay $0x1  }
0x2e: {  	s0 =	sshrl.u32 s0, $0xB  }
0x2f: {  	s0 =	sand.u32 $0x1F, s0  }
0x30: {  	s0 =	smul.u32 $0xA, s0;
	_ =	sdelay $0x1  }
0x31: {  	s0 =	ssub.s32 s1, s0  }
0x32: {  	s0 =	sand.u32 $0xFF, s0  }
0x33: {  	s0 =	smul.u32 $0x2800, s0  }
0x34: {  	_ =	swait.ge [sflag:s26], $0xA00  }
0x35: {  	[sflag:s26] =	ssyncset.done $0x0;
	s0 =	sshrl.u32 s0, $0x2  }
0x36: {  	p1 =	slt.u32 s1, $0x5;
	[sflag:s26] =	ssyncadd.s32 $0xFFFFF600;
	s0 =	sadd.s32 $0x4E20, s0  }
0x37: {  	[spmem:s2] =	stream.indirect.scatter.add.f32 [tilespmem:s0], [sflag:$0x2], $0x20, s31, s17, $0xb8;
	[tilespmem:$0x10040] =	vst v63  }
0x38: {  	s0 =	simm.s32 @!p1 $0x2  }
0x39: {  	p2 =	sgt.u32 @!p1 s1, $0x77;
	_ =	swait.ge @!p1 [sflag:s0], $0xA00  }
0x3a: {  	p2 =	por p1, !p2;
	[sflag:s0] =	ssyncset.done @!p1 $0x0  }
0x3b: {  	[sflag:s0] =	ssyncadd.s32 @!p1 $0xFFFFF600;
	s0 =	sadd.s32 @p2 $0x5, s1  }
0x3c: {  	s13 =	smul.u32 @p2 $0xCD, s0;
	_ =	sdelay $0x1  }
0x3d: {  	s13 =	sshrl.u32 @p2 s13, $0xB  }
0x3e: {  	s13 =	sand.u32 @p2 $0x1F, s13  }
0x3f: {  	s13 =	smul.u32 @p2 $0xA, s13;
	_ =	sdelay $0x1  }
0x40: {  	s0 =	ssub.s32 @p2 s0, s13  }
0x41: {  	s1 =	sadd.s32 $0x1, s1;
	s0 =	sand.u32 @p2 $0xFF, s0  }
0x42: {  	p1 =	sne.s32 s1, $0x7D;
	s0 =	smul.u32 @p2 $0x2800, s0  }
.Ltmp0:
0x43: {  	_ = 	snop;
	(pc) =	sbr.rel @p1 .LBB2_2-.Ltmp0, $4  }
0x44: {  	s0 =	sshrl.u32 @p2 s0, $0x2  }
0x45: {  	s0 =	sadd.s32 @p2 $0x4E20, s0  }
0x46: {  	[tilespmem:s0], [sflag:$0x1] =	stream.indirect.gather @p2 [hbm4b:s4+s17], $0x20, s30, s17, $0xb8;
	[tilespmem:$0x10040] =	vst v63  }
0x47: {  	s31 =	sadd.s32 $0x50, s31;
	s30 =	sadd.s32 $0x50, s30  }
0x48: {  	_ =	swait.ge [sflag:s28], $0xA00  }
0x49: {  	[sflag:s28] =	ssyncset.done $0x0  }
0x4a: {  	[sflag:s28] =	ssyncadd.s32 $0xFFFFF600  }
0x4b: {  	_ =	swait.ge [sflag:s28], $0xA00  }
0x4c: {  	[sflag:s28] =	ssyncset.done $0x0  }
0x4d: {  	[sflag:s28] =	ssyncadd.s32 $0xFFFFF600  }
0x4e: {  	_ =	swait.ge [sflag:s28], $0xA00  }
0x4f: {  	[sflag:s28] =	ssyncset.done $0x0  }
0x50: {  	[sflag:s28] =	ssyncadd.s32 $0xFFFFF600  }
0x51: {  	_ =	swait.ge [sflag:s28], $0xA00  }
0x52: {  	[sflag:s28] =	ssyncset.done $0x0  }
0x53: {  	[sflag:s28] =	ssyncadd.s32 $0xFFFFF600  }
0x54: {  	_ =	swait.ge [sflag:s28], $0xA00  }
0x55: {  	[sflag:s28] =	ssyncset.done $0x0  }
0x56: {  	[sflag:s28] =	ssyncadd.s32 $0xFFFFF600  }
0x57: {  	[bflag:$0x0] =	sbarrier.arrive $0xFFFF  }
0x58: {  	[hbm:s9], [sflag:s14] =	dma.local [spmem:s15], $0x9C0  }
0x59: {  	s29 =	sadd.s32 $0x1, s29;
	_ =	swait.ge [sflag:s12], $0x9C0  }
0x5a: {  	p1 =	sne.s32 s29, s11;
	[sflag:s12] =	ssyncset.done $0x0  }
.Ltmp1:
0x5b: {  	s0 =	simm.s32 @!p0 $0x3;
	[sflag:s12] =	ssyncadd.s32 $0xFFFFF640;
	(pc) =	sbr.rel @p1 .LBB2_1-.Ltmp1, $4  }
0x5c: {  	[hbm:s10], [sflag:s14] =	dma.local @!p0 [spmem:s16], $0x40  }
0x5d: {  	_ =	swait.ge @!p0 [sflag:s0], $0x40  }
0x5e: {  	[sflag:s0] =	ssyncset.done @!p0 $0x0  }
0x5f: {  	[sflag:s0] =	ssyncadd.s32 @!p0 $0xFFFFFFC0  }
0x60: {  	_ =	sfence.sel $0x180000  }
0x61: {  	[bflag:$0x0] =	sbarrier.arrive $0xFFFF  }
0x62: {  	_ =	strace $0x90000053  }
0x63: {  	s0 =	stileid.u32;
	[bflag:$0x2] =	sbarrier.arrive $0xFFFF  }
0x64: {  	p0 =	sne.s32 s0, $0x0;
	s0 =	rddreg [dreg:$0x2]  }
0x65: {  	s0 =	sadd.s32 @!p0 $0x100000, s0  }
0x66: {  	[sflag:s0] =	ssyncadd.tile.s32 @!p0 $0x1;
	_ =	shalt  }
.Lfunc_end2:
_tile_overlayer_lowered:
.L_overlay_start_2:
0x67: {  	(tag) =	ssettag $0x2  }
0x68: {  	s0 =	rddreg [dreg:$0x0];
	s2 =	stileid.u32  }
0x69: {  	s1 =	rddreg [dreg:$0x1];
	p0 =	sne.s32 s2, $0x0  }
0x6a: {  	s3 =	rddreg [dreg:$0x2];
	[bflag:$0x3] =	sbarrier.arrive $0xFFFF;
	s2 =	simm.s32 @!p0 $0x1C03  }
0x6b: {  	[timem:s3], [sflag:s2] =	dma.local @!p0 [hbm:s0], s1  }
0x6c: {  	s0 =	simm.s32 @!p0 $0x3  }
0x6d: {  	_ =	swait.ge @!p0 [sflag:s0], s1  }
0x6e: {  	s1 =	ssub.s32 @!p0 $0x0, s1;
	[sflag:s0] =	ssyncset.done @!p0 $0x0  }
0x6f: {  	[sflag:s0] =	ssyncadd.s32 @!p0 s1  }
0x70: {  	[bflag:$0x3] =	sbarrier.arrive $0xFFFF  }
0x71: {  	_ =	shalt  }

</sc_bundles>
